<compile_context>
chip_gen: v7x
topology: tpu7x:2x2x1
jax: 0.10.2.dev20260603
libtpu: 0.0.44.dev20260713+nightly
codegen_flags: <defaults>
</compile_context>

<pallas_src>
import functools

import jax
import jax.numpy as jnp
from jax import lax
from jax.experimental import pallas as pl
from jax.experimental.pallas import tpu as pltpu
from jax.experimental.pallas import tpu_sc as plsc

N, D, E = 4096, 768, 8
B = 256
C = 2 * N + E * B
NB = C // B
NBP = 128
CH = 512
NW = 32
BPW = N // NW
CHD = 64
LANES = 16
WSW = 128

_SC_MESH = plsc.VectorSubcoreMesh(core_axis_name="c", subcore_axis_name="s")


def _gate_kernel(x_ref, Wg_ref, bg_ref, pos0_ref, pos1_ref, v1_ref, v2_ref,
                 emap_ref):
    x = x_ref[...]
    logits = lax.dot_general(
        x, Wg_ref[...], (((1,), (1,)), ((), ())),
        preferred_element_type=jnp.float32) + bg_ref[...][None, :]
    m = logits.max(axis=1, keepdims=True)
    ex = jnp.exp(logits - m)
    probs = ex / ex.sum(axis=1, keepdims=True)

    col = lax.broadcasted_iota(jnp.int32, probs.shape, 1)
    i1 = jnp.argmax(probs, axis=1)[:, None]
    v1 = jnp.max(probs, axis=1, keepdims=True)
    masked = jnp.where(col == i1, -jnp.inf, probs)
    i2 = jnp.argmax(masked, axis=1)[:, None]
    v2 = jnp.max(masked, axis=1, keepdims=True)
    oh0 = (col == i1).astype(jnp.float32)
    oh1 = (col == i2).astype(jnp.float32)

    r = lax.broadcasted_iota(jnp.int32, (CH, CH), 0)
    cidx = lax.broadcasted_iota(jnp.int32, (CH, CH), 1)
    T = (cidx < r).astype(jnp.float32)
    ec0, ec1 = [], []
    carry0 = jnp.zeros((1, E), jnp.float32)
    carry1 = jnp.zeros((1, E), jnp.float32)
    for c in range(N // CH):
        blk0 = oh0[c * CH:(c + 1) * CH]
        blk1 = oh1[c * CH:(c + 1) * CH]
        ec0.append(lax.dot_general(
            T, blk0, (((1,), (0,)), ((), ())),
            preferred_element_type=jnp.float32) + carry0)
        ec1.append(lax.dot_general(
            T, blk1, (((1,), (0,)), ((), ())),
            preferred_element_type=jnp.float32) + carry1)
        carry0 = carry0 + blk0.sum(axis=0, keepdims=True)
        carry1 = carry1 + blk1.sum(axis=0, keepdims=True)
    ec0 = jnp.concatenate(ec0, axis=0)
    ec1 = jnp.concatenate(ec1, axis=0)
    count0 = carry0
    cnt = carry0 + carry1
    pcount = jnp.ceil(cnt / B) * B
    eidx_r = lax.broadcasted_iota(jnp.int32, (E, E), 0)
    eidx_c = lax.broadcasted_iota(jnp.int32, (E, E), 1)
    U = (eidx_r < eidx_c).astype(jnp.float32)
    pbase = lax.dot_general(
        pcount, U, (((1,), (0,)), ((), ())),
        preferred_element_type=jnp.float32)

    pos0 = (oh0 * (pbase + ec0)).sum(axis=1, keepdims=True)
    pos1 = (oh1 * (pbase + count0 + ec1)).sum(axis=1, keepdims=True)
    pos0_ref[...] = jnp.broadcast_to(pos0.astype(jnp.int32), (N, 8))
    pos1_ref[...] = jnp.broadcast_to(pos1.astype(jnp.int32), (N, 8))
    v1_ref[...] = jnp.broadcast_to(v1, (N, WSW))
    v2_ref[...] = jnp.broadcast_to(v2, (N, WSW))

    pend = pbase + pcount
    jb = lax.broadcasted_iota(jnp.int32, (NBP, E), 0).astype(jnp.float32) * B
    emap = (jb >= jnp.broadcast_to(pend, (NBP, E))).astype(jnp.int32)
    emap = jnp.minimum(emap.sum(axis=1, keepdims=True), E - 1)
    emap_ref[...] = jnp.broadcast_to(emap, (NBP, 8))


def _gate(x, Wg, bg):
    return pl.pallas_call(
        _gate_kernel,
        out_shape=(
            jax.ShapeDtypeStruct((N, 8), jnp.int32),
            jax.ShapeDtypeStruct((N, 8), jnp.int32),
            jax.ShapeDtypeStruct((N, WSW), jnp.float32),
            jax.ShapeDtypeStruct((N, WSW), jnp.float32),
            jax.ShapeDtypeStruct((NBP, 8), jnp.int32),
        ),
    )(x, Wg, bg)


@functools.partial(
    pl.kernel,
    out_type=(jax.ShapeDtypeStruct((C, D), jnp.float32),
              jax.ShapeDtypeStruct((C, WSW), jnp.float32)),
    mesh=_SC_MESH,
    scratch_types=[pltpu.VMEM((BPW,), jnp.int32),
                   pltpu.VMEM((BPW,), jnp.int32),
                   pltpu.VMEM((BPW, D), jnp.float32),
                   pltpu.VMEM((BPW, WSW), jnp.float32),
                   pltpu.SemaphoreType.DMA],
)
def _dispatch(x_hbm, pos0_hbm, pos1_hbm, v1_hbm, v2_hbm, xs_hbm, ws_hbm,
              idx0_v, idx1_v, rows_v, w_v, sem):
    wid = lax.axis_index("s") * 2 + lax.axis_index("c")
    base = wid * BPW
    pltpu.sync_copy(pos0_hbm.at[pl.ds(base, BPW)], idx0_v)
    pltpu.sync_copy(pos1_hbm.at[pl.ds(base, BPW)], idx1_v)
    pltpu.sync_copy(x_hbm.at[pl.ds(base, BPW)], rows_v)
    pltpu.async_copy(rows_v, xs_hbm.at[idx0_v], sem).wait()
    pltpu.async_copy(rows_v, xs_hbm.at[idx1_v], sem).wait()
    pltpu.sync_copy(v1_hbm.at[pl.ds(base, BPW)], w_v)
    pltpu.async_copy(w_v, ws_hbm.at[idx0_v], sem).wait()
    pltpu.sync_copy(v2_hbm.at[pl.ds(base, BPW)], w_v)
    pltpu.async_copy(w_v, ws_hbm.at[idx1_v], sem).wait()


def _expert_kernel(emap_ref, xs_ref, W_ref, b_ref, ws_ref, ys_ref):
    h = lax.dot_general(
        xs_ref[...], W_ref[0], (((1,), (1,)), ((), ())),
        preferred_element_type=jnp.float32) + b_ref[0]
    ys_ref[...] = jnp.maximum(h, 0.0) * ws_ref[0][:, 0:1]


def _experts(emap, xs, W, b, ws3):
    grid_spec = pltpu.PrefetchScalarGridSpec(
        num_scalar_prefetch=1,
        grid=(NB,),
        in_specs=[
            pl.BlockSpec((B, D), lambda j, m: (j, 0)),
            pl.BlockSpec((1, D, D), lambda j, m: (m[j], 0, 0)),
            pl.BlockSpec((1, 1, D), lambda j, m: (m[j], 0, 0)),
            pl.BlockSpec((1, B, WSW), lambda j, m: (j, 0, 0)),
        ],
        out_specs=pl.BlockSpec((B, D), lambda j, m: (j, 0)),
    )
    return pl.pallas_call(
        _expert_kernel,
        grid_spec=grid_spec,
        out_shape=jax.ShapeDtypeStruct((C, D), jnp.float32),
    )(emap, xs, W, b.reshape(E, 1, D), ws3)


@functools.partial(
    pl.kernel,
    out_type=jax.ShapeDtypeStruct((N, D), jnp.float32),
    mesh=_SC_MESH,
    scratch_types=[pltpu.VMEM((CHD,), jnp.int32),
                   pltpu.VMEM((CHD,), jnp.int32),
                   pltpu.VMEM((CHD, D), jnp.float32),
                   pltpu.VMEM((CHD, D), jnp.float32),
                   pltpu.SemaphoreType.DMA],
)
def _combine(ys_hbm, pos0_hbm, pos1_hbm, out_hbm, idx0_v, idx1_v, r0_v, r1_v,
             sem):
    wid = lax.axis_index("s") * 2 + lax.axis_index("c")
    for chunk in range(BPW // CHD):
        base = wid * BPW + chunk * CHD
        pltpu.sync_copy(pos0_hbm.at[pl.ds(base, CHD)], idx0_v)
        pltpu.sync_copy(pos1_hbm.at[pl.ds(base, CHD)], idx1_v)
        pltpu.async_copy(ys_hbm.at[idx0_v], r0_v, sem).wait()
        pltpu.async_copy(ys_hbm.at[idx1_v], r1_v, sem).wait()

        def _row(i, _):
            for j in range(D // LANES):
                plsc.addupdate(r0_v.at[i, pl.ds(j * LANES, LANES)],
                               r1_v[i, pl.ds(j * LANES, LANES)])
            return 0

        lax.fori_loop(0, CHD, _row, 0)
        pltpu.sync_copy(r0_v, out_hbm.at[pl.ds(base, CHD)])


@jax.jit
def kernel(x, W, b, Wg, bg):
    pos0b, pos1b, v1b, v2b, emapb = _gate(x, Wg, bg)
    pos0, pos1 = pos0b[:, 0], pos1b[:, 0]
    emap = emapb[:, 0]
    xs, ws = _dispatch(x, pos0, pos1, v1b, v2b)
    ys = _experts(emap, xs, W, b, ws.reshape(NB, B, WSW))
    return _combine(ys, pos0, pos1)

# --- scband reference (transcript-rebuilt; emitter-appended) ---
"""Pipeline reference for scband-mixture-of-experts-23201413333467 (READ-ONLY COPY).

The authoritative reference and input builder live on the scoring server;
editing this copy changes nothing except your own understanding.
"""

import jax, jax.numpy as jnp
import numpy as np

N_TOK = 4096
D = 768
E = 8
TOPK = 2


def setup_inputs(seed: int = 0) -> dict:
    key = jax.random.key(seed)
    k0, k1, k2, k3, k4 = jax.random.split(key, 5)
    x = jax.random.normal(k0, (N_TOK, D), dtype=jnp.float32)
    # expert Linear weights: torch nn.Linear(in_dim, in_dim) -> W[e]: [out=D, in=D], b[e]: [D]
    W = jax.random.normal(k1, (E, D, D), dtype=jnp.float32) * 0.02
    b = jax.random.normal(k2, (E, D), dtype=jnp.float32) * 0.02
    # gate Linear(in_dim, num_experts)
    Wg = jax.random.normal(k3, (E, D), dtype=jnp.float32) * 0.02
    bg = jax.random.normal(k4, (E,), dtype=jnp.float32) * 0.02
    return {"x": x, "W": W, "b": b, "Wg": Wg, "bg": bg}


def reference(x, W, b, Wg, bg):
    # gate_logits = self.gate(x)
    gate_logits = x @ Wg.T + bg  # [N, E]
    gate_weights = jax.nn.softmax(gate_logits, axis=-1)
    # topk over softmax probabilities (matches torch .topk on gate_weights)
    topk_vals, topk_idx = jax.lax.top_k(gate_weights, TOPK)  # [N, TOPK]
    # compute every expert on every token, then gather the routed expert per (token, k).
    # expert e: relu(x @ W[e].T + b[e]); Dropout(0.3) is identity in eval mode.
    all_out = jax.nn.relu(jnp.einsum('nd,efd->enf', x, W) + b[:, None, :])  # [E, N, D]
    outputs = jnp.zeros_like(x)
    tok = jnp.arange(x.shape[0])
    for k in range(TOPK):
        idx = topk_idx[:, k]                # [N] expert id per token
        sel = all_out[idx, tok]             # [N, D] gather routed expert output
        outputs = outputs + topk_vals[:, k][:, None] * sel
    return outputs


if False:  # reference __main__ guard neutralized (emitter)
    inp = setup_inputs()
    out = reference(**inp)
    print(out.shape, out.dtype)

if __name__ == "__main__":
    import jax
    _d = setup_inputs()
    print(jax.jit(kernel)(*tuple(_d.values())))

</pallas_src>

<mosaic_0001>
#map = affine_map<(d0, d1) -> (0, 0)>
#map1 = affine_map<(d0, d1) -> (0)>
module attributes {stable_mosaic.version = 14 : i64} {
  func.func @_dispatch(%arg0: i32, %arg1: i32, %arg2: memref<4096x768xf32, #tpu.memory_space<hbm>>, %arg3: memref<4096xi32, #tpu.memory_space<hbm>>, %arg4: memref<4096xi32, #tpu.memory_space<hbm>>, %arg5: memref<4096x128xf32, #tpu.memory_space<hbm>>, %arg6: memref<4096x128xf32, #tpu.memory_space<hbm>>, %arg7: memref<10240x768xf32, #tpu.memory_space<hbm>>, %arg8: memref<10240x128xf32, #tpu.memory_space<hbm>>, %arg9: memref<128xi32, #tpu.memory_space<vmem>>, %arg10: memref<128xi32, #tpu.memory_space<vmem>>, %arg11: memref<128x768xf32, #tpu.memory_space<vmem>>, %arg12: memref<128x128xf32, #tpu.memory_space<vmem>>, %arg13: memref<!tpu.dma_semaphore, #tpu.memory_space<semaphore_mem>>) attributes {dimension_semantics = [#tpu.dimension_semantics<core_parallel>, #tpu.dimension_semantics<subcore_parallel>], iteration_bounds = array<i64: 2, 16>, scalar_prefetch = 0 : i64, scratch_operands = 5 : i64, tpu.core_type = #tpu.core_type<sc_vector_subcore>, window_params = [{transform_indices = #map}, {transform_indices = #map1}, {transform_indices = #map1}, {transform_indices = #map}, {transform_indices = #map}, {transform_indices = #map}, {transform_indices = #map}]} {
    %mul3A = arith.constant 2 : i32
    %mul3A_0 = arith.muli %arg1, %mul3A : i32
    %add3A = arith.addi %mul3A_0, %arg0 : i32
    %mul3A_1 = arith.constant 128 : i32
    %mul3A_2 = arith.muli %add3A, %mul3A_1 : i32
    "tpu.region"() ({
      %run_scoped3A = tpu.sem_alloc : memref<!tpu.dma_semaphore, #tpu.memory_space<semaphore_mem>>
      %dma_start3A_25 = tpu.memref_slice %arg3[%mul3A_2] : memref<4096xi32, #tpu.memory_space<hbm>> -> memref<128xi32, #tpu.memory_space<hbm>>
      %dma_start3A_26 = tpu.memref_slice %arg3[%mul3A_2] : memref<4096xi32, #tpu.memory_space<hbm>> -> memref<128xi32, #tpu.memory_space<hbm>>
      tpu.enqueue_dma source(%dma_start3A_26 : memref<128xi32, #tpu.memory_space<hbm>>) target(%arg9 : memref<128xi32, #tpu.memory_space<vmem>>) target_semaphore(%run_scoped3A : memref<!tpu.dma_semaphore, #tpu.memory_space<semaphore_mem>>)
      %dma_wait3A_27 = tpu.memref_slice %arg3[%mul3A_2] : memref<4096xi32, #tpu.memory_space<hbm>> -> memref<128xi32, #tpu.memory_space<hbm>>
      %dma_wait3A_28 = tpu.memref_slice %arg3[%mul3A_2] : memref<4096xi32, #tpu.memory_space<hbm>> -> memref<128xi32, #tpu.memory_space<hbm>>
      tpu.wait_dma2 semaphore(%run_scoped3A : memref<!tpu.dma_semaphore, #tpu.memory_space<semaphore_mem>>) src(%dma_wait3A_28 : memref<128xi32, #tpu.memory_space<hbm>>) dst(%arg9 : memref<128xi32, #tpu.memory_space<vmem>>)
      tpu.yield
    }) : () -> ()
    "tpu.region"() ({
      %run_scoped3A = tpu.sem_alloc : memref<!tpu.dma_semaphore, #tpu.memory_space<semaphore_mem>>
      %dma_start3A_25 = tpu.memref_slice %arg4[%mul3A_2] : memref<4096xi32, #tpu.memory_space<hbm>> -> memref<128xi32, #tpu.memory_space<hbm>>
      %dma_start3A_26 = tpu.memref_slice %arg4[%mul3A_2] : memref<4096xi32, #tpu.memory_space<hbm>> -> memref<128xi32, #tpu.memory_space<hbm>>
      tpu.enqueue_dma source(%dma_start3A_26 : memref<128xi32, #tpu.memory_space<hbm>>) target(%arg10 : memref<128xi32, #tpu.memory_space<vmem>>) target_semaphore(%run_scoped3A : memref<!tpu.dma_semaphore, #tpu.memory_space<semaphore_mem>>)
      %dma_wait3A_27 = tpu.memref_slice %arg4[%mul3A_2] : memref<4096xi32, #tpu.memory_space<hbm>> -> memref<128xi32, #tpu.memory_space<hbm>>
      %dma_wait3A_28 = tpu.memref_slice %arg4[%mul3A_2] : memref<4096xi32, #tpu.memory_space<hbm>> -> memref<128xi32, #tpu.memory_space<hbm>>
      tpu.wait_dma2 semaphore(%run_scoped3A : memref<!tpu.dma_semaphore, #tpu.memory_space<semaphore_mem>>) src(%dma_wait3A_28 : memref<128xi32, #tpu.memory_space<hbm>>) dst(%arg10 : memref<128xi32, #tpu.memory_space<vmem>>)
      tpu.yield
    }) : () -> ()
    "tpu.region"() ({
      %run_scoped3A = tpu.sem_alloc : memref<!tpu.dma_semaphore, #tpu.memory_space<semaphore_mem>>
      %dma_start3A_25 = arith.constant 0 : i32
      %dma_start3A_26 = tpu.memref_slice %arg2[%mul3A_2, %dma_start3A_25] : memref<4096x768xf32, #tpu.memory_space<hbm>> -> memref<128x768xf32, #tpu.memory_space<hbm>>
      %dma_start3A_27 = arith.constant 0 : i32
      %dma_start3A_28 = tpu.memref_slice %arg2[%mul3A_2, %dma_start3A_27] : memref<4096x768xf32, #tpu.memory_space<hbm>> -> memref<128x768xf32, #tpu.memory_space<hbm>>
      tpu.enqueue_dma source(%dma_start3A_28 : memref<128x768xf32, #tpu.memory_space<hbm>>) target(%arg11 : memref<128x768xf32, #tpu.memory_space<vmem>>) target_semaphore(%run_scoped3A : memref<!tpu.dma_semaphore, #tpu.memory_space<semaphore_mem>>)
      %dma_wait3A_29 = arith.constant 0 : i32
      %dma_wait3A_30 = tpu.memref_slice %arg2[%mul3A_2, %dma_wait3A_29] : memref<4096x768xf32, #tpu.memory_space<hbm>> -> memref<128x768xf32, #tpu.memory_space<hbm>>
      %dma_wait3A_31 = arith.constant 0 : i32
      %dma_wait3A_32 = tpu.memref_slice %arg2[%mul3A_2, %dma_wait3A_31] : memref<4096x768xf32, #tpu.memory_space<hbm>> -> memref<128x768xf32, #tpu.memory_space<hbm>>
      tpu.wait_dma2 semaphore(%run_scoped3A : memref<!tpu.dma_semaphore, #tpu.memory_space<semaphore_mem>>) src(%dma_wait3A_32 : memref<128x768xf32, #tpu.memory_space<hbm>>) dst(%arg11 : memref<128x768xf32, #tpu.memory_space<vmem>>)
      tpu.yield
    }) : () -> ()
    %dma_start3A = arith.constant 0 : i32
    %dma_start3A_3 = arith.constant 0 : i32
    %dma_start3A_4 = tpu.memref_slice %arg7[%dma_start3A, %dma_start3A_3] : memref<10240x768xf32, #tpu.memory_space<hbm>> -> memref<10240x768xf32, #tpu.memory_space<hbm>>
    tpu.enqueue_indirect_dma source(%arg11 : memref<128x768xf32, #tpu.memory_space<vmem>>) target(%dma_start3A_4 : memref<10240x768xf32, #tpu.memory_space<hbm>>) offsets(%arg9 : memref<128xi32, #tpu.memory_space<vmem>>) semaphore(%arg13 : memref<!tpu.dma_semaphore, #tpu.memory_space<semaphore_mem>>)
    %dma_wait3A = arith.constant 0 : i32
    %dma_wait3A_5 = arith.constant 0 : i32
    %dma_wait3A_6 = tpu.memref_slice %arg7[%dma_wait3A, %dma_wait3A_5] : memref<10240x768xf32, #tpu.memory_space<hbm>> -> memref<10240x768xf32, #tpu.memory_space<hbm>>
    tpu.wait_indirect_dma semaphore(%arg13 : memref<!tpu.dma_semaphore, #tpu.memory_space<semaphore_mem>>) src(%arg11 : memref<128x768xf32, #tpu.memory_space<vmem>>) dst(%dma_wait3A_6 : memref<10240x768xf32, #tpu.memory_space<hbm>>)
    %dma_start3A_7 = arith.constant 0 : i32
    %dma_start3A_8 = arith.constant 0 : i32
    %dma_start3A_9 = tpu.memref_slice %arg7[%dma_start3A_7, %dma_start3A_8] : memref<10240x768xf32, #tpu.memory_space<hbm>> -> memref<10240x768xf32, #tpu.memory_space<hbm>>
    tpu.enqueue_indirect_dma source(%arg11 : memref<128x768xf32, #tpu.memory_space<vmem>>) target(%dma_start3A_9 : memref<10240x768xf32, #tpu.memory_space<hbm>>) offsets(%arg10 : memref<128xi32, #tpu.memory_space<vmem>>) semaphore(%arg13 : memref<!tpu.dma_semaphore, #tpu.memory_space<semaphore_mem>>)
    %dma_wait3A_10 = arith.constant 0 : i32
    %dma_wait3A_11 = arith.constant 0 : i32
    %dma_wait3A_12 = tpu.memref_slice %arg7[%dma_wait3A_10, %dma_wait3A_11] : memref<10240x768xf32, #tpu.memory_space<hbm>> -> memref<10240x768xf32, #tpu.memory_space<hbm>>
    tpu.wait_indirect_dma semaphore(%arg13 : memref<!tpu.dma_semaphore, #tpu.memory_space<semaphore_mem>>) src(%arg11 : memref<128x768xf32, #tpu.memory_space<vmem>>) dst(%dma_wait3A_12 : memref<10240x768xf32, #tpu.memory_space<hbm>>)
    "tpu.region"() ({
      %run_scoped3A = tpu.sem_alloc : memref<!tpu.dma_semaphore, #tpu.memory_space<semaphore_mem>>
      %dma_start3A_25 = arith.constant 0 : i32
      %dma_start3A_26 = tpu.memref_slice %arg5[%mul3A_2, %dma_start3A_25] : memref<4096x128xf32, #tpu.memory_space<hbm>> -> memref<128x128xf32, #tpu.memory_space<hbm>>
      %dma_start3A_27 = arith.constant 0 : i32
      %dma_start3A_28 = tpu.memref_slice %arg5[%mul3A_2, %dma_start3A_27] : memref<4096x128xf32, #tpu.memory_space<hbm>> -> memref<128x128xf32, #tpu.memory_space<hbm>>
      tpu.enqueue_dma source(%dma_start3A_28 : memref<128x128xf32, #tpu.memory_space<hbm>>) target(%arg12 : memref<128x128xf32, #tpu.memory_space<vmem>>) target_semaphore(%run_scoped3A : memref<!tpu.dma_semaphore, #tpu.memory_space<semaphore_mem>>)
      %dma_wait3A_29 = arith.constant 0 : i32
      %dma_wait3A_30 = tpu.memref_slice %arg5[%mul3A_2, %dma_wait3A_29] : memref<4096x128xf32, #tpu.memory_space<hbm>> -> memref<128x128xf32, #tpu.memory_space<hbm>>
      %dma_wait3A_31 = arith.constant 0 : i32
      %dma_wait3A_32 = tpu.memref_slice %arg5[%mul3A_2, %dma_wait3A_31] : memref<4096x128xf32, #tpu.memory_space<hbm>> -> memref<128x128xf32, #tpu.memory_space<hbm>>
      tpu.wait_dma2 semaphore(%run_scoped3A : memref<!tpu.dma_semaphore, #tpu.memory_space<semaphore_mem>>) src(%dma_wait3A_32 : memref<128x128xf32, #tpu.memory_space<hbm>>) dst(%arg12 : memref<128x128xf32, #tpu.memory_space<vmem>>)
      tpu.yield
    }) : () -> ()
    %dma_start3A_13 = arith.constant 0 : i32
    %dma_start3A_14 = arith.constant 0 : i32
    %dma_start3A_15 = tpu.memref_slice %arg8[%dma_start3A_13, %dma_start3A_14] : memref<10240x128xf32, #tpu.memory_space<hbm>> -> memref<10240x128xf32, #tpu.memory_space<hbm>>
    tpu.enqueue_indirect_dma source(%arg12 : memref<128x128xf32, #tpu.memory_space<vmem>>) target(%dma_start3A_15 : memref<10240x128xf32, #tpu.memory_space<hbm>>) offsets(%arg9 : memref<128xi32, #tpu.memory_space<vmem>>) semaphore(%arg13 : memref<!tpu.dma_semaphore, #tpu.memory_space<semaphore_mem>>)
    %dma_wait3A_16 = arith.constant 0 : i32
    %dma_wait3A_17 = arith.constant 0 : i32
    %dma_wait3A_18 = tpu.memref_slice %arg8[%dma_wait3A_16, %dma_wait3A_17] : memref<10240x128xf32, #tpu.memory_space<hbm>> -> memref<10240x128xf32, #tpu.memory_space<hbm>>
    tpu.wait_indirect_dma semaphore(%arg13 : memref<!tpu.dma_semaphore, #tpu.memory_space<semaphore_mem>>) src(%arg12 : memref<128x128xf32, #tpu.memory_space<vmem>>) dst(%dma_wait3A_18 : memref<10240x128xf32, #tpu.memory_space<hbm>>)
    "tpu.region"() ({
      %run_scoped3A = tpu.sem_alloc : memref<!tpu.dma_semaphore, #tpu.memory_space<semaphore_mem>>
      %dma_start3A_25 = arith.constant 0 : i32
      %dma_start3A_26 = tpu.memref_slice %arg6[%mul3A_2, %dma_start3A_25] : memref<4096x128xf32, #tpu.memory_space<hbm>> -> memref<128x128xf32, #tpu.memory_space<hbm>>
      %dma_start3A_27 = arith.constant 0 : i32
      %dma_start3A_28 = tpu.memref_slice %arg6[%mul3A_2, %dma_start3A_27] : memref<4096x128xf32, #tpu.memory_space<hbm>> -> memref<128x128xf32, #tpu.memory_space<hbm>>
      tpu.enqueue_dma source(%dma_start3A_28 : memref<128x128xf32, #tpu.memory_space<hbm>>) target(%arg12 : memref<128x128xf32, #tpu.memory_space<vmem>>) target_semaphore(%run_scoped3A : memref<!tpu.dma_semaphore, #tpu.memory_space<semaphore_mem>>)
      %dma_wait3A_29 = arith.constant 0 : i32
      %dma_wait3A_30 = tpu.memref_slice %arg6[%mul3A_2, %dma_wait3A_29] : memref<4096x128xf32, #tpu.memory_space<hbm>> -> memref<128x128xf32, #tpu.memory_space<hbm>>
      %dma_wait3A_31 = arith.constant 0 : i32
      %dma_wait3A_32 = tpu.memref_slice %arg6[%mul3A_2, %dma_wait3A_31] : memref<4096x128xf32, #tpu.memory_space<hbm>> -> memref<128x128xf32, #tpu.memory_space<hbm>>
      tpu.wait_dma2 semaphore(%run_scoped3A : memref<!tpu.dma_semaphore, #tpu.memory_space<semaphore_mem>>) src(%dma_wait3A_32 : memref<128x128xf32, #tpu.memory_space<hbm>>) dst(%arg12 : memref<128x128xf32, #tpu.memory_space<vmem>>)
      tpu.yield
    }) : () -> ()
    %dma_start3A_19 = arith.constant 0 : i32
    %dma_start3A_20 = arith.constant 0 : i32
    %dma_start3A_21 = tpu.memref_slice %arg8[%dma_start3A_19, %dma_start3A_20] : memref<10240x128xf32, #tpu.memory_space<hbm>> -> memref<10240x128xf32, #tpu.memory_space<hbm>>
    tpu.enqueue_indirect_dma source(%arg12 : memref<128x128xf32, #tpu.memory_space<vmem>>) target(%dma_start3A_21 : memref<10240x128xf32, #tpu.memory_space<hbm>>) offsets(%arg10 : memref<128xi32, #tpu.memory_space<vmem>>) semaphore(%arg13 : memref<!tpu.dma_semaphore, #tpu.memory_space<semaphore_mem>>)
    %dma_wait3A_22 = arith.constant 0 : i32
    %dma_wait3A_23 = arith.constant 0 : i32
    %dma_wait3A_24 = tpu.memref_slice %arg8[%dma_wait3A_22, %dma_wait3A_23] : memref<10240x128xf32, #tpu.memory_space<hbm>> -> memref<10240x128xf32, #tpu.memory_space<hbm>>
    tpu.wait_indirect_dma semaphore(%arg13 : memref<!tpu.dma_semaphore, #tpu.memory_space<semaphore_mem>>) src(%arg12 : memref<128x128xf32, #tpu.memory_space<vmem>>) dst(%dma_wait3A_24 : memref<10240x128xf32, #tpu.memory_space<hbm>>)
    return
  }
}

#map = affine_map<(d0, d1) -> (0, 0)>
#map1 = affine_map<(d0, d1) -> (0)>
module attributes {stable_mosaic.version = 14 : i64} {
  func.func @_combine(%arg0: i32, %arg1: i32, %arg2: memref<10240x768xf32, #tpu.memory_space<hbm>>, %arg3: memref<4096xi32, #tpu.memory_space<hbm>>, %arg4: memref<4096xi32, #tpu.memory_space<hbm>>, %arg5: memref<4096x768xf32, #tpu.memory_space<hbm>>, %arg6: memref<64xi32, #tpu.memory_space<vmem>>, %arg7: memref<64xi32, #tpu.memory_space<vmem>>, %arg8: memref<64x768xf32, #tpu.memory_space<vmem>>, %arg9: memref<64x768xf32, #tpu.memory_space<vmem>>, %arg10: memref<!tpu.dma_semaphore, #tpu.memory_space<semaphore_mem>>) attributes {dimension_semantics = [#tpu.dimension_semantics<core_parallel>, #tpu.dimension_semantics<subcore_parallel>], iteration_bounds = array<i64: 2, 16>, scalar_prefetch = 0 : i64, scratch_operands = 5 : i64, tpu.core_type = #tpu.core_type<sc_vector_subcore>, window_params = [{transform_indices = #map}, {transform_indices = #map1}, {transform_indices = #map1}, {transform_indices = #map}]} {
    %mul3A = arith.constant 2 : i32
    %mul3A_0 = arith.muli %arg1, %mul3A : i32
    %add3A = arith.addi %mul3A_0, %arg0 : i32
    %mul3A_1 = arith.constant 128 : i32
    %mul3A_2 = arith.muli %add3A, %mul3A_1 : i32
    %add3A_3 = arith.constant 0 : i32
    %add3A_4 = arith.addi %mul3A_2, %add3A_3 : i32
    "tpu.region"() ({
      %run_scoped3A = tpu.sem_alloc : memref<!tpu.dma_semaphore, #tpu.memory_space<semaphore_mem>>
      %dma_start3A_44 = tpu.memref_slice %arg3[%add3A_4] : memref<4096xi32, #tpu.memory_space<hbm>> -> memref<64xi32, #tpu.memory_space<hbm>>
      %dma_start3A_45 = tpu.memref_slice %arg3[%add3A_4] : memref<4096xi32, #tpu.memory_space<hbm>> -> memref<64xi32, #tpu.memory_space<hbm>>
      tpu.enqueue_dma source(%dma_start3A_45 : memref<64xi32, #tpu.memory_space<hbm>>) target(%arg6 : memref<64xi32, #tpu.memory_space<vmem>>) target_semaphore(%run_scoped3A : memref<!tpu.dma_semaphore, #tpu.memory_space<semaphore_mem>>)
      %dma_wait3A_46 = tpu.memref_slice %arg3[%add3A_4] : memref<4096xi32, #tpu.memory_space<hbm>> -> memref<64xi32, #tpu.memory_space<hbm>>
      %dma_wait3A_47 = tpu.memref_slice %arg3[%add3A_4] : memref<4096xi32, #tpu.memory_space<hbm>> -> memref<64xi32, #tpu.memory_space<hbm>>
      tpu.wait_dma2 semaphore(%run_scoped3A : memref<!tpu.dma_semaphore, #tpu.memory_space<semaphore_mem>>) src(%dma_wait3A_47 : memref<64xi32, #tpu.memory_space<hbm>>) dst(%arg6 : memref<64xi32, #tpu.memory_space<vmem>>)
      tpu.yield
    }) : () -> ()
    "tpu.region"() ({
      %run_scoped3A = tpu.sem_alloc : memref<!tpu.dma_semaphore, #tpu.memory_space<semaphore_mem>>
      %dma_start3A_44 = tpu.memref_slice %arg4[%add3A_4] : memref<4096xi32, #tpu.memory_space<hbm>> -> memref<64xi32, #tpu.memory_space<hbm>>
      %dma_start3A_45 = tpu.memref_slice %arg4[%add3A_4] : memref<4096xi32, #tpu.memory_space<hbm>> -> memref<64xi32, #tpu.memory_space<hbm>>
      tpu.enqueue_dma source(%dma_start3A_45 : memref<64xi32, #tpu.memory_space<hbm>>) target(%arg7 : memref<64xi32, #tpu.memory_space<vmem>>) target_semaphore(%run_scoped3A : memref<!tpu.dma_semaphore, #tpu.memory_space<semaphore_mem>>)
      %dma_wait3A_46 = tpu.memref_slice %arg4[%add3A_4] : memref<4096xi32, #tpu.memory_space<hbm>> -> memref<64xi32, #tpu.memory_space<hbm>>
      %dma_wait3A_47 = tpu.memref_slice %arg4[%add3A_4] : memref<4096xi32, #tpu.memory_space<hbm>> -> memref<64xi32, #tpu.memory_space<hbm>>
      tpu.wait_dma2 semaphore(%run_scoped3A : memref<!tpu.dma_semaphore, #tpu.memory_space<semaphore_mem>>) src(%dma_wait3A_47 : memref<64xi32, #tpu.memory_space<hbm>>) dst(%arg7 : memref<64xi32, #tpu.memory_space<vmem>>)
      tpu.yield
    }) : () -> ()
    %dma_start3A = arith.constant 0 : i32
    %dma_start3A_5 = arith.constant 0 : i32
    %dma_start3A_6 = tpu.memref_slice %arg2[%dma_start3A, %dma_start3A_5] : memref<10240x768xf32, #tpu.memory_space<hbm>> -> memref<10240x768xf32, #tpu.memory_space<hbm>>
    tpu.enqueue_indirect_dma source(%dma_start3A_6 : memref<10240x768xf32, #tpu.memory_space<hbm>>) target(%arg8 : memref<64x768xf32, #tpu.memory_space<vmem>>) offsets(%arg6 : memref<64xi32, #tpu.memory_space<vmem>>) semaphore(%arg10 : memref<!tpu.dma_semaphore, #tpu.memory_space<semaphore_mem>>)
    %dma_wait3A = arith.constant 0 : i32
    %dma_wait3A_7 = arith.constant 0 : i32
    %dma_wait3A_8 = tpu.memref_slice %arg2[%dma_wait3A, %dma_wait3A_7] : memref<10240x768xf32, #tpu.memory_space<hbm>> -> memref<10240x768xf32, #tpu.memory_space<hbm>>
    tpu.wait_indirect_dma semaphore(%arg10 : memref<!tpu.dma_semaphore, #tpu.memory_space<semaphore_mem>>) src(%dma_wait3A_8 : memref<10240x768xf32, #tpu.memory_space<hbm>>) dst(%arg8 : memref<64x768xf32, #tpu.memory_space<vmem>>)
    %dma_start3A_9 = arith.constant 0 : i32
    %dma_start3A_10 = arith.constant 0 : i32
    %dma_start3A_11 = tpu.memref_slice %arg2[%dma_start3A_9, %dma_start3A_10] : memref<10240x768xf32, #tpu.memory_space<hbm>> -> memref<10240x768xf32, #tpu.memory_space<hbm>>
    tpu.enqueue_indirect_dma source(%dma_start3A_11 : memref<10240x768xf32, #tpu.memory_space<hbm>>) target(%arg9 : memref<64x768xf32, #tpu.memory_space<vmem>>) offsets(%arg7 : memref<64xi32, #tpu.memory_space<vmem>>) semaphore(%arg10 : memref<!tpu.dma_semaphore, #tpu.memory_space<semaphore_mem>>)
    %dma_wait3A_12 = arith.constant 0 : i32
    %dma_wait3A_13 = arith.constant 0 : i32
    %dma_wait3A_14 = tpu.memref_slice %arg2[%dma_wait3A_12, %dma_wait3A_13] : memref<10240x768xf32, #tpu.memory_space<hbm>> -> memref<10240x768xf32, #tpu.memory_space<hbm>>
    tpu.wait_indirect_dma semaphore(%arg10 : memref<!tpu.dma_semaphore, #tpu.memory_space<semaphore_mem>>) src(%dma_wait3A_14 : memref<10240x768xf32, #tpu.memory_space<hbm>>) dst(%arg9 : memref<64x768xf32, #tpu.memory_space<vmem>>)
    %scan3A = arith.constant 0 : i32
    %scan3A_15 = arith.constant 0 : i32
    %scan3A_16 = arith.constant 64 : i32
    %scan3A_17 = arith.addi %scan3A_15, %scan3A_16 : i32
    %scan3A_18 = arith.constant 1 : i32
    %scan3A_19 = scf.for %scan3A_44 = %scan3A_15 to %scan3A_17 step %scan3A_18 iter_args(%scan3A_45 = %scan3A) -> (i32)  : i32 {
      %get3A = arith.index_cast %scan3A_44 : i32 to index
      %get3A_46 = arith.constant 0 : index
      %get3A_47 = tpu.vector_load %arg9[%get3A, %get3A_46] {strides = array<i32>} : memref<64x768xf32, #tpu.memory_space<vmem>>, vector<1x16xf32>,
      %get3A_48 = vector.shape_cast %get3A_47 : vector<1x16xf32> to vector<16xf32>
      %swap3A = arith.index_cast %scan3A_44 : i32 to index
      %swap3A_49 = arith.constant 0 : index
      %swap3A_50 = tpu.vector_load %arg8[%swap3A, %swap3A_49] {strides = array<i32>} : memref<64x768xf32, #tpu.memory_space<vmem>>, vector<1x16xf32>,
      %swap3A_51 = vector.shape_cast %swap3A_50 : vector<1x16xf32> to vector<16xf32>
      %swap3A_52 = vector.shape_cast %get3A_48 : vector<16xf32> to vector<1x16xf32>
      tpu.vector_store %arg8[%swap3A, %swap3A_49], %swap3A_52 {add = true, strides = array<i32>} : memref<64x768xf32, #tpu.memory_space<vmem>>, vector<1x16xf32>,
      %get3A_53 = arith.index_cast %scan3A_44 : i32 to index
      %get3A_54 = arith.constant 16 : index
      %get3A_55 = tpu.vector_load %arg9[%get3A_53, %get3A_54] {strides = array<i32>} : memref<64x768xf32, #tpu.memory_space<vmem>>, vector<1x16xf32>,
      %get3A_56 = vector.shape_cast %get3A_55 : vector<1x16xf32> to vector<16xf32>
      %swap3A_57 = arith.index_cast %scan3A_44 : i32 to index
      %swap3A_58 = arith.constant 16 : index
      %swap3A_59 = tpu.vector_load %arg8[%swap3A_57, %swap3A_58] {strides = array<i32>} : memref<64x768xf32, #tpu.memory_space<vmem>>, vector<1x16xf32>,
      %swap3A_60 = vector.shape_cast %swap3A_59 : vector<1x16xf32> to vector<16xf32>
      %swap3A_61 = vector.shape_cast %get3A_56 : vector<16xf32> to vector<1x16xf32>
      tpu.vector_store %arg8[%swap3A_57, %swap3A_58], %swap3A_61 {add = true, strides = array<i32>} : memref<64x768xf32, #tpu.memory_space<vmem>>, vector<1x16xf32>,
      %get3A_62 = arith.index_cast %scan3A_44 : i32 to index
      %get3A_63 = arith.constant 32 : index
      %get3A_64 = tpu.vector_load %arg9[%get3A_62, %get3A_63] {strides = array<i32>} : memref<64x768xf32, #tpu.memory_space<vmem>>, vector<1x16xf32>,
      %get3A_65 = vector.shape_cast %get3A_64 : vector<1x16xf32> to vector<16xf32>
      %swap3A_66 = arith.index_cast %scan3A_44 : i32 to index
      %swap3A_67 = arith.constant 32 : index
      %swap3A_68 = tpu.vector_load %arg8[%swap3A_66, %swap3A_67] {strides = array<i32>} : memref<64x768xf32, #tpu.memory_space<vmem>>, vector<1x16xf32>,
      %swap3A_69 = vector.shape_cast %swap3A_68 : vector<1x16xf32> to vector<16xf32>
      %swap3A_70 = vector.shape_cast %get3A_65 : vector<16xf32> to vector<1x16xf32>
      tpu.vector_store %arg8[%swap3A_66, %swap3A_67], %swap3A_70 {add = true, strides = array<i32>} : memref<64x768xf32, #tpu.memory_space<vmem>>, vector<1x16xf32>,
      %get3A_71 = arith.index_cast %scan3A_44 : i32 to index
      %get3A_72 = arith.constant 48 : index
      %get3A_73 = tpu.vector_load %arg9[%get3A_71, %get3A_72] {strides = array<i32>} : memref<64x768xf32, #tpu.memory_space<vmem>>, vector<1x16xf32>,
      %get3A_74 = vector.shape_cast %get3A_73 : vector<1x16xf32> to vector<16xf32>
      %swap3A_75 = arith.index_cast %scan3A_44 : i32 to index
      %swap3A_76 = arith.constant 48 : index
      %swap3A_77 = tpu.vector_load %arg8[%swap3A_75, %swap3A_76] {strides = array<i32>} : memref<64x768xf32, #tpu.memory_space<vmem>>, vector<1x16xf32>,
      %swap3A_78 = vector.shape_cast %swap3A_77 : vector<1x16xf32> to vector<16xf32>
      %swap3A_79 = vector.shape_cast %get3A_74 : vector<16xf32> to vector<1x16xf32>
      tpu.vector_store %arg8[%swap3A_75, %swap3A_76], %swap3A_79 {add = true, strides = array<i32>} : memref<64x768xf32, #tpu.memory_space<vmem>>, vector<1x16xf32>,
      %get3A_80 = arith.index_cast %scan3A_44 : i32 to index
      %get3A_81 = arith.constant 64 : index
      %get3A_82 = tpu.vector_load %arg9[%get3A_80, %get3A_81] {strides = array<i32>} : memref<64x768xf32, #tpu.memory_space<vmem>>, vector<1x16xf32>,
      %get3A_83 = vector.shape_cast %get3A_82 : vector<1x16xf32> to vector<16xf32>
      %swap3A_84 = arith.index_cast %scan3A_44 : i32 to index
      %swap3A_85 = arith.constant 64 : index
      %swap3A_86 = tpu.vector_load %arg8[%swap3A_84, %swap3A_85] {strides = array<i32>} : memref<64x768xf32, #tpu.memory_space<vmem>>, vector<1x16xf32>,
      %swap3A_87 = vector.shape_cast %swap3A_86 : vector<1x16xf32> to vector<16xf32>
      %swap3A_88 = vector.shape_cast %get3A_83 : vector<16xf32> to vector<1x16xf32>
      tpu.vector_store %arg8[%swap3A_84, %swap3A_85], %swap3A_88 {add = true, strides = array<i32>} : memref<64x768xf32, #tpu.memory_space<vmem>>, vector<1x16xf32>,
      %get3A_89 = arith.index_cast %scan3A_44 : i32 to index
      %get3A_90 = arith.constant 80 : index
      %get3A_91 = tpu.vector_load %arg9[%get3A_89, %get3A_90] {strides = array<i32>} : memref<64x768xf32, #tpu.memory_space<vmem>>, vector<1x16xf32>,
      %get3A_92 = vector.shape_cast %get3A_91 : vector<1x16xf32> to vector<16xf32>
      %swap3A_93 = arith.index_cast %scan3A_44 : i32 to index
      %swap3A_94 = arith.constant 80 : index
      %swap3A_95 = tpu.vector_load %arg8[%swap3A_93, %swap3A_94] {strides = array<i32>} : memref<64x768xf32, #tpu.memory_space<vmem>>, vector<1x16xf32>,
      %swap3A_96 = vector.shape_cast %swap3A_95 : vector<1x16xf32> to vector<16xf32>
      %swap3A_97 = vector.shape_cast %get3A_92 : vector<16xf32> to vector<1x16xf32>
      tpu.vector_store %arg8[%swap3A_93, %swap3A_94], %swap3A_97 {add = true, strides = array<i32>} : memref<64x768xf32, #tpu.memory_space<vmem>>, vector<1x16xf32>,
      %get3A_98 = arith.index_cast %scan3A_44 : i32 to index
      %get3A_99 = arith.constant 96 : index
      %get3A_100 = tpu.vector_load %arg9[%get3A_98, %get3A_99] {strides = array<i32>} : memref<64x768xf32, #tpu.memory_space<vmem>>, vector<1x16xf32>,
      %get3A_101 = vector.shape_cast %get3A_100 : vector<1x16xf32> to vector<16xf32>
      %swap3A_102 = arith.index_cast %scan3A_44 : i32 to index
      %swap3A_103 = arith.constant 96 : index
      %swap3A_104 = tpu.vector_load %arg8[%swap3A_102, %swap3A_103] {strides = array<i32>} : memref<64x768xf32, #tpu.memory_space<vmem>>, vector<1x16xf32>,
      %swap3A_105 = vector.shape_cast %swap3A_104 : vector<1x16xf32> to vector<16xf32>
      %swap3A_106 = vector.shape_cast %get3A_101 : vector<16xf32> to vector<1x16xf32>
      tpu.vector_store %arg8[%swap3A_102, %swap3A_103], %swap3A_106 {add = true, strides = array<i32>} : memref<64x768xf32, #tpu.memory_space<vmem>>, vector<1x16xf32>,
      %get3A_107 = arith.index_cast %scan3A_44 : i32 to index
      %get3A_108 = arith.constant 112 : index
      %get3A_109 = tpu.vector_load %arg9[%get3A_107, %get3A_108] {strides = array<i32>} : memref<64x768xf32, #tpu.memory_space<vmem>>, vector<1x16xf32>,
      %get3A_110 = vector.shape_cast %get3A_109 : vector<1x16xf32> to vector<16xf32>
      %swap3A_111 = arith.index_cast %scan3A_44 : i32 to index
      %swap3A_112 = arith.constant 112 : index
      %swap3A_113 = tpu.vector_load %arg8[%swap3A_111, %swap3A_112] {strides = array<i32>} : memref<64x768xf32, #tpu.memory_space<vmem>>, vector<1x16xf32>,
      %swap3A_114 = vector.shape_cast %swap3A_113 : vector<1x16xf32> to vector<16xf32>
      %swap3A_115 = vector.shape_cast %get3A_110 : vector<16xf32> to vector<1x16xf32>
      tpu.vector_store %arg8[%swap3A_111, %swap3A_112], %swap3A_115 {add = true, strides = array<i32>} : memref<64x768xf32, #tpu.memory_space<vmem>>, vector<1x16xf32>,
      %get3A_116 = arith.index_cast %scan3A_44 : i32 to index
      %get3A_117 = arith.constant 128 : index
      %get3A_118 = tpu.vector_load %arg9[%get3A_116, %get3A_117] {strides = array<i32>} : memref<64x768xf32, #tpu.memory_space<vmem>>, vector<1x16xf32>,
      %get3A_119 = vector.shape_cast %get3A_118 : vector<1x16xf32> to vector<16xf32>
      %swap3A_120 = arith.index_cast %scan3A_44 : i32 to index
      %swap3A_121 = arith.constant 128 : index
      %swap3A_122 = tpu.vector_load %arg8[%swap3A_120, %swap3A_121] {strides = array<i32>} : memref<64x768xf32, #tpu.memory_space<vmem>>, vector<1x16xf32>,
      %swap3A_123 = vector.shape_cast %swap3A_122 : vector<1x16xf32> to vector<16xf32>
      %swap3A_124 = vector.shape_cast %get3A_119 : vector<16xf32> to vector<1x16xf32>
      tpu.vector_store %arg8[%swap3A_120, %swap3A_121], %swap3A_124 {add = true, strides = array<i32>} : memref<64x768xf32, #tpu.memory_space<vmem>>, vector<1x16xf32>,
      %get3A_125 = arith.index_cast %scan3A_44 : i32 to index
      %get3A_126 = arith.constant 144 : index
      %get3A_127 = tpu.vector_load %arg9[%get3A_125, %get3A_126] {strides = array<i32>} : memref<64x768xf32, #tpu.memory_space<vmem>>, vector<1x16xf32>,
      %get3A_128 = vector.shape_cast %get3A_127 : vector<1x16xf32> to vector<16xf32>
      %swap3A_129 = arith.index_cast %scan3A_44 : i32 to index
      %swap3A_130 = arith.constant 144 : index
      %swap3A_131 = tpu.vector_load %arg8[%swap3A_129, %swap3A_130] {strides = array<i32>} : memref<64x768xf32, #tpu.memory_space<vmem>>, vector<1x16xf32>,
      %swap3A_132 = vector.shape_cast %swap3A_131 : vector<1x16xf32> to vector<16xf32>
      %swap3A_133 = vector.shape_cast %get3A_128 : vector<16xf32> to vector<1x16xf32>
      tpu.vector_store %arg8[%swap3A_129, %swap3A_130], %swap3A_133 {add = true, strides = array<i32>} : memref<64x768xf32, #tpu.memory_space<vmem>>, vector<1x16xf32>,
      %get3A_134 = arith.index_cast %scan3A_44 : i32 to index
      %get3A_135 = arith.constant 160 : index
      %get3A_136 = tpu.vector_load %arg9[%get3A_134, %get3A_135] {strides = array<i32>} : memref<64x768xf32, #tpu.memory_space<vmem>>, vector<1x16xf32>,
      %get3A_137 = vector.shape_cast %get3A_136 : vector<1x16xf32> to vector<16xf32>
      %swap3A_138 = arith.index_cast %scan3A_44 : i32 to index
      %swap3A_139 = arith.constant 160 : index
      %swap3A_140 = tpu.vector_load %arg8[%swap3A_138, %swap3A_139] {strides = array<i32>} : memref<64x768xf32, #tpu.memory_space<vmem>>, vector<1x16xf32>,
      %swap3A_141 = vector.shape_cast %swap3A_140 : vector<1x16xf32> to vector<16xf32>
      %swap3A_142 = vector.shape_cast %get3A_137 : vector<16xf32> to vector<1x16xf32>
      tpu.vector_store %arg8[%swap3A_138, %swap3A_139], %swap3A_142 {add = true, strides = array<i32>} : memref<64x768xf32, #tpu.memory_space<vmem>>, vector<1x16xf32>,
      %get3A_143 = arith.index_cast %scan3A_44 : i32 to index
      %get3A_144 = arith.constant 176 : index
      %get3A_145 = tpu.vector_load %arg9[%get3A_143, %get3A_144] {strides = array<i32>} : memref<64x768xf32, #tpu.memory_space<vmem>>, vector<1x16xf32>,
      %get3A_146 = vector.shape_cast %get3A_145 : vector<1x16xf32> to vector<16xf32>
      %swap3A_147 = arith.index_cast %scan3A_44 : i32 to index
      %swap3A_148 = arith.constant 176 : index
      %swap3A_149 = tpu.vector_load %arg8[%swap3A_147, %swap3A_148] {strides = array<i32>} : memref<64x768xf32, #tpu.memory_space<vmem>>, vector<1x16xf32>,
      %swap3A_150 = vector.shape_cast %swap3A_149 : vector<1x16xf32> to vector<16xf32>
      %swap3A_151 = vector.shape_cast %get3A_146 : vector<16xf32> to vector<1x16xf32>
      tpu.vector_store %arg8[%swap3A_147, %swap3A_148], %swap3A_151 {add = true, strides = array<i32>} : memref<64x768xf32, #tpu.memory_space<vmem>>, vector<1x16xf32>,
      %get3A_152 = arith.index_cast %scan3A_44 : i32 to index
      %get3A_153 = arith.constant 192 : index
      %get3A_154 = tpu.vector_load %arg9[%get3A_152, %get3A_153] {strides = array<i32>} : memref<64x768xf32, #tpu.memory_space<vmem>>, vector<1x16xf32>,
      %get3A_155 = vector.shape_cast %get3A_154 : vector<1x16xf32> to vector<16xf32>
      %swap3A_156 = arith.index_cast %scan3A_44 : i32 to index
      %swap3A_157 = arith.constant 192 : index
      %swap3A_158 = tpu.vector_load %arg8[%swap3A_156, %swap3A_157] {strides = array<i32>} : memref<64x768xf32, #tpu.memory_space<vmem>>, vector<1x16xf32>,
      %swap3A_159 = vector.shape_cast %swap3A_158 : vector<1x16xf32> to vector<16xf32>
      %swap3A_160 = vector.shape_cast %get3A_155 : vector<16xf32> to vector<1x16xf32>
      tpu.vector_store %arg8[%swap3A_156, %swap3A_157], %swap3A_160 {add = true, strides = array<i32>} : memref<64x768xf32, #tpu.memory_space<vmem>>, vector<1x16xf32>,
      %get3A_161 = arith.index_cast %scan3A_44 : i32 to index
      %get3A_162 = arith.constant 208 : index
      %get3A_163 = tpu.vector_load %arg9[%get3A_161, %get3A_162] {strides = array<i32>} : memref<64x768xf32, #tpu.memory_space<vmem>>, vector<1x16xf32>,
      %get3A_164 = vector.shape_cast %get3A_163 : vector<1x16xf32> to vector<16xf32>
      %swap3A_165 = arith.index_cast %scan3A_44 : i32 to index
      %swap3A_166 = arith.constant 208 : index
      %swap3A_167 = tpu.vector_load %arg8[%swap3A_165, %swap3A_166] {strides = array<i32>} : memref<64x768xf32, #tpu.memory_space<vmem>>, vector<1x16xf32>,
      %swap3A_168 = vector.shape_cast %swap3A_167 : vector<1x16xf32> to vector<16xf32>
      %swap3A_169 = vector.shape_cast %get3A_164 : vector<16xf32> to vector<1x16xf32>
      tpu.vector_store %arg8[%swap3A_165, %swap3A_166], %swap3A_169 {add = true, strides = array<i32>} : memref<64x768xf32, #tpu.memory_space<vmem>>, vector<1x16xf32>,
      %get3A_170 = arith.index_cast %scan3A_44 : i32 to index
      %get3A_171 = arith.constant 224 : index
      %get3A_172 = tpu.vector_load %arg9[%get3A_170, %get3A_171] {strides = array<i32>} : memref<64x768xf32, #tpu.memory_space<vmem>>, vector<1x16xf32>,
      %get3A_173 = vector.shape_cast %get3A_172 : vector<1x16xf32> to vector<16xf32>
      %swap3A_174 = arith.index_cast %scan3A_44 : i32 to index
      %swap3A_175 = arith.constant 224 : index
      %swap3A_176 = tpu.vector_load %arg8[%swap3A_174, %swap3A_175] {strides = array<i32>} : memref<64x768xf32, #tpu.memory_space<vmem>>, vector<1x16xf32>,
      %swap3A_177 = vector.shape_cast %swap3A_176 : vector<1x16xf32> to vector<16xf32>
      %swap3A_178 = vector.shape_cast %get3A_173 : vector<16xf32> to vector<1x16xf32>
      tpu.vector_store %arg8[%swap3A_174, %swap3A_175], %swap3A_178 {add = true, strides = array<i32>} : memref<64x768xf32, #tpu.memory_space<vmem>>, vector<1x16xf32>,
      %get3A_179 = arith.index_cast %scan3A_44 : i32 to index
      %get3A_180 = arith.constant 240 : index
      %get3A_181 = tpu.vector_load %arg9[%get3A_179, %get3A_180] {strides = array<i32>} : memref<64x768xf32, #tpu.memory_space<vmem>>, vector<1x16xf32>,
      %get3A_182 = vector.shape_cast %get3A_181 : vector<1x16xf32> to vector<16xf32>
      %swap3A_183 = arith.index_cast %scan3A_44 : i32 to index
      %swap3A_184 = arith.constant 240 : index
      %swap3A_185 = tpu.vector_load %arg8[%swap3A_183, %swap3A_184] {strides = array<i32>} : memref<64x768xf32, #tpu.memory_space<vmem>>, vector<1x16xf32>,
      %swap3A_186 = vector.shape_cast %swap3A_185 : vector<1x16xf32> to vector<16xf32>
      %swap3A_187 = vector.shape_cast %get3A_182 : vector<16xf32> to vector<1x16xf32>
      tpu.vector_store %arg8[%swap3A_183, %swap3A_184], %swap3A_187 {add = true, strides = array<i32>} : memref<64x768xf32, #tpu.memory_space<vmem>>, vector<1x16xf32>,
      %get3A_188 = arith.index_cast %scan3A_44 : i32 to index
      %get3A_189 = arith.constant 256 : index
      %get3A_190 = tpu.vector_load %arg9[%get3A_188, %get3A_189] {strides = array<i32>} : memref<64x768xf32, #tpu.memory_space<vmem>>, vector<1x16xf32>,
      %get3A_191 = vector.shape_cast %get3A_190 : vector<1x16xf32> to vector<16xf32>
      %swap3A_192 = arith.index_cast %scan3A_44 : i32 to index
      %swap3A_193 = arith.constant 256 : index
      %swap3A_194 = tpu.vector_load %arg8[%swap3A_192, %swap3A_193] {strides = array<i32>} : memref<64x768xf32, #tpu.memory_space<vmem>>, vector<1x16xf32>,
      %swap3A_195 = vector.shape_cast %swap3A_194 : vector<1x16xf32> to vector<16xf32>
      %swap3A_196 = vector.shape_cast %get3A_191 : vector<16xf32> to vector<1x16xf32>
      tpu.vector_store %arg8[%swap3A_192, %swap3A_193], %swap3A_196 {add = true, strides = array<i32>} : memref<64x768xf32, #tpu.memory_space<vmem>>, vector<1x16xf32>,
      %get3A_197 = arith.index_cast %scan3A_44 : i32 to index
      %get3A_198 = arith.constant 272 : index
      %get3A_199 = tpu.vector_load %arg9[%get3A_197, %get3A_198] {strides = array<i32>} : memref<64x768xf32, #tpu.memory_space<vmem>>, vector<1x16xf32>,
      %get3A_200 = vector.shape_cast %get3A_199 : vector<1x16xf32> to vector<16xf32>
      %swap3A_201 = arith.index_cast %scan3A_44 : i32 to index
      %swap3A_202 = arith.constant 272 : index
      %swap3A_203 = tpu.vector_load %arg8[%swap3A_201, %swap3A_202] {strides = array<i32>} : memref<64x768xf32, #tpu.memory_space<vmem>>, vector<1x16xf32>,
      %swap3A_204 = vector.shape_cast %swap3A_203 : vector<1x16xf32> to vector<16xf32>
      %swap3A_205 = vector.shape_cast %get3A_200 : vector<16xf32> to vector<1x16xf32>
      tpu.vector_store %arg8[%swap3A_201, %swap3A_202], %swap3A_205 {add = true, strides = array<i32>} : memref<64x768xf32, #tpu.memory_space<vmem>>, vector<1x16xf32>,
      %get3A_206 = arith.index_cast %scan3A_44 : i32 to index
      %get3A_207 = arith.constant 288 : index
      %get3A_208 = tpu.vector_load %arg9[%get3A_206, %get3A_207] {strides = array<i32>} : memref<64x768xf32, #tpu.memory_space<vmem>>, vector<1x16xf32>,
      %get3A_209 = vector.shape_cast %get3A_208 : vector<1x16xf32> to vector<16xf32>
      %swap3A_210 = arith.index_cast %scan3A_44 : i32 to index
      %swap3A_211 = arith.constant 288 : index
      %swap3A_212 = tpu.vector_load %arg8[%swap3A_210, %swap3A_211] {strides = array<i32>} : memref<64x768xf32, #tpu.memory_space<vmem>>, vector<1x16xf32>,
      %swap3A_213 = vector.shape_cast %swap3A_212 : vector<1x16xf32> to vector<16xf32>
      %swap3A_214 = vector.shape_cast %get3A_209 : vector<16xf32> to vector<1x16xf32>
      tpu.vector_store %arg8[%swap3A_210, %swap3A_211], %swap3A_214 {add = true, strides = array<i32>} : memref<64x768xf32, #tpu.memory_space<vmem>>, vector<1x16xf32>,
      %get3A_215 = arith.index_cast %scan3A_44 : i32 to index
      %get3A_216 = arith.constant 304 : index
      %get3A_217 = tpu.vector_load %arg9[%get3A_215, %get3A_216] {strides = array<i32>} : memref<64x768xf32, #tpu.memory_space<vmem>>, vector<1x16xf32>,
      %get3A_218 = vector.shape_cast %get3A_217 : vector<1x16xf32> to vector<16xf32>
      %swap3A_219 = arith.index_cast %scan3A_44 : i32 to index
      %swap3A_220 = arith.constant 304 : index
      %swap3A_221 = tpu.vector_load %arg8[%swap3A_219, %swap3A_220] {strides = array<i32>} : memref<64x768xf32, #tpu.memory_space<vmem>>, vector<1x16xf32>,
      %swap3A_222 = vector.shape_cast %swap3A_221 : vector<1x16xf32> to vector<16xf32>
      %swap3A_223 = vector.shape_cast %get3A_218 : vector<16xf32> to vector<1x16xf32>
      tpu.vector_store %arg8[%swap3A_219, %swap3A_220], %swap3A_223 {add = true, strides = array<i32>} : memref<64x768xf32, #tpu.memory_space<vmem>>, vector<1x16xf32>,
      %get3A_224 = arith.index_cast %scan3A_44 : i32 to index
      %get3A_225 = arith.constant 320 : index
      %get3A_226 = tpu.vector_load %arg9[%get3A_224, %get3A_225] {strides = array<i32>} : memref<64x768xf32, #tpu.memory_space<vmem>>, vector<1x16xf32>,
      %get3A_227 = vector.shape_cast %get3A_226 : vector<1x16xf32> to vector<16xf32>
      %swap3A_228 = arith.index_cast %scan3A_44 : i32 to index
      %swap3A_229 = arith.constant 320 : index
      %swap3A_230 = tpu.vector_load %arg8[%swap3A_228, %swap3A_229] {strides = array<i32>} : memref<64x768xf32, #tpu.memory_space<vmem>>, vector<1x16xf32>,
      %swap3A_231 = vector.shape_cast %swap3A_230 : vector<1x16xf32> to vector<16xf32>
      %swap3A_232 = vector.shape_cast %get3A_227 : vector<16xf32> to vector<1x16xf32>
      tpu.vector_store %arg8[%swap3A_228, %swap3A_229], %swap3A_232 {add = true, strides = array<i32>} : memref<64x768xf32, #tpu.memory_space<vmem>>, vector<1x16xf32>,
      %get3A_233 = arith.index_cast %scan3A_44 : i32 to index
      %get3A_234 = arith.constant 336 : index
      %get3A_235 = tpu.vector_load %arg9[%get3A_233, %get3A_234] {strides = array<i32>} : memref<64x768xf32, #tpu.memory_space<vmem>>, vector<1x16xf32>,
      %get3A_236 = vector.shape_cast %get3A_235 : vector<1x16xf32> to vector<16xf32>
      %swap3A_237 = arith.index_cast %scan3A_44 : i32 to index
      %swap3A_238 = arith.constant 336 : index
      %swap3A_239 = tpu.vector_load %arg8[%swap3A_237, %swap3A_238] {strides = array<i32>} : memref<64x768xf32, #tpu.memory_space<vmem>>, vector<1x16xf32>,
      %swap3A_240 = vector.shape_cast %swap3A_239 : vector<1x16xf32> to vector<16xf32>
      %swap3A_241 = vector.shape_cast %get3A_236 : vector<16xf32> to vector<1x16xf32>
      tpu.vector_store %arg8[%swap3A_237, %swap3A_238], %swap3A_241 {add = true, strides = array<i32>} : memref<64x768xf32, #tpu.memory_space<vmem>>, vector<1x16xf32>,
      %get3A_242 = arith.index_cast %scan3A_44 : i32 to index
      %get3A_243 = arith.constant 352 : index
      %get3A_244 = tpu.vector_load %arg9[%get3A_242, %get3A_243] {strides = array<i32>} : memref<64x768xf32, #tpu.memory_space<vmem>>, vector<1x16xf32>,
      %get3A_245 = vector.shape_cast %get3A_244 : vector<1x16xf32> to vector<16xf32>
      %swap3A_246 = arith.index_cast %scan3A_44 : i32 to index
      %swap3A_247 = arith.constant 352 : index
      %swap3A_248 = tpu.vector_load %arg8[%swap3A_246, %swap3A_247] {strides = array<i32>} : memref<64x768xf32, #tpu.memory_space<vmem>>, vector<1x16xf32>,
      %swap3A_249 = vector.shape_cast %swap3A_248 : vector<1x16xf32> to vector<16xf32>
      %swap3A_250 = vector.shape_cast %get3A_245 : vector<16xf32> to vector<1x16xf32>
      tpu.vector_store %arg8[%swap3A_246, %swap3A_247], %swap3A_250 {add = true, strides = array<i32>} : memref<64x768xf32, #tpu.memory_space<vmem>>, vector<1x16xf32>,
      %get3A_251 = arith.index_cast %scan3A_44 : i32 to index
      %get3A_252 = arith.constant 368 : index
      %get3A_253 = tpu.vector_load %arg9[%get3A_251, %get3A_252] {strides = array<i32>} : memref<64x768xf32, #tpu.memory_space<vmem>>, vector<1x16xf32>,
      %get3A_254 = vector.shape_cast %get3A_253 : vector<1x16xf32> to vector<16xf32>
      %swap3A_255 = arith.index_cast %scan3A_44 : i32 to index
      %swap3A_256 = arith.constant 368 : index
      %swap3A_257 = tpu.vector_load %arg8[%swap3A_255, %swap3A_256] {strides = array<i32>} : memref<64x768xf32, #tpu.memory_space<vmem>>, vector<1x16xf32>,
      %swap3A_258 = vector.shape_cast %swap3A_257 : vector<1x16xf32> to vector<16xf32>
      %swap3A_259 = vector.shape_cast %get3A_254 : vector<16xf32> to vector<1x16xf32>
      tpu.vector_store %arg8[%swap3A_255, %swap3A_256], %swap3A_259 {add = true, strides = array<i32>} : memref<64x768xf32, #tpu.memory_space<vmem>>, vector<1x16xf32>,
      %get3A_260 = arith.index_cast %scan3A_44 : i32 to index
      %get3A_261 = arith.constant 384 : index
      %get3A_262 = tpu.vector_load %arg9[%get3A_260, %get3A_261] {strides = array<i32>} : memref<64x768xf32, #tpu.memory_space<vmem>>, vector<1x16xf32>,
      %get3A_263 = vector.shape_cast %get3A_262 : vector<1x16xf32> to vector<16xf32>
      %swap3A_264 = arith.index_cast %scan3A_44 : i32 to index
      %swap3A_265 = arith.constant 384 : index
      %swap3A_266 = tpu.vector_load %arg8[%swap3A_264, %swap3A_265] {strides = array<i32>} : memref<64x768xf32, #tpu.memory_space<vmem>>, vector<1x16xf32>,
      %swap3A_267 = vector.shape_cast %swap3A_266 : vector<1x16xf32> to vector<16xf32>
      %swap3A_268 = vector.shape_cast %get3A_263 : vector<16xf32> to vector<1x16xf32>
      tpu.vector_store %arg8[%swap3A_264, %swap3A_265], %swap3A_268 {add = true, strides = array<i32>} : memref<64x768xf32, #tpu.memory_space<vmem>>, vector<1x16xf32>,
      %get3A_269 = arith.index_cast %scan3A_44 : i32 to index
      %get3A_270 = arith.constant 400 : index
      %get3A_271 = tpu.vector_load %arg9[%get3A_269, %get3A_270] {strides = array<i32>} : memref<64x768xf32, #tpu.memory_space<vmem>>, vector<1x16xf32>,
      %get3A_272 = vector.shape_cast %get3A_271 : vector<1x16xf32> to vector<16xf32>
      %swap3A_273 = arith.index_cast %scan3A_44 : i32 to index
      %swap3A_274 = arith.constant 400 : index
      %swap3A_275 = tpu.vector_load %arg8[%swap3A_273, %swap3A_274] {strides = array<i32>} : memref<64x768xf32, #tpu.memory_space<vmem>>, vector<1x16xf32>,
      %swap3A_276 = vector.shape_cast %swap3A_275 : vector<1x16xf32> to vector<16xf32>
      %swap3A_277 = vector.shape_cast %get3A_272 : vector<16xf32> to vector<1x16xf32>
      tpu.vector_store %arg8[%swap3A_273, %swap3A_274], %swap3A_277 {add = true, strides = array<i32>} : memref<64x768xf32, #tpu.memory_space<vmem>>, vector<1x16xf32>,
      %get3A_278 = arith.index_cast %scan3A_44 : i32 to index
      %get3A_279 = arith.constant 416 : index
      %get3A_280 = tpu.vector_load %arg9[%get3A_278, %get3A_279] {strides = array<i32>} : memref<64x768xf32, #tpu.memory_space<vmem>>, vector<1x16xf32>,
      %get3A_281 = vector.shape_cast %get3A_280 : vector<1x16xf32> to vector<16xf32>
      %swap3A_282 = arith.index_cast %scan3A_44 : i32 to index
      %swap3A_283 = arith.constant 416 : index
      %swap3A_284 = tpu.vector_load %arg8[%swap3A_282, %swap3A_283] {strides = array<i32>} : memref<64x768xf32, #tpu.memory_space<vmem>>, vector<1x16xf32>,
      %swap3A_285 = vector.shape_cast %swap3A_284 : vector<1x16xf32> to vector<16xf32>
      %swap3A_286 = vector.shape_cast %get3A_281 : vector<16xf32> to vector<1x16xf32>
      tpu.vector_store %arg8[%swap3A_282, %swap3A_283], %swap3A_286 {add = true, strides = array<i32>} : memref<64x768xf32, #tpu.memory_space<vmem>>, vector<1x16xf32>,
      %get3A_287 = arith.index_cast %scan3A_44 : i32 to index
      %get3A_288 = arith.constant 432 : index
      %get3A_289 = tpu.vector_load %arg9[%get3A_287, %get3A_288] {strides = array<i32>} : memref<64x768xf32, #tpu.memory_space<vmem>>, vector<1x16xf32>,
      %get3A_290 = vector.shape_cast %get3A_289 : vector<1x16xf32> to vector<16xf32>
      %swap3A_291 = arith.index_cast %scan3A_44 : i32 to index
      %swap3A_292 = arith.constant 432 : index
      %swap3A_293 = tpu.vector_load %arg8[%swap3A_291, %swap3A_292] {strides = array<i32>} : memref<64x768xf32, #tpu.memory_space<vmem>>, vector<1x16xf32>,
      %swap3A_294 = vector.shape_cast %swap3A_293 : vector<1x16xf32> to vector<16xf32>
      %swap3A_295 = vector.shape_cast %get3A_290 : vector<16xf32> to vector<1x16xf32>
      tpu.vector_store %arg8[%swap3A_291, %swap3A_292], %swap3A_295 {add = true, strides = array<i32>} : memref<64x768xf32, #tpu.memory_space<vmem>>, vector<1x16xf32>,
      %get3A_296 = arith.index_cast %scan3A_44 : i32 to index
      %get3A_297 = arith.constant 448 : index
      %get3A_298 = tpu.vector_load %arg9[%get3A_296, %get3A_297] {strides = array<i32>} : memref<64x768xf32, #tpu.memory_space<vmem>>, vector<1x16xf32>,
      %get3A_299 = vector.shape_cast %get3A_298 : vector<1x16xf32> to vector<16xf32>
      %swap3A_300 = arith.index_cast %scan3A_44 : i32 to index
      %swap3A_301 = arith.constant 448 : index
      %swap3A_302 = tpu.vector_load %arg8[%swap3A_300, %swap3A_301] {strides = array<i32>} : memref<64x768xf32, #tpu.memory_space<vmem>>, vector<1x16xf32>,
      %swap3A_303 = vector.shape_cast %swap3A_302 : vector<1x16xf32> to vector<16xf32>
      %swap3A_304 = vector.shape_cast %get3A_299 : vector<16xf32> to vector<1x16xf32>
      tpu.vector_store %arg8[%swap3A_300, %swap3A_301], %swap3A_304 {add = true, strides = array<i32>} : memref<64x768xf32, #tpu.memory_space<vmem>>, vector<1x16xf32>,
      %get3A_305 = arith.index_cast %scan3A_44 : i32 to index
      %get3A_306 = arith.constant 464 : index
      %get3A_307 = tpu.vector_load %arg9[%get3A_305, %get3A_306] {strides = array<i32>} : memref<64x768xf32, #tpu.memory_space<vmem>>, vector<1x16xf32>,
      %get3A_308 = vector.shape_cast %get3A_307 : vector<1x16xf32> to vector<16xf32>
      %swap3A_309 = arith.index_cast %scan3A_44 : i32 to index
      %swap3A_310 = arith.constant 464 : index
      %swap3A_311 = tpu.vector_load %arg8[%swap3A_309, %swap3A_310] {strides = array<i32>} : memref<64x768xf32, #tpu.memory_space<vmem>>, vector<1x16xf32>,
      %swap3A_312 = vector.shape_cast %swap3A_311 : vector<1x16xf32> to vector<16xf32>
      %swap3A_313 = vector.shape_cast %get3A_308 : vector<16xf32> to vector<1x16xf32>
      tpu.vector_store %arg8[%swap3A_309, %swap3A_310], %swap3A_313 {add = true, strides = array<i32>} : memref<64x768xf32, #tpu.memory_space<vmem>>, vector<1x16xf32>,
      %get3A_314 = arith.index_cast %scan3A_44 : i32 to index
      %get3A_315 = arith.constant 480 : index
      %get3A_316 = tpu.vector_load %arg9[%get3A_314, %get3A_315] {strides = array<i32>} : memref<64x768xf32, #tpu.memory_space<vmem>>, vector<1x16xf32>,
      %get3A_317 = vector.shape_cast %get3A_316 : vector<1x16xf32> to vector<16xf32>
      %swap3A_318 = arith.index_cast %scan3A_44 : i32 to index
      %swap3A_319 = arith.constant 480 : index
      %swap3A_320 = tpu.vector_load %arg8[%swap3A_318, %swap3A_319] {strides = array<i32>} : memref<64x768xf32, #tpu.memory_space<vmem>>, vector<1x16xf32>,
      %swap3A_321 = vector.shape_cast %swap3A_320 : vector<1x16xf32> to vector<16xf32>
      %swap3A_322 = vector.shape_cast %get3A_317 : vector<16xf32> to vector<1x16xf32>
      tpu.vector_store %arg8[%swap3A_318, %swap3A_319], %swap3A_322 {add = true, strides = array<i32>} : memref<64x768xf32, #tpu.memory_space<vmem>>, vector<1x16xf32>,
      %get3A_323 = arith.index_cast %scan3A_44 : i32 to index
      %get3A_324 = arith.constant 496 : index
      %get3A_325 = tpu.vector_load %arg9[%get3A_323, %get3A_324] {strides = array<i32>} : memref<64x768xf32, #tpu.memory_space<vmem>>, vector<1x16xf32>,
      %get3A_326 = vector.shape_cast %get3A_325 : vector<1x16xf32> to vector<16xf32>
      %swap3A_327 = arith.index_cast %scan3A_44 : i32 to index
      %swap3A_328 = arith.constant 496 : index
      %swap3A_329 = tpu.vector_load %arg8[%swap3A_327, %swap3A_328] {strides = array<i32>} : memref<64x768xf32, #tpu.memory_space<vmem>>, vector<1x16xf32>,
      %swap3A_330 = vector.shape_cast %swap3A_329 : vector<1x16xf32> to vector<16xf32>
      %swap3A_331 = vector.shape_cast %get3A_326 : vector<16xf32> to vector<1x16xf32>
      tpu.vector_store %arg8[%swap3A_327, %swap3A_328], %swap3A_331 {add = true, strides = array<i32>} : memref<64x768xf32, #tpu.memory_space<vmem>>, vector<1x16xf32>,
      %get3A_332 = arith.index_cast %scan3A_44 : i32 to index
      %get3A_333 = arith.constant 512 : index
      %get3A_334 = tpu.vector_load %arg9[%get3A_332, %get3A_333] {strides = array<i32>} : memref<64x768xf32, #tpu.memory_space<vmem>>, vector<1x16xf32>,
      %get3A_335 = vector.shape_cast %get3A_334 : vector<1x16xf32> to vector<16xf32>
      %swap3A_336 = arith.index_cast %scan3A_44 : i32 to index
      %swap3A_337 = arith.constant 512 : index
      %swap3A_338 = tpu.vector_load %arg8[%swap3A_336, %swap3A_337] {strides = array<i32>} : memref<64x768xf32, #tpu.memory_space<vmem>>, vector<1x16xf32>,
      %swap3A_339 = vector.shape_cast %swap3A_338 : vector<1x16xf32> to vector<16xf32>
      %swap3A_340 = vector.shape_cast %get3A_335 : vector<16xf32> to vector<1x16xf32>
      tpu.vector_store %arg8[%swap3A_336, %swap3A_337], %swap3A_340 {add = true, strides = array<i32>} : memref<64x768xf32, #tpu.memory_space<vmem>>, vector<1x16xf32>,
      %get3A_341 = arith.index_cast %scan3A_44 : i32 to index
      %get3A_342 = arith.constant 528 : index
      %get3A_343 = tpu.vector_load %arg9[%get3A_341, %get3A_342] {strides = array<i32>} : memref<64x768xf32, #tpu.memory_space<vmem>>, vector<1x16xf32>,
      %get3A_344 = vector.shape_cast %get3A_343 : vector<1x16xf32> to vector<16xf32>
      %swap3A_345 = arith.index_cast %scan3A_44 : i32 to index
      %swap3A_346 = arith.constant 528 : index
      %swap3A_347 = tpu.vector_load %arg8[%swap3A_345, %swap3A_346] {strides = array<i32>} : memref<64x768xf32, #tpu.memory_space<vmem>>, vector<1x16xf32>,
      %swap3A_348 = vector.shape_cast %swap3A_347 : vector<1x16xf32> to vector<16xf32>
      %swap3A_349 = vector.shape_cast %get3A_344 : vector<16xf32> to vector<1x16xf32>
      tpu.vector_store %arg8[%swap3A_345, %swap3A_346], %swap3A_349 {add = true, strides = array<i32>} : memref<64x768xf32, #tpu.memory_space<vmem>>, vector<1x16xf32>,
      %get3A_350 = arith.index_cast %scan3A_44 : i32 to index
      %get3A_351 = arith.constant 544 : index
      %get3A_352 = tpu.vector_load %arg9[%get3A_350, %get3A_351] {strides = array<i32>} : memref<64x768xf32, #tpu.memory_space<vmem>>, vector<1x16xf32>,
      %get3A_353 = vector.shape_cast %get3A_352 : vector<1x16xf32> to vector<16xf32>
      %swap3A_354 = arith.index_cast %scan3A_44 : i32 to index
      %swap3A_355 = arith.constant 544 : index
      %swap3A_356 = tpu.vector_load %arg8[%swap3A_354, %swap3A_355] {strides = array<i32>} : memref<64x768xf32, #tpu.memory_space<vmem>>, vector<1x16xf32>,
      %swap3A_357 = vector.shape_cast %swap3A_356 : vector<1x16xf32> to vector<16xf32>
      %swap3A_358 = vector.shape_cast %get3A_353 : vector<16xf32> to vector<1x16xf32>
      tpu.vector_store %arg8[%swap3A_354, %swap3A_355], %swap3A_358 {add = true, strides = array<i32>} : memref<64x768xf32, #tpu.memory_space<vmem>>, vector<1x16xf32>,
      %get3A_359 = arith.index_cast %scan3A_44 : i32 to index
      %get3A_360 = arith.constant 560 : index
      %get3A_361 = tpu.vector_load %arg9[%get3A_359, %get3A_360] {strides = array<i32>} : memref<64x768xf32, #tpu.memory_space<vmem>>, vector<1x16xf32>,
      %get3A_362 = vector.shape_cast %get3A_361 : vector<1x16xf32> to vector<16xf32>
      %swap3A_363 = arith.index_cast %scan3A_44 : i32 to index
      %swap3A_364 = arith.constant 560 : index
      %swap3A_365 = tpu.vector_load %arg8[%swap3A_363, %swap3A_364] {strides = array<i32>} : memref<64x768xf32, #tpu.memory_space<vmem>>, vector<1x16xf32>,
      %swap3A_366 = vector.shape_cast %swap3A_365 : vector<1x16xf32> to vector<16xf32>
      %swap3A_367 = vector.shape_cast %get3A_362 : vector<16xf32> to vector<1x16xf32>
      tpu.vector_store %arg8[%swap3A_363, %swap3A_364], %swap3A_367 {add = true, strides = array<i32>} : memref<64x768xf32, #tpu.memory_space<vmem>>, vector<1x16xf32>,
      %get3A_368 = arith.index_cast %scan3A_44 : i32 to index
      %get3A_369 = arith.constant 576 : index
      %get3A_370 = tpu.vector_load %arg9[%get3A_368, %get3A_369] {strides = array<i32>} : memref<64x768xf32, #tpu.memory_space<vmem>>, vector<1x16xf32>,
      %get3A_371 = vector.shape_cast %get3A_370 : vector<1x16xf32> to vector<16xf32>
      %swap3A_372 = arith.index_cast %scan3A_44 : i32 to index
      %swap3A_373 = arith.constant 576 : index
      %swap3A_374 = tpu.vector_load %arg8[%swap3A_372, %swap3A_373] {strides = array<i32>} : memref<64x768xf32, #tpu.memory_space<vmem>>, vector<1x16xf32>,
      %swap3A_375 = vector.shape_cast %swap3A_374 : vector<1x16xf32> to vector<16xf32>
      %swap3A_376 = vector.shape_cast %get3A_371 : vector<16xf32> to vector<1x16xf32>
      tpu.vector_store %arg8[%swap3A_372, %swap3A_373], %swap3A_376 {add = true, strides = array<i32>} : memref<64x768xf32, #tpu.memory_space<vmem>>, vector<1x16xf32>,
      %get3A_377 = arith.index_cast %scan3A_44 : i32 to index
      %get3A_378 = arith.constant 592 : index
      %get3A_379 = tpu.vector_load %arg9[%get3A_377, %get3A_378] {strides = array<i32>} : memref<64x768xf32, #tpu.memory_space<vmem>>, vector<1x16xf32>,
      %get3A_380 = vector.shape_cast %get3A_379 : vector<1x16xf32> to vector<16xf32>
      %swap3A_381 = arith.index_cast %scan3A_44 : i32 to index
      %swap3A_382 = arith.constant 592 : index
      %swap3A_383 = tpu.vector_load %arg8[%swap3A_381, %swap3A_382] {strides = array<i32>} : memref<64x768xf32, #tpu.memory_space<vmem>>, vector<1x16xf32>,
      %swap3A_384 = vector.shape_cast %swap3A_383 : vector<1x16xf32> to vector<16xf32>
      %swap3A_385 = vector.shape_cast %get3A_380 : vector<16xf32> to vector<1x16xf32>
      tpu.vector_store %arg8[%swap3A_381, %swap3A_382], %swap3A_385 {add = true, strides = array<i32>} : memref<64x768xf32, #tpu.memory_space<vmem>>, vector<1x16xf32>,
      %get3A_386 = arith.index_cast %scan3A_44 : i32 to index
      %get3A_387 = arith.constant 608 : index
      %get3A_388 = tpu.vector_load %arg9[%get3A_386, %get3A_387] {strides = array<i32>} : memref<64x768xf32, #tpu.memory_space<vmem>>, vector<1x16xf32>,
      %get3A_389 = vector.shape_cast %get3A_388 : vector<1x16xf32> to vector<16xf32>
      %swap3A_390 = arith.index_cast %scan3A_44 : i32 to index
      %swap3A_391 = arith.constant 608 : index
      %swap3A_392 = tpu.vector_load %arg8[%swap3A_390, %swap3A_391] {strides = array<i32>} : memref<64x768xf32, #tpu.memory_space<vmem>>, vector<1x16xf32>,
      %swap3A_393 = vector.shape_cast %swap3A_392 : vector<1x16xf32> to vector<16xf32>
      %swap3A_394 = vector.shape_cast %get3A_389 : vector<16xf32> to vector<1x16xf32>
      tpu.vector_store %arg8[%swap3A_390, %swap3A_391], %swap3A_394 {add = true, strides = array<i32>} : memref<64x768xf32, #tpu.memory_space<vmem>>, vector<1x16xf32>,
      %get3A_395 = arith.index_cast %scan3A_44 : i32 to index
      %get3A_396 = arith.constant 624 : index
      %get3A_397 = tpu.vector_load %arg9[%get3A_395, %get3A_396] {strides = array<i32>} : memref<64x768xf32, #tpu.memory_space<vmem>>, vector<1x16xf32>,
      %get3A_398 = vector.shape_cast %get3A_397 : vector<1x16xf32> to vector<16xf32>
      %swap3A_399 = arith.index_cast %scan3A_44 : i32 to index
      %swap3A_400 = arith.constant 624 : index
      %swap3A_401 = tpu.vector_load %arg8[%swap3A_399, %swap3A_400] {strides = array<i32>} : memref<64x768xf32, #tpu.memory_space<vmem>>, vector<1x16xf32>,
      %swap3A_402 = vector.shape_cast %swap3A_401 : vector<1x16xf32> to vector<16xf32>
      %swap3A_403 = vector.shape_cast %get3A_398 : vector<16xf32> to vector<1x16xf32>
      tpu.vector_store %arg8[%swap3A_399, %swap3A_400], %swap3A_403 {add = true, strides = array<i32>} : memref<64x768xf32, #tpu.memory_space<vmem>>, vector<1x16xf32>,
      %get3A_404 = arith.index_cast %scan3A_44 : i32 to index
      %get3A_405 = arith.constant 640 : index
      %get3A_406 = tpu.vector_load %arg9[%get3A_404, %get3A_405] {strides = array<i32>} : memref<64x768xf32, #tpu.memory_space<vmem>>, vector<1x16xf32>,
      %get3A_407 = vector.shape_cast %get3A_406 : vector<1x16xf32> to vector<16xf32>
      %swap3A_408 = arith.index_cast %scan3A_44 : i32 to index
      %swap3A_409 = arith.constant 640 : index
      %swap3A_410 = tpu.vector_load %arg8[%swap3A_408, %swap3A_409] {strides = array<i32>} : memref<64x768xf32, #tpu.memory_space<vmem>>, vector<1x16xf32>,
      %swap3A_411 = vector.shape_cast %swap3A_410 : vector<1x16xf32> to vector<16xf32>
      %swap3A_412 = vector.shape_cast %get3A_407 : vector<16xf32> to vector<1x16xf32>
      tpu.vector_store %arg8[%swap3A_408, %swap3A_409], %swap3A_412 {add = true, strides = array<i32>} : memref<64x768xf32, #tpu.memory_space<vmem>>, vector<1x16xf32>,
      %get3A_413 = arith.index_cast %scan3A_44 : i32 to index
      %get3A_414 = arith.constant 656 : index
      %get3A_415 = tpu.vector_load %arg9[%get3A_413, %get3A_414] {strides = array<i32>} : memref<64x768xf32, #tpu.memory_space<vmem>>, vector<1x16xf32>,
      %get3A_416 = vector.shape_cast %get3A_415 : vector<1x16xf32> to vector<16xf32>
      %swap3A_417 = arith.index_cast %scan3A_44 : i32 to index
      %swap3A_418 = arith.constant 656 : index
      %swap3A_419 = tpu.vector_load %arg8[%swap3A_417, %swap3A_418] {strides = array<i32>} : memref<64x768xf32, #tpu.memory_space<vmem>>, vector<1x16xf32>,
      %swap3A_420 = vector.shape_cast %swap3A_419 : vector<1x16xf32> to vector<16xf32>
      %swap3A_421 = vector.shape_cast %get3A_416 : vector<16xf32> to vector<1x16xf32>
      tpu.vector_store %arg8[%swap3A_417, %swap3A_418], %swap3A_421 {add = true, strides = array<i32>} : memref<64x768xf32, #tpu.memory_space<vmem>>, vector<1x16xf32>,
      %get3A_422 = arith.index_cast %scan3A_44 : i32 to index
      %get3A_423 = arith.constant 672 : index
      %get3A_424 = tpu.vector_load %arg9[%get3A_422, %get3A_423] {strides = array<i32>} : memref<64x768xf32, #tpu.memory_space<vmem>>, vector<1x16xf32>,
      %get3A_425 = vector.shape_cast %get3A_424 : vector<1x16xf32> to vector<16xf32>
      %swap3A_426 = arith.index_cast %scan3A_44 : i32 to index
      %swap3A_427 = arith.constant 672 : index
      %swap3A_428 = tpu.vector_load %arg8[%swap3A_426, %swap3A_427] {strides = array<i32>} : memref<64x768xf32, #tpu.memory_space<vmem>>, vector<1x16xf32>,
      %swap3A_429 = vector.shape_cast %swap3A_428 : vector<1x16xf32> to vector<16xf32>
      %swap3A_430 = vector.shape_cast %get3A_425 : vector<16xf32> to vector<1x16xf32>
      tpu.vector_store %arg8[%swap3A_426, %swap3A_427], %swap3A_430 {add = true, strides = array<i32>} : memref<64x768xf32, #tpu.memory_space<vmem>>, vector<1x16xf32>,
      %get3A_431 = arith.index_cast %scan3A_44 : i32 to index
      %get3A_432 = arith.constant 688 : index
      %get3A_433 = tpu.vector_load %arg9[%get3A_431, %get3A_432] {strides = array<i32>} : memref<64x768xf32, #tpu.memory_space<vmem>>, vector<1x16xf32>,
      %get3A_434 = vector.shape_cast %get3A_433 : vector<1x16xf32> to vector<16xf32>
      %swap3A_435 = arith.index_cast %scan3A_44 : i32 to index
      %swap3A_436 = arith.constant 688 : index
      %swap3A_437 = tpu.vector_load %arg8[%swap3A_435, %swap3A_436] {strides = array<i32>} : memref<64x768xf32, #tpu.memory_space<vmem>>, vector<1x16xf32>,
      %swap3A_438 = vector.shape_cast %swap3A_437 : vector<1x16xf32> to vector<16xf32>
      %swap3A_439 = vector.shape_cast %get3A_434 : vector<16xf32> to vector<1x16xf32>
      tpu.vector_store %arg8[%swap3A_435, %swap3A_436], %swap3A_439 {add = true, strides = array<i32>} : memref<64x768xf32, #tpu.memory_space<vmem>>, vector<1x16xf32>,
      %get3A_440 = arith.index_cast %scan3A_44 : i32 to index
      %get3A_441 = arith.constant 704 : index
      %get3A_442 = tpu.vector_load %arg9[%get3A_440, %get3A_441] {strides = array<i32>} : memref<64x768xf32, #tpu.memory_space<vmem>>, vector<1x16xf32>,
      %get3A_443 = vector.shape_cast %get3A_442 : vector<1x16xf32> to vector<16xf32>
      %swap3A_444 = arith.index_cast %scan3A_44 : i32 to index
      %swap3A_445 = arith.constant 704 : index
      %swap3A_446 = tpu.vector_load %arg8[%swap3A_444, %swap3A_445] {strides = array<i32>} : memref<64x768xf32, #tpu.memory_space<vmem>>, vector<1x16xf32>,
      %swap3A_447 = vector.shape_cast %swap3A_446 : vector<1x16xf32> to vector<16xf32>
      %swap3A_448 = vector.shape_cast %get3A_443 : vector<16xf32> to vector<1x16xf32>
      tpu.vector_store %arg8[%swap3A_444, %swap3A_445], %swap3A_448 {add = true, strides = array<i32>} : memref<64x768xf32, #tpu.memory_space<vmem>>, vector<1x16xf32>,
      %get3A_449 = arith.index_cast %scan3A_44 : i32 to index
      %get3A_450 = arith.constant 720 : index
      %get3A_451 = tpu.vector_load %arg9[%get3A_449, %get3A_450] {strides = array<i32>} : memref<64x768xf32, #tpu.memory_space<vmem>>, vector<1x16xf32>,
      %get3A_452 = vector.shape_cast %get3A_451 : vector<1x16xf32> to vector<16xf32>
      %swap3A_453 = arith.index_cast %scan3A_44 : i32 to index
      %swap3A_454 = arith.constant 720 : index
      %swap3A_455 = tpu.vector_load %arg8[%swap3A_453, %swap3A_454] {strides = array<i32>} : memref<64x768xf32, #tpu.memory_space<vmem>>, vector<1x16xf32>,
      %swap3A_456 = vector.shape_cast %swap3A_455 : vector<1x16xf32> to vector<16xf32>
      %swap3A_457 = vector.shape_cast %get3A_452 : vector<16xf32> to vector<1x16xf32>
      tpu.vector_store %arg8[%swap3A_453, %swap3A_454], %swap3A_457 {add = true, strides = array<i32>} : memref<64x768xf32, #tpu.memory_space<vmem>>, vector<1x16xf32>,
      %get3A_458 = arith.index_cast %scan3A_44 : i32 to index
      %get3A_459 = arith.constant 736 : index
      %get3A_460 = tpu.vector_load %arg9[%get3A_458, %get3A_459] {strides = array<i32>} : memref<64x768xf32, #tpu.memory_space<vmem>>, vector<1x16xf32>,
      %get3A_461 = vector.shape_cast %get3A_460 : vector<1x16xf32> to vector<16xf32>
      %swap3A_462 = arith.index_cast %scan3A_44 : i32 to index
      %swap3A_463 = arith.constant 736 : index
      %swap3A_464 = tpu.vector_load %arg8[%swap3A_462, %swap3A_463] {strides = array<i32>} : memref<64x768xf32, #tpu.memory_space<vmem>>, vector<1x16xf32>,
      %swap3A_465 = vector.shape_cast %swap3A_464 : vector<1x16xf32> to vector<16xf32>
      %swap3A_466 = vector.shape_cast %get3A_461 : vector<16xf32> to vector<1x16xf32>
      tpu.vector_store %arg8[%swap3A_462, %swap3A_463], %swap3A_466 {add = true, strides = array<i32>} : memref<64x768xf32, #tpu.memory_space<vmem>>, vector<1x16xf32>,
      %get3A_467 = arith.index_cast %scan3A_44 : i32 to index
      %get3A_468 = arith.constant 752 : index
      %get3A_469 = tpu.vector_load %arg9[%get3A_467, %get3A_468] {strides = array<i32>} : memref<64x768xf32, #tpu.memory_space<vmem>>, vector<1x16xf32>,
      %get3A_470 = vector.shape_cast %get3A_469 : vector<1x16xf32> to vector<16xf32>
      %swap3A_471 = arith.index_cast %scan3A_44 : i32 to index
      %swap3A_472 = arith.constant 752 : index
      %swap3A_473 = tpu.vector_load %arg8[%swap3A_471, %swap3A_472] {strides = array<i32>} : memref<64x768xf32, #tpu.memory_space<vmem>>, vector<1x16xf32>,
      %swap3A_474 = vector.shape_cast %swap3A_473 : vector<1x16xf32> to vector<16xf32>
      %swap3A_475 = vector.shape_cast %get3A_470 : vector<16xf32> to vector<1x16xf32>
      tpu.vector_store %arg8[%swap3A_471, %swap3A_472], %swap3A_475 {add = true, strides = array<i32>} : memref<64x768xf32, #tpu.memory_space<vmem>>, vector<1x16xf32>,
      %scan3A_476 = arith.constant 0 : i32
      scf.yield %scan3A_476 : i32
    }
    %scan3A_20 = arith.constant 64 : i32
    "tpu.region"() ({
      %run_scoped3A = tpu.sem_alloc : memref<!tpu.dma_semaphore, #tpu.memory_space<semaphore_mem>>
      %dma_start3A_44 = arith.constant 0 : i32
      %dma_start3A_45 = tpu.memref_slice %arg5[%add3A_4, %dma_start3A_44] : memref<4096x768xf32, #tpu.memory_space<hbm>> -> memref<64x768xf32, #tpu.memory_space<hbm>>
      %dma_start3A_46 = arith.constant 0 : i32
      %dma_start3A_47 = tpu.memref_slice %arg5[%add3A_4, %dma_start3A_46] : memref<4096x768xf32, #tpu.memory_space<hbm>> -> memref<64x768xf32, #tpu.memory_space<hbm>>
      tpu.enqueue_dma source(%arg8 : memref<64x768xf32, #tpu.memory_space<vmem>>) target(%dma_start3A_47 : memref<64x768xf32, #tpu.memory_space<hbm>>) target_semaphore(%run_scoped3A : memref<!tpu.dma_semaphore, #tpu.memory_space<semaphore_mem>>)
      %dma_wait3A_48 = arith.constant 0 : i32
      %dma_wait3A_49 = tpu.memref_slice %arg5[%add3A_4, %dma_wait3A_48] : memref<4096x768xf32, #tpu.memory_space<hbm>> -> memref<64x768xf32, #tpu.memory_space<hbm>>
      %dma_wait3A_50 = arith.constant 0 : i32
      %dma_wait3A_51 = tpu.memref_slice %arg5[%add3A_4, %dma_wait3A_50] : memref<4096x768xf32, #tpu.memory_space<hbm>> -> memref<64x768xf32, #tpu.memory_space<hbm>>
      tpu.wait_dma2 semaphore(%run_scoped3A : memref<!tpu.dma_semaphore, #tpu.memory_space<semaphore_mem>>) src(%arg8 : memref<64x768xf32, #tpu.memory_space<vmem>>) dst(%dma_wait3A_51 : memref<64x768xf32, #tpu.memory_space<hbm>>)
      tpu.yield
    }) : () -> ()
    %mul3A_21 = arith.constant 128 : i32
    %mul3A_22 = arith.muli %add3A, %mul3A_21 : i32
    %add3A_23 = arith.constant 64 : i32
    %add3A_24 = arith.addi %mul3A_22, %add3A_23 : i32
    "tpu.region"() ({
      %run_scoped3A = tpu.sem_alloc : memref<!tpu.dma_semaphore, #tpu.memory_space<semaphore_mem>>
      %dma_start3A_44 = tpu.memref_slice %arg3[%add3A_24] : memref<4096xi32, #tpu.memory_space<hbm>> -> memref<64xi32, #tpu.memory_space<hbm>>
      %dma_start3A_45 = tpu.memref_slice %arg3[%add3A_24] : memref<4096xi32, #tpu.memory_space<hbm>> -> memref<64xi32, #tpu.memory_space<hbm>>
      tpu.enqueue_dma source(%dma_start3A_45 : memref<64xi32, #tpu.memory_space<hbm>>) target(%arg6 : memref<64xi32, #tpu.memory_space<vmem>>) target_semaphore(%run_scoped3A : memref<!tpu.dma_semaphore, #tpu.memory_space<semaphore_mem>>)
      %dma_wait3A_46 = tpu.memref_slice %arg3[%add3A_24] : memref<4096xi32, #tpu.memory_space<hbm>> -> memref<64xi32, #tpu.memory_space<hbm>>
      %dma_wait3A_47 = tpu.memref_slice %arg3[%add3A_24] : memref<4096xi32, #tpu.memory_space<hbm>> -> memref<64xi32, #tpu.memory_space<hbm>>
      tpu.wait_dma2 semaphore(%run_scoped3A : memref<!tpu.dma_semaphore, #tpu.memory_space<semaphore_mem>>) src(%dma_wait3A_47 : memref<64xi32, #tpu.memory_space<hbm>>) dst(%arg6 : memref<64xi32, #tpu.memory_space<vmem>>)
      tpu.yield
    }) : () -> ()
    "tpu.region"() ({
      %run_scoped3A = tpu.sem_alloc : memref<!tpu.dma_semaphore, #tpu.memory_space<semaphore_mem>>
      %dma_start3A_44 = tpu.memref_slice %arg4[%add3A_24] : memref<4096xi32, #tpu.memory_space<hbm>> -> memref<64xi32, #tpu.memory_space<hbm>>
      %dma_start3A_45 = tpu.memref_slice %arg4[%add3A_24] : memref<4096xi32, #tpu.memory_space<hbm>> -> memref<64xi32, #tpu.memory_space<hbm>>
      tpu.enqueue_dma source(%dma_start3A_45 : memref<64xi32, #tpu.memory_space<hbm>>) target(%arg7 : memref<64xi32, #tpu.memory_space<vmem>>) target_semaphore(%run_scoped3A : memref<!tpu.dma_semaphore, #tpu.memory_space<semaphore_mem>>)
      %dma_wait3A_46 = tpu.memref_slice %arg4[%add3A_24] : memref<4096xi32, #tpu.memory_space<hbm>> -> memref<64xi32, #tpu.memory_space<hbm>>
      %dma_wait3A_47 = tpu.memref_slice %arg4[%add3A_24] : memref<4096xi32, #tpu.memory_space<hbm>> -> memref<64xi32, #tpu.memory_space<hbm>>
      tpu.wait_dma2 semaphore(%run_scoped3A : memref<!tpu.dma_semaphore, #tpu.memory_space<semaphore_mem>>) src(%dma_wait3A_47 : memref<64xi32, #tpu.memory_space<hbm>>) dst(%arg7 : memref<64xi32, #tpu.memory_space<vmem>>)
      tpu.yield
    }) : () -> ()
    %dma_start3A_25 = arith.constant 0 : i32
    %dma_start3A_26 = arith.constant 0 : i32
    %dma_start3A_27 = tpu.memref_slice %arg2[%dma_start3A_25, %dma_start3A_26] : memref<10240x768xf32, #tpu.memory_space<hbm>> -> memref<10240x768xf32, #tpu.memory_space<hbm>>
    tpu.enqueue_indirect_dma source(%dma_start3A_27 : memref<10240x768xf32, #tpu.memory_space<hbm>>) target(%arg8 : memref<64x768xf32, #tpu.memory_space<vmem>>) offsets(%arg6 : memref<64xi32, #tpu.memory_space<vmem>>) semaphore(%arg10 : memref<!tpu.dma_semaphore, #tpu.memory_space<semaphore_mem>>)
    %dma_wait3A_28 = arith.constant 0 : i32
    %dma_wait3A_29 = arith.constant 0 : i32
    %dma_wait3A_30 = tpu.memref_slice %arg2[%dma_wait3A_28, %dma_wait3A_29] : memref<10240x768xf32, #tpu.memory_space<hbm>> -> memref<10240x768xf32, #tpu.memory_space<hbm>>
    tpu.wait_indirect_dma semaphore(%arg10 : memref<!tpu.dma_semaphore, #tpu.memory_space<semaphore_mem>>) src(%dma_wait3A_30 : memref<10240x768xf32, #tpu.memory_space<hbm>>) dst(%arg8 : memref<64x768xf32, #tpu.memory_space<vmem>>)
    %dma_start3A_31 = arith.constant 0 : i32
    %dma_start3A_32 = arith.constant 0 : i32
    %dma_start3A_33 = tpu.memref_slice %arg2[%dma_start3A_31, %dma_start3A_32] : memref<10240x768xf32, #tpu.memory_space<hbm>> -> memref<10240x768xf32, #tpu.memory_space<hbm>>
    tpu.enqueue_indirect_dma source(%dma_start3A_33 : memref<10240x768xf32, #tpu.memory_space<hbm>>) target(%arg9 : memref<64x768xf32, #tpu.memory_space<vmem>>) offsets(%arg7 : memref<64xi32, #tpu.memory_space<vmem>>) semaphore(%arg10 : memref<!tpu.dma_semaphore, #tpu.memory_space<semaphore_mem>>)
    %dma_wait3A_34 = arith.constant 0 : i32
    %dma_wait3A_35 = arith.constant 0 : i32
    %dma_wait3A_36 = tpu.memref_slice %arg2[%dma_wait3A_34, %dma_wait3A_35] : memref<10240x768xf32, #tpu.memory_space<hbm>> -> memref<10240x768xf32, #tpu.memory_space<hbm>>
    tpu.wait_indirect_dma semaphore(%arg10 : memref<!tpu.dma_semaphore, #tpu.memory_space<semaphore_mem>>) src(%dma_wait3A_36 : memref<10240x768xf32, #tpu.memory_space<hbm>>) dst(%arg9 : memref<64x768xf32, #tpu.memory_space<vmem>>)
    %scan3A_37 = arith.constant 0 : i32
    %scan3A_38 = arith.constant 0 : i32
    %scan3A_39 = arith.constant 64 : i32
    %scan3A_40 = arith.addi %scan3A_38, %scan3A_39 : i32
    %scan3A_41 = arith.constant 1 : i32
    %scan3A_42 = scf.for %scan3A_44 = %scan3A_38 to %scan3A_40 step %scan3A_41 iter_args(%scan3A_45 = %scan3A_37) -> (i32)  : i32 {
      %get3A = arith.index_cast %scan3A_44 : i32 to index
      %get3A_46 = arith.constant 0 : index
      %get3A_47 = tpu.vector_load %arg9[%get3A, %get3A_46] {strides = array<i32>} : memref<64x768xf32, #tpu.memory_space<vmem>>, vector<1x16xf32>,
      %get3A_48 = vector.shape_cast %get3A_47 : vector<1x16xf32> to vector<16xf32>
      %swap3A = arith.index_cast %scan3A_44 : i32 to index
      %swap3A_49 = arith.constant 0 : index
      %swap3A_50 = tpu.vector_load %arg8[%swap3A, %swap3A_49] {strides = array<i32>} : memref<64x768xf32, #tpu.memory_space<vmem>>, vector<1x16xf32>,
      %swap3A_51 = vector.shape_cast %swap3A_50 : vector<1x16xf32> to vector<16xf32>
      %swap3A_52 = vector.shape_cast %get3A_48 : vector<16xf32> to vector<1x16xf32>
      tpu.vector_store %arg8[%swap3A, %swap3A_49], %swap3A_52 {add = true, strides = array<i32>} : memref<64x768xf32, #tpu.memory_space<vmem>>, vector<1x16xf32>,
      %get3A_53 = arith.index_cast %scan3A_44 : i32 to index
      %get3A_54 = arith.constant 16 : index
      %get3A_55 = tpu.vector_load %arg9[%get3A_53, %get3A_54] {strides = array<i32>} : memref<64x768xf32, #tpu.memory_space<vmem>>, vector<1x16xf32>,
      %get3A_56 = vector.shape_cast %get3A_55 : vector<1x16xf32> to vector<16xf32>
      %swap3A_57 = arith.index_cast %scan3A_44 : i32 to index
      %swap3A_58 = arith.constant 16 : index
      %swap3A_59 = tpu.vector_load %arg8[%swap3A_57, %swap3A_58] {strides = array<i32>} : memref<64x768xf32, #tpu.memory_space<vmem>>, vector<1x16xf32>,
      %swap3A_60 = vector.shape_cast %swap3A_59 : vector<1x16xf32> to vector<16xf32>
      %swap3A_61 = vector.shape_cast %get3A_56 : vector<16xf32> to vector<1x16xf32>
      tpu.vector_store %arg8[%swap3A_57, %swap3A_58], %swap3A_61 {add = true, strides = array<i32>} : memref<64x768xf32, #tpu.memory_space<vmem>>, vector<1x16xf32>,
      %get3A_62 = arith.index_cast %scan3A_44 : i32 to index
      %get3A_63 = arith.constant 32 : index
      %get3A_64 = tpu.vector_load %arg9[%get3A_62, %get3A_63] {strides = array<i32>} : memref<64x768xf32, #tpu.memory_space<vmem>>, vector<1x16xf32>,
      %get3A_65 = vector.shape_cast %get3A_64 : vector<1x16xf32> to vector<16xf32>
      %swap3A_66 = arith.index_cast %scan3A_44 : i32 to index
      %swap3A_67 = arith.constant 32 : index
      %swap3A_68 = tpu.vector_load %arg8[%swap3A_66, %swap3A_67] {strides = array<i32>} : memref<64x768xf32, #tpu.memory_space<vmem>>, vector<1x16xf32>,
      %swap3A_69 = vector.shape_cast %swap3A_68 : vector<1x16xf32> to vector<16xf32>
      %swap3A_70 = vector.shape_cast %get3A_65 : vector<16xf32> to vector<1x16xf32>
      tpu.vector_store %arg8[%swap3A_66, %swap3A_67], %swap3A_70 {add = true, strides = array<i32>} : memref<64x768xf32, #tpu.memory_space<vmem>>, vector<1x16xf32>,
      %get3A_71 = arith.index_cast %scan3A_44 : i32 to index
      %get3A_72 = arith.constant 48 : index
      %get3A_73 = tpu.vector_load %arg9[%get3A_71, %get3A_72] {strides = array<i32>} : memref<64x768xf32, #tpu.memory_space<vmem>>, vector<1x16xf32>,
      %get3A_74 = vector.shape_cast %get3A_73 : vector<1x16xf32> to vector<16xf32>
      %swap3A_75 = arith.index_cast %scan3A_44 : i32 to index
      %swap3A_76 = arith.constant 48 : index
      %swap3A_77 = tpu.vector_load %arg8[%swap3A_75, %swap3A_76] {strides = array<i32>} : memref<64x768xf32, #tpu.memory_space<vmem>>, vector<1x16xf32>,
      %swap3A_78 = vector.shape_cast %swap3A_77 : vector<1x16xf32> to vector<16xf32>
      %swap3A_79 = vector.shape_cast %get3A_74 : vector<16xf32> to vector<1x16xf32>
      tpu.vector_store %arg8[%swap3A_75, %swap3A_76], %swap3A_79 {add = true, strides = array<i32>} : memref<64x768xf32, #tpu.memory_space<vmem>>, vector<1x16xf32>,
      %get3A_80 = arith.index_cast %scan3A_44 : i32 to index
      %get3A_81 = arith.constant 64 : index
      %get3A_82 = tpu.vector_load %arg9[%get3A_80, %get3A_81] {strides = array<i32>} : memref<64x768xf32, #tpu.memory_space<vmem>>, vector<1x16xf32>,
      %get3A_83 = vector.shape_cast %get3A_82 : vector<1x16xf32> to vector<16xf32>
      %swap3A_84 = arith.index_cast %scan3A_44 : i32 to index
      %swap3A_85 = arith.constant 64 : index
      %swap3A_86 = tpu.vector_load %arg8[%swap3A_84, %swap3A_85] {strides = array<i32>} : memref<64x768xf32, #tpu.memory_space<vmem>>, vector<1x16xf32>,
      %swap3A_87 = vector.shape_cast %swap3A_86 : vector<1x16xf32> to vector<16xf32>
      %swap3A_88 = vector.shape_cast %get3A_83 : vector<16xf32> to vector<1x16xf32>
      tpu.vector_store %arg8[%swap3A_84, %swap3A_85], %swap3A_88 {add = true, strides = array<i32>} : memref<64x768xf32, #tpu.memory_space<vmem>>, vector<1x16xf32>,
      %get3A_89 = arith.index_cast %scan3A_44 : i32 to index
      %get3A_90 = arith.constant 80 : index
      %get3A_91 = tpu.vector_load %arg9[%get3A_89, %get3A_90] {strides = array<i32>} : memref<64x768xf32, #tpu.memory_space<vmem>>, vector<1x16xf32>,
      %get3A_92 = vector.shape_cast %get3A_91 : vector<1x16xf32> to vector<16xf32>
      %swap3A_93 = arith.index_cast %scan3A_44 : i32 to index
      %swap3A_94 = arith.constant 80 : index
      %swap3A_95 = tpu.vector_load %arg8[%swap3A_93, %swap3A_94] {strides = array<i32>} : memref<64x768xf32, #tpu.memory_space<vmem>>, vector<1x16xf32>,
      %swap3A_96 = vector.shape_cast %swap3A_95 : vector<1x16xf32> to vector<16xf32>
      %swap3A_97 = vector.shape_cast %get3A_92 : vector<16xf32> to vector<1x16xf32>
      tpu.vector_store %arg8[%swap3A_93, %swap3A_94], %swap3A_97 {add = true, strides = array<i32>} : memref<64x768xf32, #tpu.memory_space<vmem>>, vector<1x16xf32>,
      %get3A_98 = arith.index_cast %scan3A_44 : i32 to index
      %get3A_99 = arith.constant 96 : index
      %get3A_100 = tpu.vector_load %arg9[%get3A_98, %get3A_99] {strides = array<i32>} : memref<64x768xf32, #tpu.memory_space<vmem>>, vector<1x16xf32>,
      %get3A_101 = vector.shape_cast %get3A_100 : vector<1x16xf32> to vector<16xf32>
      %swap3A_102 = arith.index_cast %scan3A_44 : i32 to index
      %swap3A_103 = arith.constant 96 : index
      %swap3A_104 = tpu.vector_load %arg8[%swap3A_102, %swap3A_103] {strides = array<i32>} : memref<64x768xf32, #tpu.memory_space<vmem>>, vector<1x16xf32>,
      %swap3A_105 = vector.shape_cast %swap3A_104 : vector<1x16xf32> to vector<16xf32>
      %swap3A_106 = vector.shape_cast %get3A_101 : vector<16xf32> to vector<1x16xf32>
      tpu.vector_store %arg8[%swap3A_102, %swap3A_103], %swap3A_106 {add = true, strides = array<i32>} : memref<64x768xf32, #tpu.memory_space<vmem>>, vector<1x16xf32>,
      %get3A_107 = arith.index_cast %scan3A_44 : i32 to index
      %get3A_108 = arith.constant 112 : index
      %get3A_109 = tpu.vector_load %arg9[%get3A_107, %get3A_108] {strides = array<i32>} : memref<64x768xf32, #tpu.memory_space<vmem>>, vector<1x16xf32>,
      %get3A_110 = vector.shape_cast %get3A_109 : vector<1x16xf32> to vector<16xf32>
      %swap3A_111 = arith.index_cast %scan3A_44 : i32 to index
      %swap3A_112 = arith.constant 112 : index
      %swap3A_113 = tpu.vector_load %arg8[%swap3A_111, %swap3A_112] {strides = array<i32>} : memref<64x768xf32, #tpu.memory_space<vmem>>, vector<1x16xf32>,
      %swap3A_114 = vector.shape_cast %swap3A_113 : vector<1x16xf32> to vector<16xf32>
      %swap3A_115 = vector.shape_cast %get3A_110 : vector<16xf32> to vector<1x16xf32>
      tpu.vector_store %arg8[%swap3A_111, %swap3A_112], %swap3A_115 {add = true, strides = array<i32>} : memref<64x768xf32, #tpu.memory_space<vmem>>, vector<1x16xf32>,
      %get3A_116 = arith.index_cast %scan3A_44 : i32 to index
      %get3A_117 = arith.constant 128 : index
      %get3A_118 = tpu.vector_load %arg9[%get3A_116, %get3A_117] {strides = array<i32>} : memref<64x768xf32, #tpu.memory_space<vmem>>, vector<1x16xf32>,
      %get3A_119 = vector.shape_cast %get3A_118 : vector<1x16xf32> to vector<16xf32>
      %swap3A_120 = arith.index_cast %scan3A_44 : i32 to index
      %swap3A_121 = arith.constant 128 : index
      %swap3A_122 = tpu.vector_load %arg8[%swap3A_120, %swap3A_121] {strides = array<i32>} : memref<64x768xf32, #tpu.memory_space<vmem>>, vector<1x16xf32>,
      %swap3A_123 = vector.shape_cast %swap3A_122 : vector<1x16xf32> to vector<16xf32>
      %swap3A_124 = vector.shape_cast %get3A_119 : vector<16xf32> to vector<1x16xf32>
      tpu.vector_store %arg8[%swap3A_120, %swap3A_121], %swap3A_124 {add = true, strides = array<i32>} : memref<64x768xf32, #tpu.memory_space<vmem>>, vector<1x16xf32>,
      %get3A_125 = arith.index_cast %scan3A_44 : i32 to index
      %get3A_126 = arith.constant 144 : index
      %get3A_127 = tpu.vector_load %arg9[%get3A_125, %get3A_126] {strides = array<i32>} : memref<64x768xf32, #tpu.memory_space<vmem>>, vector<1x16xf32>,
      %get3A_128 = vector.shape_cast %get3A_127 : vector<1x16xf32> to vector<16xf32>
      %swap3A_129 = arith.index_cast %scan3A_44 : i32 to index
      %swap3A_130 = arith.constant 144 : index
      %swap3A_131 = tpu.vector_load %arg8[%swap3A_129, %swap3A_130] {strides = array<i32>} : memref<64x768xf32, #tpu.memory_space<vmem>>, vector<1x16xf32>,
      %swap3A_132 = vector.shape_cast %swap3A_131 : vector<1x16xf32> to vector<16xf32>
      %swap3A_133 = vector.shape_cast %get3A_128 : vector<16xf32> to vector<1x16xf32>
      tpu.vector_store %arg8[%swap3A_129, %swap3A_130], %swap3A_133 {add = true, strides = array<i32>} : memref<64x768xf32, #tpu.memory_space<vmem>>, vector<1x16xf32>,
      %get3A_134 = arith.index_cast %scan3A_44 : i32 to index
      %get3A_135 = arith.constant 160 : index
      %get3A_136 = tpu.vector_load %arg9[%get3A_134, %get3A_135] {strides = array<i32>} : memref<64x768xf32, #tpu.memory_space<vmem>>, vector<1x16xf32>,
      %get3A_137 = vector.shape_cast %get3A_136 : vector<1x16xf32> to vector<16xf32>
      %swap3A_138 = arith.index_cast %scan3A_44 : i32 to index
      %swap3A_139 = arith.constant 160 : index
      %swap3A_140 = tpu.vector_load %arg8[%swap3A_138, %swap3A_139] {strides = array<i32>} : memref<64x768xf32, #tpu.memory_space<vmem>>, vector<1x16xf32>,
      %swap3A_141 = vector.shape_cast %swap3A_140 : vector<1x16xf32> to vector<16xf32>
      %swap3A_142 = vector.shape_cast %get3A_137 : vector<16xf32> to vector<1x16xf32>
      tpu.vector_store %arg8[%swap3A_138, %swap3A_139], %swap3A_142 {add = true, strides = array<i32>} : memref<64x768xf32, #tpu.memory_space<vmem>>, vector<1x16xf32>,
      %get3A_143 = arith.index_cast %scan3A_44 : i32 to index
      %get3A_144 = arith.constant 176 : index
      %get3A_145 = tpu.vector_load %arg9[%get3A_143, %get3A_144] {strides = array<i32>} : memref<64x768xf32, #tpu.memory_space<vmem>>, vector<1x16xf32>,
      %get3A_146 = vector.shape_cast %get3A_145 : vector<1x16xf32> to vector<16xf32>
      %swap3A_147 = arith.index_cast %scan3A_44 : i32 to index
      %swap3A_148 = arith.constant 176 : index
      %swap3A_149 = tpu.vector_load %arg8[%swap3A_147, %swap3A_148] {strides = array<i32>} : memref<64x768xf32, #tpu.memory_space<vmem>>, vector<1x16xf32>,
      %swap3A_150 = vector.shape_cast %swap3A_149 : vector<1x16xf32> to vector<16xf32>
      %swap3A_151 = vector.shape_cast %get3A_146 : vector<16xf32> to vector<1x16xf32>
      tpu.vector_store %arg8[%swap3A_147, %swap3A_148], %swap3A_151 {add = true, strides = array<i32>} : memref<64x768xf32, #tpu.memory_space<vmem>>, vector<1x16xf32>,
      %get3A_152 = arith.index_cast %scan3A_44 : i32 to index
      %get3A_153 = arith.constant 192 : index
      %get3A_154 = tpu.vector_load %arg9[%get3A_152, %get3A_153] {strides = array<i32>} : memref<64x768xf32, #tpu.memory_space<vmem>>, vector<1x16xf32>,
      %get3A_155 = vector.shape_cast %get3A_154 : vector<1x16xf32> to vector<16xf32>
      %swap3A_156 = arith.index_cast %scan3A_44 : i32 to index
      %swap3A_157 = arith.constant 192 : index
      %swap3A_158 = tpu.vector_load %arg8[%swap3A_156, %swap3A_157] {strides = array<i32>} : memref<64x768xf32, #tpu.memory_space<vmem>>, vector<1x16xf32>,
      %swap3A_159 = vector.shape_cast %swap3A_158 : vector<1x16xf32> to vector<16xf32>
      %swap3A_160 = vector.shape_cast %get3A_155 : vector<16xf32> to vector<1x16xf32>
      tpu.vector_store %arg8[%swap3A_156, %swap3A_157], %swap3A_160 {add = true, strides = array<i32>} : memref<64x768xf32, #tpu.memory_space<vmem>>, vector<1x16xf32>,
      %get3A_161 = arith.index_cast %scan3A_44 : i32 to index
      %get3A_162 = arith.constant 208 : index
      %get3A_163 = tpu.vector_load %arg9[%get3A_161, %get3A_162] {strides = array<i32>} : memref<64x768xf32, #tpu.memory_space<vmem>>, vector<1x16xf32>,
      %get3A_164 = vector.shape_cast %get3A_163 : vector<1x16xf32> to vector<16xf32>
      %swap3A_165 = arith.index_cast %scan3A_44 : i32 to index
      %swap3A_166 = arith.constant 208 : index
      %swap3A_167 = tpu.vector_load %arg8[%swap3A_165, %swap3A_166] {strides = array<i32>} : memref<64x768xf32, #tpu.memory_space<vmem>>, vector<1x16xf32>,
      %swap3A_168 = vector.shape_cast %swap3A_167 : vector<1x16xf32> to vector<16xf32>
      %swap3A_169 = vector.shape_cast %get3A_164 : vector<16xf32> to vector<1x16xf32>
      tpu.vector_store %arg8[%swap3A_165, %swap3A_166], %swap3A_169 {add = true, strides = array<i32>} : memref<64x768xf32, #tpu.memory_space<vmem>>, vector<1x16xf32>,
      %get3A_170 = arith.index_cast %scan3A_44 : i32 to index
      %get3A_171 = arith.constant 224 : index
      %get3A_172 = tpu.vector_load %arg9[%get3A_170, %get3A_171] {strides = array<i32>} : memref<64x768xf32, #tpu.memory_space<vmem>>, vector<1x16xf32>,
      %get3A_173 = vector.shape_cast %get3A_172 : vector<1x16xf32> to vector<16xf32>
      %swap3A_174 = arith.index_cast %scan3A_44 : i32 to index
      %swap3A_175 = arith.constant 224 : index
      %swap3A_176 = tpu.vector_load %arg8[%swap3A_174, %swap3A_175] {strides = array<i32>} : memref<64x768xf32, #tpu.memory_space<vmem>>, vector<1x16xf32>,
      %swap3A_177 = vector.shape_cast %swap3A_176 : vector<1x16xf32> to vector<16xf32>
      %swap3A_178 = vector.shape_cast %get3A_173 : vector<16xf32> to vector<1x16xf32>
      tpu.vector_store %arg8[%swap3A_174, %swap3A_175], %swap3A_178 {add = true, strides = array<i32>} : memref<64x768xf32, #tpu.memory_space<vmem>>, vector<1x16xf32>,
      %get3A_179 = arith.index_cast %scan3A_44 : i32 to index
      %get3A_180 = arith.constant 240 : index
      %get3A_181 = tpu.vector_load %arg9[%get3A_179, %get3A_180] {strides = array<i32>} : memref<64x768xf32, #tpu.memory_space<vmem>>, vector<1x16xf32>,
      %get3A_182 = vector.shape_cast %get3A_181 : vector<1x16xf32> to vector<16xf32>
      %swap3A_183 = arith.index_cast %scan3A_44 : i32 to index
      %swap3A_184 = arith.constant 240 : index
      %swap3A_185 = tpu.vector_load %arg8[%swap3A_183, %swap3A_184] {strides = array<i32>} : memref<64x768xf32, #tpu.memory_space<vmem>>, vector<1x16xf32>,
      %swap3A_186 = vector.shape_cast %swap3A_185 : vector<1x16xf32> to vector<16xf32>
      %swap3A_187 = vector.shape_cast %get3A_182 : vector<16xf32> to vector<1x16xf32>
      tpu.vector_store %arg8[%swap3A_183, %swap3A_184], %swap3A_187 {add = true, strides = array<i32>} : memref<64x768xf32, #tpu.memory_space<vmem>>, vector<1x16xf32>,
      %get3A_188 = arith.index_cast %scan3A_44 : i32 to index
      %get3A_189 = arith.constant 256 : index
      %get3A_190 = tpu.vector_load %arg9[%get3A_188, %get3A_189] {strides = array<i32>} : memref<64x768xf32, #tpu.memory_space<vmem>>, vector<1x16xf32>,
      %get3A_191 = vector.shape_cast %get3A_190 : vector<1x16xf32> to vector<16xf32>
      %swap3A_192 = arith.index_cast %scan3A_44 : i32 to index
      %swap3A_193 = arith.constant 256 : index
      %swap3A_194 = tpu.vector_load %arg8[%swap3A_192, %swap3A_193] {strides = array<i32>} : memref<64x768xf32, #tpu.memory_space<vmem>>, vector<1x16xf32>,
      %swap3A_195 = vector.shape_cast %swap3A_194 : vector<1x16xf32> to vector<16xf32>
      %swap3A_196 = vector.shape_cast %get3A_191 : vector<16xf32> to vector<1x16xf32>
      tpu.vector_store %arg8[%swap3A_192, %swap3A_193], %swap3A_196 {add = true, strides = array<i32>} : memref<64x768xf32, #tpu.memory_space<vmem>>, vector<1x16xf32>,
      %get3A_197 = arith.index_cast %scan3A_44 : i32 to index
      %get3A_198 = arith.constant 272 : index
      %get3A_199 = tpu.vector_load %arg9[%get3A_197, %get3A_198] {strides = array<i32>} : memref<64x768xf32, #tpu.memory_space<vmem>>, vector<1x16xf32>,
      %get3A_200 = vector.shape_cast %get3A_199 : vector<1x16xf32> to vector<16xf32>
      %swap3A_201 = arith.index_cast %scan3A_44 : i32 to index
      %swap3A_202 = arith.constant 272 : index
      %swap3A_203 = tpu.vector_load %arg8[%swap3A_201, %swap3A_202] {strides = array<i32>} : memref<64x768xf32, #tpu.memory_space<vmem>>, vector<1x16xf32>,
      %swap3A_204 = vector.shape_cast %swap3A_203 : vector<1x16xf32> to vector<16xf32>
      %swap3A_205 = vector.shape_cast %get3A_200 : vector<16xf32> to vector<1x16xf32>
      tpu.vector_store %arg8[%swap3A_201, %swap3A_202], %swap3A_205 {add = true, strides = array<i32>} : memref<64x768xf32, #tpu.memory_space<vmem>>, vector<1x16xf32>,
      %get3A_206 = arith.index_cast %scan3A_44 : i32 to index
      %get3A_207 = arith.constant 288 : index
      %get3A_208 = tpu.vector_load %arg9[%get3A_206, %get3A_207] {strides = array<i32>} : memref<64x768xf32, #tpu.memory_space<vmem>>, vector<1x16xf32>,
      %get3A_209 = vector.shape_cast %get3A_208 : vector<1x16xf32> to vector<16xf32>
      %swap3A_210 = arith.index_cast %scan3A_44 : i32 to index
      %swap3A_211 = arith.constant 288 : index
      %swap3A_212 = tpu.vector_load %arg8[%swap3A_210, %swap3A_211] {strides = array<i32>} : memref<64x768xf32, #tpu.memory_space<vmem>>, vector<1x16xf32>,
      %swap3A_213 = vector.shape_cast %swap3A_212 : vector<1x16xf32> to vector<16xf32>
      %swap3A_214 = vector.shape_cast %get3A_209 : vector<16xf32> to vector<1x16xf32>
      tpu.vector_store %arg8[%swap3A_210, %swap3A_211], %swap3A_214 {add = true, strides = array<i32>} : memref<64x768xf32, #tpu.memory_space<vmem>>, vector<1x16xf32>,
      %get3A_215 = arith.index_cast %scan3A_44 : i32 to index
      %get3A_216 = arith.constant 304 : index
      %get3A_217 = tpu.vector_load %arg9[%get3A_215, %get3A_216] {strides = array<i32>} : memref<64x768xf32, #tpu.memory_space<vmem>>, vector<1x16xf32>,
      %get3A_218 = vector.shape_cast %get3A_217 : vector<1x16xf32> to vector<16xf32>
      %swap3A_219 = arith.index_cast %scan3A_44 : i32 to index
      %swap3A_220 = arith.constant 304 : index
      %swap3A_221 = tpu.vector_load %arg8[%swap3A_219, %swap3A_220] {strides = array<i32>} : memref<64x768xf32, #tpu.memory_space<vmem>>, vector<1x16xf32>,
      %swap3A_222 = vector.shape_cast %swap3A_221 : vector<1x16xf32> to vector<16xf32>
      %swap3A_223 = vector.shape_cast %get3A_218 : vector<16xf32> to vector<1x16xf32>
      tpu.vector_store %arg8[%swap3A_219, %swap3A_220], %swap3A_223 {add = true, strides = array<i32>} : memref<64x768xf32, #tpu.memory_space<vmem>>, vector<1x16xf32>,
      %get3A_224 = arith.index_cast %scan3A_44 : i32 to index
      %get3A_225 = arith.constant 320 : index
      %get3A_226 = tpu.vector_load %arg9[%get3A_224, %get3A_225] {strides = array<i32>} : memref<64x768xf32, #tpu.memory_space<vmem>>, vector<1x16xf32>,
      %get3A_227 = vector.shape_cast %get3A_226 : vector<1x16xf32> to vector<16xf32>
      %swap3A_228 = arith.index_cast %scan3A_44 : i32 to index
      %swap3A_229 = arith.constant 320 : index
      %swap3A_230 = tpu.vector_load %arg8[%swap3A_228, %swap3A_229] {strides = array<i32>} : memref<64x768xf32, #tpu.memory_space<vmem>>, vector<1x16xf32>,
      %swap3A_231 = vector.shape_cast %swap3A_230 : vector<1x16xf32> to vector<16xf32>
      %swap3A_232 = vector.shape_cast %get3A_227 : vector<16xf32> to vector<1x16xf32>
      tpu.vector_store %arg8[%swap3A_228, %swap3A_229], %swap3A_232 {add = true, strides = array<i32>} : memref<64x768xf32, #tpu.memory_space<vmem>>, vector<1x16xf32>,
      %get3A_233 = arith.index_cast %scan3A_44 : i32 to index
      %get3A_234 = arith.constant 336 : index
      %get3A_235 = tpu.vector_load %arg9[%get3A_233, %get3A_234] {strides = array<i32>} : memref<64x768xf32, #tpu.memory_space<vmem>>, vector<1x16xf32>,
      %get3A_236 = vector.shape_cast %get3A_235 : vector<1x16xf32> to vector<16xf32>
      %swap3A_237 = arith.index_cast %scan3A_44 : i32 to index
      %swap3A_238 = arith.constant 336 : index
      %swap3A_239 = tpu.vector_load %arg8[%swap3A_237, %swap3A_238] {strides = array<i32>} : memref<64x768xf32, #tpu.memory_space<vmem>>, vector<1x16xf32>,
      %swap3A_240 = vector.shape_cast %swap3A_239 : vector<1x16xf32> to vector<16xf32>
      %swap3A_241 = vector.shape_cast %get3A_236 : vector<16xf32> to vector<1x16xf32>
      tpu.vector_store %arg8[%swap3A_237, %swap3A_238], %swap3A_241 {add = true, strides = array<i32>} : memref<64x768xf32, #tpu.memory_space<vmem>>, vector<1x16xf32>,
      %get3A_242 = arith.index_cast %scan3A_44 : i32 to index
      %get3A_243 = arith.constant 352 : index
      %get3A_244 = tpu.vector_load %arg9[%get3A_242, %get3A_243] {strides = array<i32>} : memref<64x768xf32, #tpu.memory_space<vmem>>, vector<1x16xf32>,
      %get3A_245 = vector.shape_cast %get3A_244 : vector<1x16xf32> to vector<16xf32>
      %swap3A_246 = arith.index_cast %scan3A_44 : i32 to index
      %swap3A_247 = arith.constant 352 : index
      %swap3A_248 = tpu.vector_load %arg8[%swap3A_246, %swap3A_247] {strides = array<i32>} : memref<64x768xf32, #tpu.memory_space<vmem>>, vector<1x16xf32>,
      %swap3A_249 = vector.shape_cast %swap3A_248 : vector<1x16xf32> to vector<16xf32>
      %swap3A_250 = vector.shape_cast %get3A_245 : vector<16xf32> to vector<1x16xf32>
      tpu.vector_store %arg8[%swap3A_246, %swap3A_247], %swap3A_250 {add = true, strides = array<i32>} : memref<64x768xf32, #tpu.memory_space<vmem>>, vector<1x16xf32>,
      %get3A_251 = arith.index_cast %scan3A_44 : i32 to index
      %get3A_252 = arith.constant 368 : index
      %get3A_253 = tpu.vector_load %arg9[%get3A_251, %get3A_252] {strides = array<i32>} : memref<64x768xf32, #tpu.memory_space<vmem>>, vector<1x16xf32>,
      %get3A_254 = vector.shape_cast %get3A_253 : vector<1x16xf32> to vector<16xf32>
      %swap3A_255 = arith.index_cast %scan3A_44 : i32 to index
      %swap3A_256 = arith.constant 368 : index
      %swap3A_257 = tpu.vector_load %arg8[%swap3A_255, %swap3A_256] {strides = array<i32>} : memref<64x768xf32, #tpu.memory_space<vmem>>, vector<1x16xf32>,
      %swap3A_258 = vector.shape_cast %swap3A_257 : vector<1x16xf32> to vector<16xf32>
      %swap3A_259 = vector.shape_cast %get3A_254 : vector<16xf32> to vector<1x16xf32>
      tpu.vector_store %arg8[%swap3A_255, %swap3A_256], %swap3A_259 {add = true, strides = array<i32>} : memref<64x768xf32, #tpu.memory_space<vmem>>, vector<1x16xf32>,
      %get3A_260 = arith.index_cast %scan3A_44 : i32 to index
      %get3A_261 = arith.constant 384 : index
      %get3A_262 = tpu.vector_load %arg9[%get3A_260, %get3A_261] {strides = array<i32>} : memref<64x768xf32, #tpu.memory_space<vmem>>, vector<1x16xf32>,
      %get3A_263 = vector.shape_cast %get3A_262 : vector<1x16xf32> to vector<16xf32>
      %swap3A_264 = arith.index_cast %scan3A_44 : i32 to index
      %swap3A_265 = arith.constant 384 : index
      %swap3A_266 = tpu.vector_load %arg8[%swap3A_264, %swap3A_265] {strides = array<i32>} : memref<64x768xf32, #tpu.memory_space<vmem>>, vector<1x16xf32>,
      %swap3A_267 = vector.shape_cast %swap3A_266 : vector<1x16xf32> to vector<16xf32>
      %swap3A_268 = vector.shape_cast %get3A_263 : vector<16xf32> to vector<1x16xf32>
      tpu.vector_store %arg8[%swap3A_264, %swap3A_265], %swap3A_268 {add = true, strides = array<i32>} : memref<64x768xf32, #tpu.memory_space<vmem>>, vector<1x16xf32>,
      %get3A_269 = arith.index_cast %scan3A_44 : i32 to index
      %get3A_270 = arith.constant 400 : index
      %get3A_271 = tpu.vector_load %arg9[%get3A_269, %get3A_270] {strides = array<i32>} : memref<64x768xf32, #tpu.memory_space<vmem>>, vector<1x16xf32>,
      %get3A_272 = vector.shape_cast %get3A_271 : vector<1x16xf32> to vector<16xf32>
      %swap3A_273 = arith.index_cast %scan3A_44 : i32 to index
      %swap3A_274 = arith.constant 400 : index
      %swap3A_275 = tpu.vector_load %arg8[%swap3A_273, %swap3A_274] {strides = array<i32>} : memref<64x768xf32, #tpu.memory_space<vmem>>, vector<1x16xf32>,
      %swap3A_276 = vector.shape_cast %swap3A_275 : vector<1x16xf32> to vector<16xf32>
      %swap3A_277 = vector.shape_cast %get3A_272 : vector<16xf32> to vector<1x16xf32>
      tpu.vector_store %arg8[%swap3A_273, %swap3A_274], %swap3A_277 {add = true, strides = array<i32>} : memref<64x768xf32, #tpu.memory_space<vmem>>, vector<1x16xf32>,
      %get3A_278 = arith.index_cast %scan3A_44 : i32 to index
      %get3A_279 = arith.constant 416 : index
      %get3A_280 = tpu.vector_load %arg9[%get3A_278, %get3A_279] {strides = array<i32>} : memref<64x768xf32, #tpu.memory_space<vmem>>, vector<1x16xf32>,
      %get3A_281 = vector.shape_cast %get3A_280 : vector<1x16xf32> to vector<16xf32>
      %swap3A_282 = arith.index_cast %scan3A_44 : i32 to index
      %swap3A_283 = arith.constant 416 : index
      %swap3A_284 = tpu.vector_load %arg8[%swap3A_282, %swap3A_283] {strides = array<i32>} : memref<64x768xf32, #tpu.memory_space<vmem>>, vector<1x16xf32>,
      %swap3A_285 = vector.shape_cast %swap3A_284 : vector<1x16xf32> to vector<16xf32>
      %swap3A_286 = vector.shape_cast %get3A_281 : vector<16xf32> to vector<1x16xf32>
      tpu.vector_store %arg8[%swap3A_282, %swap3A_283], %swap3A_286 {add = true, strides = array<i32>} : memref<64x768xf32, #tpu.memory_space<vmem>>, vector<1x16xf32>,
      %get3A_287 = arith.index_cast %scan3A_44 : i32 to index
      %get3A_288 = arith.constant 432 : index
      %get3A_289 = tpu.vector_load %arg9[%get3A_287, %get3A_288] {strides = array<i32>} : memref<64x768xf32, #tpu.memory_space<vmem>>, vector<1x16xf32>,
      %get3A_290 = vector.shape_cast %get3A_289 : vector<1x16xf32> to vector<16xf32>
      %swap3A_291 = arith.index_cast %scan3A_44 : i32 to index
      %swap3A_292 = arith.constant 432 : index
      %swap3A_293 = tpu.vector_load %arg8[%swap3A_291, %swap3A_292] {strides = array<i32>} : memref<64x768xf32, #tpu.memory_space<vmem>>, vector<1x16xf32>,
      %swap3A_294 = vector.shape_cast %swap3A_293 : vector<1x16xf32> to vector<16xf32>
      %swap3A_295 = vector.shape_cast %get3A_290 : vector<16xf32> to vector<1x16xf32>
      tpu.vector_store %arg8[%swap3A_291, %swap3A_292], %swap3A_295 {add = true, strides = array<i32>} : memref<64x768xf32, #tpu.memory_space<vmem>>, vector<1x16xf32>,
      %get3A_296 = arith.index_cast %scan3A_44 : i32 to index
      %get3A_297 = arith.constant 448 : index
      %get3A_298 = tpu.vector_load %arg9[%get3A_296, %get3A_297] {strides = array<i32>} : memref<64x768xf32, #tpu.memory_space<vmem>>, vector<1x16xf32>,
      %get3A_299 = vector.shape_cast %get3A_298 : vector<1x16xf32> to vector<16xf32>
      %swap3A_300 = arith.index_cast %scan3A_44 : i32 to index
      %swap3A_301 = arith.constant 448 : index
      %swap3A_302 = tpu.vector_load %arg8[%swap3A_300, %swap3A_301] {strides = array<i32>} : memref<64x768xf32, #tpu.memory_space<vmem>>, vector<1x16xf32>,
      %swap3A_303 = vector.shape_cast %swap3A_302 : vector<1x16xf32> to vector<16xf32>
      %swap3A_304 = vector.shape_cast %get3A_299 : vector<16xf32> to vector<1x16xf32>
      tpu.vector_store %arg8[%swap3A_300, %swap3A_301], %swap3A_304 {add = true, strides = array<i32>} : memref<64x768xf32, #tpu.memory_space<vmem>>, vector<1x16xf32>,
      %get3A_305 = arith.index_cast %scan3A_44 : i32 to index
      %get3A_306 = arith.constant 464 : index
      %get3A_307 = tpu.vector_load %arg9[%get3A_305, %get3A_306] {strides = array<i32>} : memref<64x768xf32, #tpu.memory_space<vmem>>, vector<1x16xf32>,
      %get3A_308 = vector.shape_cast %get3A_307 : vector<1x16xf32> to vector<16xf32>
      %swap3A_309 = arith.index_cast %scan3A_44 : i32 to index
      %swap3A_310 = arith.constant 464 : index
      %swap3A_311 = tpu.vector_load %arg8[%swap3A_309, %swap3A_310] {strides = array<i32>} : memref<64x768xf32, #tpu.memory_space<vmem>>, vector<1x16xf32>,
      %swap3A_312 = vector.shape_cast %swap3A_311 : vector<1x16xf32> to vector<16xf32>
      %swap3A_313 = vector.shape_cast %get3A_308 : vector<16xf32> to vector<1x16xf32>
      tpu.vector_store %arg8[%swap3A_309, %swap3A_310], %swap3A_313 {add = true, strides = array<i32>} : memref<64x768xf32, #tpu.memory_space<vmem>>, vector<1x16xf32>,
      %get3A_314 = arith.index_cast %scan3A_44 : i32 to index
      %get3A_315 = arith.constant 480 : index
      %get3A_316 = tpu.vector_load %arg9[%get3A_314, %get3A_315] {strides = array<i32>} : memref<64x768xf32, #tpu.memory_space<vmem>>, vector<1x16xf32>,
      %get3A_317 = vector.shape_cast %get3A_316 : vector<1x16xf32> to vector<16xf32>
      %swap3A_318 = arith.index_cast %scan3A_44 : i32 to index
      %swap3A_319 = arith.constant 480 : index
      %swap3A_320 = tpu.vector_load %arg8[%swap3A_318, %swap3A_319] {strides = array<i32>} : memref<64x768xf32, #tpu.memory_space<vmem>>, vector<1x16xf32>,
      %swap3A_321 = vector.shape_cast %swap3A_320 : vector<1x16xf32> to vector<16xf32>
      %swap3A_322 = vector.shape_cast %get3A_317 : vector<16xf32> to vector<1x16xf32>
      tpu.vector_store %arg8[%swap3A_318, %swap3A_319], %swap3A_322 {add = true, strides = array<i32>} : memref<64x768xf32, #tpu.memory_space<vmem>>, vector<1x16xf32>,
      %get3A_323 = arith.index_cast %scan3A_44 : i32 to index
      %get3A_324 = arith.constant 496 : index
      %get3A_325 = tpu.vector_load %arg9[%get3A_323, %get3A_324] {strides = array<i32>} : memref<64x768xf32, #tpu.memory_space<vmem>>, vector<1x16xf32>,
      %get3A_326 = vector.shape_cast %get3A_325 : vector<1x16xf32> to vector<16xf32>
      %swap3A_327 = arith.index_cast %scan3A_44 : i32 to index
      %swap3A_328 = arith.constant 496 : index
      %swap3A_329 = tpu.vector_load %arg8[%swap3A_327, %swap3A_328] {strides = array<i32>} : memref<64x768xf32, #tpu.memory_space<vmem>>, vector<1x16xf32>,
      %swap3A_330 = vector.shape_cast %swap3A_329 : vector<1x16xf32> to vector<16xf32>
      %swap3A_331 = vector.shape_cast %get3A_326 : vector<16xf32> to vector<1x16xf32>
      tpu.vector_store %arg8[%swap3A_327, %swap3A_328], %swap3A_331 {add = true, strides = array<i32>} : memref<64x768xf32, #tpu.memory_space<vmem>>, vector<1x16xf32>,
      %get3A_332 = arith.index_cast %scan3A_44 : i32 to index
      %get3A_333 = arith.constant 512 : index
      %get3A_334 = tpu.vector_load %arg9[%get3A_332, %get3A_333] {strides = array<i32>} : memref<64x768xf32, #tpu.memory_space<vmem>>, vector<1x16xf32>,
      %get3A_335 = vector.shape_cast %get3A_334 : vector<1x16xf32> to vector<16xf32>
      %swap3A_336 = arith.index_cast %scan3A_44 : i32 to index
      %swap3A_337 = arith.constant 512 : index
      %swap3A_338 = tpu.vector_load %arg8[%swap3A_336, %swap3A_337] {strides = array<i32>} : memref<64x768xf32, #tpu.memory_space<vmem>>, vector<1x16xf32>,
      %swap3A_339 = vector.shape_cast %swap3A_338 : vector<1x16xf32> to vector<16xf32>
      %swap3A_340 = vector.shape_cast %get3A_335 : vector<16xf32> to vector<1x16xf32>
      tpu.vector_store %arg8[%swap3A_336, %swap3A_337], %swap3A_340 {add = true, strides = array<i32>} : memref<64x768xf32, #tpu.memory_space<vmem>>, vector<1x16xf32>,
      %get3A_341 = arith.index_cast %scan3A_44 : i32 to index
      %get3A_342 = arith.constant 528 : index
      %get3A_343 = tpu.vector_load %arg9[%get3A_341, %get3A_342] {strides = array<i32>} : memref<64x768xf32, #tpu.memory_space<vmem>>, vector<1x16xf32>,
      %get3A_344 = vector.shape_cast %get3A_343 : vector<1x16xf32> to vector<16xf32>
      %swap3A_345 = arith.index_cast %scan3A_44 : i32 to index
      %swap3A_346 = arith.constant 528 : index
      %swap3A_347 = tpu.vector_load %arg8[%swap3A_345, %swap3A_346] {strides = array<i32>} : memref<64x768xf32, #tpu.memory_space<vmem>>, vector<1x16xf32>,
      %swap3A_348 = vector.shape_cast %swap3A_347 : vector<1x16xf32> to vector<16xf32>
      %swap3A_349 = vector.shape_cast %get3A_344 : vector<16xf32> to vector<1x16xf32>
      tpu.vector_store %arg8[%swap3A_345, %swap3A_346], %swap3A_349 {add = true, strides = array<i32>} : memref<64x768xf32, #tpu.memory_space<vmem>>, vector<1x16xf32>,
      %get3A_350 = arith.index_cast %scan3A_44 : i32 to index
      %get3A_351 = arith.constant 544 : index
      %get3A_352 = tpu.vector_load %arg9[%get3A_350, %get3A_351] {strides = array<i32>} : memref<64x768xf32, #tpu.memory_space<vmem>>, vector<1x16xf32>,
      %get3A_353 = vector.shape_cast %get3A_352 : vector<1x16xf32> to vector<16xf32>
      %swap3A_354 = arith.index_cast %scan3A_44 : i32 to index
      %swap3A_355 = arith.constant 544 : index
      %swap3A_356 = tpu.vector_load %arg8[%swap3A_354, %swap3A_355] {strides = array<i32>} : memref<64x768xf32, #tpu.memory_space<vmem>>, vector<1x16xf32>,
      %swap3A_357 = vector.shape_cast %swap3A_356 : vector<1x16xf32> to vector<16xf32>
      %swap3A_358 = vector.shape_cast %get3A_353 : vector<16xf32> to vector<1x16xf32>
      tpu.vector_store %arg8[%swap3A_354, %swap3A_355], %swap3A_358 {add = true, strides = array<i32>} : memref<64x768xf32, #tpu.memory_space<vmem>>, vector<1x16xf32>,
      %get3A_359 = arith.index_cast %scan3A_44 : i32 to index
      %get3A_360 = arith.constant 560 : index
      %get3A_361 = tpu.vector_load %arg9[%get3A_359, %get3A_360] {strides = array<i32>} : memref<64x768xf32, #tpu.memory_space<vmem>>, vector<1x16xf32>,
      %get3A_362 = vector.shape_cast %get3A_361 : vector<1x16xf32> to vector<16xf32>
      %swap3A_363 = arith.index_cast %scan3A_44 : i32 to index
      %swap3A_364 = arith.constant 560 : index
      %swap3A_365 = tpu.vector_load %arg8[%swap3A_363, %swap3A_364] {strides = array<i32>} : memref<64x768xf32, #tpu.memory_space<vmem>>, vector<1x16xf32>,
      %swap3A_366 = vector.shape_cast %swap3A_365 : vector<1x16xf32> to vector<16xf32>
      %swap3A_367 = vector.shape_cast %get3A_362 : vector<16xf32> to vector<1x16xf32>
      tpu.vector_store %arg8[%swap3A_363, %swap3A_364], %swap3A_367 {add = true, strides = array<i32>} : memref<64x768xf32, #tpu.memory_space<vmem>>, vector<1x16xf32>,
      %get3A_368 = arith.index_cast %scan3A_44 : i32 to index
      %get3A_369 = arith.constant 576 : index
      %get3A_370 = tpu.vector_load %arg9[%get3A_368, %get3A_369] {strides = array<i32>} : memref<64x768xf32, #tpu.memory_space<vmem>>, vector<1x16xf32>,
      %get3A_371 = vector.shape_cast %get3A_370 : vector<1x16xf32> to vector<16xf32>
      %swap3A_372 = arith.index_cast %scan3A_44 : i32 to index
      %swap3A_373 = arith.constant 576 : index
      %swap3A_374 = tpu.vector_load %arg8[%swap3A_372, %swap3A_373] {strides = array<i32>} : memref<64x768xf32, #tpu.memory_space<vmem>>, vector<1x16xf32>,
      %swap3A_375 = vector.shape_cast %swap3A_374 : vector<1x16xf32> to vector<16xf32>
      %swap3A_376 = vector.shape_cast %get3A_371 : vector<16xf32> to vector<1x16xf32>
      tpu.vector_store %arg8[%swap3A_372, %swap3A_373], %swap3A_376 {add = true, strides = array<i32>} : memref<64x768xf32, #tpu.memory_space<vmem>>, vector<1x16xf32>,
      %get3A_377 = arith.index_cast %scan3A_44 : i32 to index
      %get3A_378 = arith.constant 592 : index
      %get3A_379 = tpu.vector_load %arg9[%get3A_377, %get3A_378] {strides = array<i32>} : memref<64x768xf32, #tpu.memory_space<vmem>>, vector<1x16xf32>,
      %get3A_380 = vector.shape_cast %get3A_379 : vector<1x16xf32> to vector<16xf32>
      %swap3A_381 = arith.index_cast %scan3A_44 : i32 to index
      %swap3A_382 = arith.constant 592 : index
      %swap3A_383 = tpu.vector_load %arg8[%swap3A_381, %swap3A_382] {strides = array<i32>} : memref<64x768xf32, #tpu.memory_space<vmem>>, vector<1x16xf32>,
      %swap3A_384 = vector.shape_cast %swap3A_383 : vector<1x16xf32> to vector<16xf32>
      %swap3A_385 = vector.shape_cast %get3A_380 : vector<16xf32> to vector<1x16xf32>
      tpu.vector_store %arg8[%swap3A_381, %swap3A_382], %swap3A_385 {add = true, strides = array<i32>} : memref<64x768xf32, #tpu.memory_space<vmem>>, vector<1x16xf32>,
      %get3A_386 = arith.index_cast %scan3A_44 : i32 to index
      %get3A_387 = arith.constant 608 : index
      %get3A_388 = tpu.vector_load %arg9[%get3A_386, %get3A_387] {strides = array<i32>} : memref<64x768xf32, #tpu.memory_space<vmem>>, vector<1x16xf32>,
      %get3A_389 = vector.shape_cast %get3A_388 : vector<1x16xf32> to vector<16xf32>
      %swap3A_390 = arith.index_cast %scan3A_44 : i32 to index
      %swap3A_391 = arith.constant 608 : index
      %swap3A_392 = tpu.vector_load %arg8[%swap3A_390, %swap3A_391] {strides = array<i32>} : memref<64x768xf32, #tpu.memory_space<vmem>>, vector<1x16xf32>,
      %swap3A_393 = vector.shape_cast %swap3A_392 : vector<1x16xf32> to vector<16xf32>
      %swap3A_394 = vector.shape_cast %get3A_389 : vector<16xf32> to vector<1x16xf32>
      tpu.vector_store %arg8[%swap3A_390, %swap3A_391], %swap3A_394 {add = true, strides = array<i32>} : memref<64x768xf32, #tpu.memory_space<vmem>>, vector<1x16xf32>,
      %get3A_395 = arith.index_cast %scan3A_44 : i32 to index
      %get3A_396 = arith.constant 624 : index
      %get3A_397 = tpu.vector_load %arg9[%get3A_395, %get3A_396] {strides = array<i32>} : memref<64x768xf32, #tpu.memory_space<vmem>>, vector<1x16xf32>,
      %get3A_398 = vector.shape_cast %get3A_397 : vector<1x16xf32> to vector<16xf32>
      %swap3A_399 = arith.index_cast %scan3A_44 : i32 to index
      %swap3A_400 = arith.constant 624 : index
      %swap3A_401 = tpu.vector_load %arg8[%swap3A_399, %swap3A_400] {strides = array<i32>} : memref<64x768xf32, #tpu.memory_space<vmem>>, vector<1x16xf32>,
      %swap3A_402 = vector.shape_cast %swap3A_401 : vector<1x16xf32> to vector<16xf32>
      %swap3A_403 = vector.shape_cast %get3A_398 : vector<16xf32> to vector<1x16xf32>
      tpu.vector_store %arg8[%swap3A_399, %swap3A_400], %swap3A_403 {add = true, strides = array<i32>} : memref<64x768xf32, #tpu.memory_space<vmem>>, vector<1x16xf32>,
      %get3A_404 = arith.index_cast %scan3A_44 : i32 to index
      %get3A_405 = arith.constant 640 : index
      %get3A_406 = tpu.vector_load %arg9[%get3A_404, %get3A_405] {strides = array<i32>} : memref<64x768xf32, #tpu.memory_space<vmem>>, vector<1x16xf32>,
      %get3A_407 = vector.shape_cast %get3A_406 : vector<1x16xf32> to vector<16xf32>
      %swap3A_408 = arith.index_cast %scan3A_44 : i32 to index
      %swap3A_409 = arith.constant 640 : index
      %swap3A_410 = tpu.vector_load %arg8[%swap3A_408, %swap3A_409] {strides = array<i32>} : memref<64x768xf32, #tpu.memory_space<vmem>>, vector<1x16xf32>,
      %swap3A_411 = vector.shape_cast %swap3A_410 : vector<1x16xf32> to vector<16xf32>
      %swap3A_412 = vector.shape_cast %get3A_407 : vector<16xf32> to vector<1x16xf32>
      tpu.vector_store %arg8[%swap3A_408, %swap3A_409], %swap3A_412 {add = true, strides = array<i32>} : memref<64x768xf32, #tpu.memory_space<vmem>>, vector<1x16xf32>,
      %get3A_413 = arith.index_cast %scan3A_44 : i32 to index
      %get3A_414 = arith.constant 656 : index
      %get3A_415 = tpu.vector_load %arg9[%get3A_413, %get3A_414] {strides = array<i32>} : memref<64x768xf32, #tpu.memory_space<vmem>>, vector<1x16xf32>,
      %get3A_416 = vector.shape_cast %get3A_415 : vector<1x16xf32> to vector<16xf32>
      %swap3A_417 = arith.index_cast %scan3A_44 : i32 to index
      %swap3A_418 = arith.constant 656 : index
      %swap3A_419 = tpu.vector_load %arg8[%swap3A_417, %swap3A_418] {strides = array<i32>} : memref<64x768xf32, #tpu.memory_space<vmem>>, vector<1x16xf32>,
      %swap3A_420 = vector.shape_cast %swap3A_419 : vector<1x16xf32> to vector<16xf32>
      %swap3A_421 = vector.shape_cast %get3A_416 : vector<16xf32> to vector<1x16xf32>
      tpu.vector_store %arg8[%swap3A_417, %swap3A_418], %swap3A_421 {add = true, strides = array<i32>} : memref<64x768xf32, #tpu.memory_space<vmem>>, vector<1x16xf32>,
      %get3A_422 = arith.index_cast %scan3A_44 : i32 to index
      %get3A_423 = arith.constant 672 : index
      %get3A_424 = tpu.vector_load %arg9[%get3A_422, %get3A_423] {strides = array<i32>} : memref<64x768xf32, #tpu.memory_space<vmem>>, vector<1x16xf32>,
      %get3A_425 = vector.shape_cast %get3A_424 : vector<1x16xf32> to vector<16xf32>
      %swap3A_426 = arith.index_cast %scan3A_44 : i32 to index
      %swap3A_427 = arith.constant 672 : index
      %swap3A_428 = tpu.vector_load %arg8[%swap3A_426, %swap3A_427] {strides = array<i32>} : memref<64x768xf32, #tpu.memory_space<vmem>>, vector<1x16xf32>,
      %swap3A_429 = vector.shape_cast %swap3A_428 : vector<1x16xf32> to vector<16xf32>
      %swap3A_430 = vector.shape_cast %get3A_425 : vector<16xf32> to vector<1x16xf32>
      tpu.vector_store %arg8[%swap3A_426, %swap3A_427], %swap3A_430 {add = true, strides = array<i32>} : memref<64x768xf32, #tpu.memory_space<vmem>>, vector<1x16xf32>,
      %get3A_431 = arith.index_cast %scan3A_44 : i32 to index
      %get3A_432 = arith.constant 688 : index
      %get3A_433 = tpu.vector_load %arg9[%get3A_431, %get3A_432] {strides = array<i32>} : memref<64x768xf32, #tpu.memory_space<vmem>>, vector<1x16xf32>,
      %get3A_434 = vector.shape_cast %get3A_433 : vector<1x16xf32> to vector<16xf32>
      %swap3A_435 = arith.index_cast %scan3A_44 : i32 to index
      %swap3A_436 = arith.constant 688 : index
      %swap3A_437 = tpu.vector_load %arg8[%swap3A_435, %swap3A_436] {strides = array<i32>} : memref<64x768xf32, #tpu.memory_space<vmem>>, vector<1x16xf32>,
      %swap3A_438 = vector.shape_cast %swap3A_437 : vector<1x16xf32> to vector<16xf32>
      %swap3A_439 = vector.shape_cast %get3A_434 : vector<16xf32> to vector<1x16xf32>
      tpu.vector_store %arg8[%swap3A_435, %swap3A_436], %swap3A_439 {add = true, strides = array<i32>} : memref<64x768xf32, #tpu.memory_space<vmem>>, vector<1x16xf32>,
      %get3A_440 = arith.index_cast %scan3A_44 : i32 to index
      %get3A_441 = arith.constant 704 : index
      %get3A_442 = tpu.vector_load %arg9[%get3A_440, %get3A_441] {strides = array<i32>} : memref<64x768xf32, #tpu.memory_space<vmem>>, vector<1x16xf32>,
      %get3A_443 = vector.shape_cast %get3A_442 : vector<1x16xf32> to vector<16xf32>
      %swap3A_444 = arith.index_cast %scan3A_44 : i32 to index
      %swap3A_445 = arith.constant 704 : index
      %swap3A_446 = tpu.vector_load %arg8[%swap3A_444, %swap3A_445] {strides = array<i32>} : memref<64x768xf32, #tpu.memory_space<vmem>>, vector<1x16xf32>,
      %swap3A_447 = vector.shape_cast %swap3A_446 : vector<1x16xf32> to vector<16xf32>
      %swap3A_448 = vector.shape_cast %get3A_443 : vector<16xf32> to vector<1x16xf32>
      tpu.vector_store %arg8[%swap3A_444, %swap3A_445], %swap3A_448 {add = true, strides = array<i32>} : memref<64x768xf32, #tpu.memory_space<vmem>>, vector<1x16xf32>,
      %get3A_449 = arith.index_cast %scan3A_44 : i32 to index
      %get3A_450 = arith.constant 720 : index
      %get3A_451 = tpu.vector_load %arg9[%get3A_449, %get3A_450] {strides = array<i32>} : memref<64x768xf32, #tpu.memory_space<vmem>>, vector<1x16xf32>,
      %get3A_452 = vector.shape_cast %get3A_451 : vector<1x16xf32> to vector<16xf32>
      %swap3A_453 = arith.index_cast %scan3A_44 : i32 to index
      %swap3A_454 = arith.constant 720 : index
      %swap3A_455 = tpu.vector_load %arg8[%swap3A_453, %swap3A_454] {strides = array<i32>} : memref<64x768xf32, #tpu.memory_space<vmem>>, vector<1x16xf32>,
      %swap3A_456 = vector.shape_cast %swap3A_455 : vector<1x16xf32> to vector<16xf32>
      %swap3A_457 = vector.shape_cast %get3A_452 : vector<16xf32> to vector<1x16xf32>
      tpu.vector_store %arg8[%swap3A_453, %swap3A_454], %swap3A_457 {add = true, strides = array<i32>} : memref<64x768xf32, #tpu.memory_space<vmem>>, vector<1x16xf32>,
      %get3A_458 = arith.index_cast %scan3A_44 : i32 to index
      %get3A_459 = arith.constant 736 : index
      %get3A_460 = tpu.vector_load %arg9[%get3A_458, %get3A_459] {strides = array<i32>} : memref<64x768xf32, #tpu.memory_space<vmem>>, vector<1x16xf32>,
      %get3A_461 = vector.shape_cast %get3A_460 : vector<1x16xf32> to vector<16xf32>
      %swap3A_462 = arith.index_cast %scan3A_44 : i32 to index
      %swap3A_463 = arith.constant 736 : index
      %swap3A_464 = tpu.vector_load %arg8[%swap3A_462, %swap3A_463] {strides = array<i32>} : memref<64x768xf32, #tpu.memory_space<vmem>>, vector<1x16xf32>,
      %swap3A_465 = vector.shape_cast %swap3A_464 : vector<1x16xf32> to vector<16xf32>
      %swap3A_466 = vector.shape_cast %get3A_461 : vector<16xf32> to vector<1x16xf32>
      tpu.vector_store %arg8[%swap3A_462, %swap3A_463], %swap3A_466 {add = true, strides = array<i32>} : memref<64x768xf32, #tpu.memory_space<vmem>>, vector<1x16xf32>,
      %get3A_467 = arith.index_cast %scan3A_44 : i32 to index
      %get3A_468 = arith.constant 752 : index
      %get3A_469 = tpu.vector_load %arg9[%get3A_467, %get3A_468] {strides = array<i32>} : memref<64x768xf32, #tpu.memory_space<vmem>>, vector<1x16xf32>,
      %get3A_470 = vector.shape_cast %get3A_469 : vector<1x16xf32> to vector<16xf32>
      %swap3A_471 = arith.index_cast %scan3A_44 : i32 to index
      %swap3A_472 = arith.constant 752 : index
      %swap3A_473 = tpu.vector_load %arg8[%swap3A_471, %swap3A_472] {strides = array<i32>} : memref<64x768xf32, #tpu.memory_space<vmem>>, vector<1x16xf32>,
      %swap3A_474 = vector.shape_cast %swap3A_473 : vector<1x16xf32> to vector<16xf32>
      %swap3A_475 = vector.shape_cast %get3A_470 : vector<16xf32> to vector<1x16xf32>
      tpu.vector_store %arg8[%swap3A_471, %swap3A_472], %swap3A_475 {add = true, strides = array<i32>} : memref<64x768xf32, #tpu.memory_space<vmem>>, vector<1x16xf32>,
      %scan3A_476 = arith.constant 0 : i32
      scf.yield %scan3A_476 : i32
    }
    %scan3A_43 = arith.constant 64 : i32
    "tpu.region"() ({
      %run_scoped3A = tpu.sem_alloc : memref<!tpu.dma_semaphore, #tpu.memory_space<semaphore_mem>>
      %dma_start3A_44 = arith.constant 0 : i32
      %dma_start3A_45 = tpu.memref_slice %arg5[%add3A_24, %dma_start3A_44] : memref<4096x768xf32, #tpu.memory_space<hbm>> -> memref<64x768xf32, #tpu.memory_space<hbm>>
      %dma_start3A_46 = arith.constant 0 : i32
      %dma_start3A_47 = tpu.memref_slice %arg5[%add3A_24, %dma_start3A_46] : memref<4096x768xf32, #tpu.memory_space<hbm>> -> memref<64x768xf32, #tpu.memory_space<hbm>>
      tpu.enqueue_dma source(%arg8 : memref<64x768xf32, #tpu.memory_space<vmem>>) target(%dma_start3A_47 : memref<64x768xf32, #tpu.memory_space<hbm>>) target_semaphore(%run_scoped3A : memref<!tpu.dma_semaphore, #tpu.memory_space<semaphore_mem>>)
      %dma_wait3A_48 = arith.constant 0 : i32
      %dma_wait3A_49 = tpu.memref_slice %arg5[%add3A_24, %dma_wait3A_48] : memref<4096x768xf32, #tpu.memory_space<hbm>> -> memref<64x768xf32, #tpu.memory_space<hbm>>
      %dma_wait3A_50 = arith.constant 0 : i32
      %dma_wait3A_51 = tpu.memref_slice %arg5[%add3A_24, %dma_wait3A_50] : memref<4096x768xf32, #tpu.memory_space<hbm>> -> memref<64x768xf32, #tpu.memory_space<hbm>>
      tpu.wait_dma2 semaphore(%run_scoped3A : memref<!tpu.dma_semaphore, #tpu.memory_space<semaphore_mem>>) src(%arg8 : memref<64x768xf32, #tpu.memory_space<vmem>>) dst(%dma_wait3A_51 : memref<64x768xf32, #tpu.memory_space<hbm>>)
      tpu.yield
    }) : () -> ()
    return
  }
}

module attributes {stable_mosaic.version = 14 : i64} {
  func.func @_gate_kernel(%arg0: memref<4096x768xf32, #tpu.memory_space<vmem>>, %arg1: memref<8x768xf32, #tpu.memory_space<vmem>>, %arg2: memref<8xf32, #tpu.memory_space<vmem>>, %arg3: memref<4096x8xi32, #tpu.memory_space<vmem>>, %arg4: memref<4096x8xi32, #tpu.memory_space<vmem>>, %arg5: memref<4096x128xf32, #tpu.memory_space<vmem>>, %arg6: memref<4096x128xf32, #tpu.memory_space<vmem>>, %arg7: memref<128x8xi32, #tpu.memory_space<vmem>>) attributes {dimension_semantics = [], scalar_prefetch = 0 : i64, scratch_operands = 0 : i64, tpu.core_type = #tpu.core_type<tc>} {
    %get3A = arith.constant 0 : index
    %get3A_0 = arith.constant 0 : index
    %get3A_1 = vector.load %arg0[%get3A, %get3A_0] : memref<4096x768xf32, #tpu.memory_space<vmem>>, vector<4096x768xf32>
    %get3A_2 = arith.constant 0 : index
    %get3A_3 = arith.constant 0 : index
    %get3A_4 = vector.load %arg1[%get3A_2, %get3A_3] : memref<8x768xf32, #tpu.memory_space<vmem>>, vector<8x768xf32>
    %dot_general3A = arith.constant dense<0.000000e+00> : vector<4096x8xf32>
    %dot_general3A_5 = tpu.matmul %get3A_1, %get3A_4, %dot_general3A {dimension_numbers = #tpu.dot_dimension_numbers<[1], [1], [0], [0], [0, 0, 1, 0], [], []>, transpose_lhs_hint = false} : vector<4096x768xf32>, vector<8x768xf32>, vector<4096x8xf32> -> vector<4096x8xf32>
    %get3A_6 = arith.constant 0 : index
    %get3A_7 = vector.load %arg2[%get3A_6] : memref<8xf32, #tpu.memory_space<vmem>>, vector<8xf32>
    %broadcast_in_dim3A = vector.shape_cast %get3A_7 : vector<8xf32> to vector<1x8xf32>
    %add3A = vector.broadcast %broadcast_in_dim3A : vector<1x8xf32> to vector<4096x8xf32>
    %add3A_8 = arith.addf %dot_general3A_5, %add3A : vector<4096x8xf32>
    %reduce_max3A = arith.constant dense<0xFF800000> : vector<4096xf32>
    %reduce_max3A_9 = vector.multi_reduction <maximumf>, %add3A_8, %reduce_max3A [1] : vector<4096x8xf32> to vector<4096xf32>
    %broadcast_in_dim3A_10 = vector.shape_cast %reduce_max3A_9 : vector<4096xf32> to vector<4096x1xf32>
    %sub3A = vector.broadcast %broadcast_in_dim3A_10 : vector<4096x1xf32> to vector<4096x8xf32>
    %sub3A_11 = arith.subf %add3A_8, %sub3A : vector<4096x8xf32>
    %exp3A = math.exp %sub3A_11 : vector<4096x8xf32>
    %reduce_sum3A = arith.constant dense<0.000000e+00> : vector<4096xf32>
    %reduce_sum3A_12 = vector.multi_reduction <add>, %exp3A, %reduce_sum3A [1] : vector<4096x8xf32> to vector<4096xf32>
    %broadcast_in_dim3A_13 = vector.shape_cast %reduce_sum3A_12 : vector<4096xf32> to vector<4096x1xf32>
    %div3A = vector.broadcast %broadcast_in_dim3A_13 : vector<4096x1xf32> to vector<4096x8xf32>
    %div3A_14 = arith.divf %exp3A, %div3A : vector<4096x8xf32>
    %iota3A = tpu.iota {dimensions = array<i32: 1>} : vector<4096x8xi32>
    %argmax3A = tpu.reduce_index %div3A_14 {axis = 1 : i32, kind = #tpu.reduction_kind<arg_max>} : vector<4096x8xf32> -> vector<4096xi32>
    %broadcast_in_dim3A_15 = vector.shape_cast %argmax3A : vector<4096xi32> to vector<4096x1xi32>
    %reduce_max3A_16 = arith.constant dense<0xFF800000> : vector<4096xf32>
    %reduce_max3A_17 = vector.multi_reduction <maximumf>, %div3A_14, %reduce_max3A_16 [1] : vector<4096x8xf32> to vector<4096xf32>
    %broadcast_in_dim3A_18 = vector.shape_cast %reduce_max3A_17 : vector<4096xf32> to vector<4096x1xf32>
    %eq3A = vector.broadcast %broadcast_in_dim3A_15 : vector<4096x1xi32> to vector<4096x8xi32>
    %eq3A_19 = arith.cmpi eq, %iota3A, %eq3A : vector<4096x8xi32>
    %jit3A = arith.constant 0xFF800000 : f32
    %broadcast_in_dim3A_20 = vector.broadcast %jit3A : f32 to vector<4096x8xf32>
    %select_n3A = arith.select %eq3A_19, %broadcast_in_dim3A_20, %div3A_14 : vector<4096x8xi1>, vector<4096x8xf32>
    %argmax3A_21 = tpu.reduce_index %select_n3A {axis = 1 : i32, kind = #tpu.reduction_kind<arg_max>} : vector<4096x8xf32> -> vector<4096xi32>
    %broadcast_in_dim3A_22 = vector.shape_cast %argmax3A_21 : vector<4096xi32> to vector<4096x1xi32>
    %reduce_max3A_23 = arith.constant dense<0xFF800000> : vector<4096xf32>
    %reduce_max3A_24 = vector.multi_reduction <maximumf>, %select_n3A, %reduce_max3A_23 [1] : vector<4096x8xf32> to vector<4096xf32>
    %broadcast_in_dim3A_25 = vector.shape_cast %reduce_max3A_24 : vector<4096xf32> to vector<4096x1xf32>
    %eq3A_26 = vector.broadcast %broadcast_in_dim3A_15 : vector<4096x1xi32> to vector<4096x8xi32>
    %eq3A_27 = arith.cmpi eq, %iota3A, %eq3A_26 : vector<4096x8xi32>
    %convert_element_type3A = arith.extui %eq3A_27 : vector<4096x8xi1> to vector<4096x8xi32>
    %convert_element_type3A_28 = arith.sitofp %convert_element_type3A : vector<4096x8xi32> to vector<4096x8xf32>
    %eq3A_29 = vector.broadcast %broadcast_in_dim3A_22 : vector<4096x1xi32> to vector<4096x8xi32>
    %eq3A_30 = arith.cmpi eq, %iota3A, %eq3A_29 : vector<4096x8xi32>
    %convert_element_type3A_31 = arith.extui %eq3A_30 : vector<4096x8xi1> to vector<4096x8xi32>
    %convert_element_type3A_32 = arith.sitofp %convert_element_type3A_31 : vector<4096x8xi32> to vector<4096x8xf32>
    %iota3A_33 = tpu.iota {dimensions = array<i32: 0>} : vector<512x512xi32>
    %iota3A_34 = tpu.iota {dimensions = array<i32: 1>} : vector<512x512xi32>
    %lt3A = arith.cmpi slt, %iota3A_34, %iota3A_33 : vector<512x512xi32>
    %convert_element_type3A_35 = arith.extui %lt3A : vector<512x512xi1> to vector<512x512xi32>
    %convert_element_type3A_36 = arith.sitofp %convert_element_type3A_35 : vector<512x512xi32> to vector<512x512xf32>
    %broadcast_in_dim3A_37 = arith.constant 0.000000e+00 : f32
    %broadcast_in_dim3A_38 = vector.broadcast %broadcast_in_dim3A_37 : f32 to vector<1x8xf32>
    %broadcast_in_dim3A_39 = arith.constant 0.000000e+00 : f32
    %broadcast_in_dim3A_40 = vector.broadcast %broadcast_in_dim3A_39 : f32 to vector<1x8xf32>
    %slice3A = vector.extract_strided_slice %convert_element_type3A_28 {offsets = [0, 0], sizes = [512, 8], strides = [1, 1]} : vector<4096x8xf32> to vector<512x8xf32>
    %slice3A_41 = vector.extract_strided_slice %convert_element_type3A_32 {offsets = [0, 0], sizes = [512, 8], strides = [1, 1]} : vector<4096x8xf32> to vector<512x8xf32>
    %dot_general3A_42 = arith.constant dense<0.000000e+00> : vector<512x8xf32>
    %dot_general3A_43 = tpu.matmul %convert_element_type3A_36, %slice3A, %dot_general3A_42 {dimension_numbers = #tpu.dot_dimension_numbers<[1], [0], [0], [1], [0, 0, 1, 1], [], []>, transpose_lhs_hint = false} : vector<512x512xf32>, vector<512x8xf32>, vector<512x8xf32> -> vector<512x8xf32>
    %add3A_44 = vector.broadcast %broadcast_in_dim3A_38 : vector<1x8xf32> to vector<512x8xf32>
    %add3A_45 = arith.addf %dot_general3A_43, %add3A_44 : vector<512x8xf32>
    %dot_general3A_46 = arith.constant dense<0.000000e+00> : vector<512x8xf32>
    %dot_general3A_47 = tpu.matmul %convert_element_type3A_36, %slice3A_41, %dot_general3A_46 {dimension_numbers = #tpu.dot_dimension_numbers<[1], [0], [0], [1], [0, 0, 1, 1], [], []>, transpose_lhs_hint = false} : vector<512x512xf32>, vector<512x8xf32>, vector<512x8xf32> -> vector<512x8xf32>
    %add3A_48 = vector.broadcast %broadcast_in_dim3A_40 : vector<1x8xf32> to vector<512x8xf32>
    %add3A_49 = arith.addf %dot_general3A_47, %add3A_48 : vector<512x8xf32>
    %reduce_sum3A_50 = arith.constant dense<0.000000e+00> : vector<8xf32>
    %reduce_sum3A_51 = vector.multi_reduction <add>, %slice3A, %reduce_sum3A_50 [0] : vector<512x8xf32> to vector<8xf32>
    %broadcast_in_dim3A_52 = vector.shape_cast %reduce_sum3A_51 : vector<8xf32> to vector<1x8xf32>
    %add3A_53 = arith.addf %broadcast_in_dim3A_38, %broadcast_in_dim3A_52 : vector<1x8xf32>
    %reduce_sum3A_54 = arith.constant dense<0.000000e+00> : vector<8xf32>
    %reduce_sum3A_55 = vector.multi_reduction <add>, %slice3A_41, %reduce_sum3A_54 [0] : vector<512x8xf32> to vector<8xf32>
    %broadcast_in_dim3A_56 = vector.shape_cast %reduce_sum3A_55 : vector<8xf32> to vector<1x8xf32>
    %add3A_57 = arith.addf %broadcast_in_dim3A_40, %broadcast_in_dim3A_56 : vector<1x8xf32>
    %slice3A_58 = vector.extract_strided_slice %convert_element_type3A_28 {offsets = [512, 0], sizes = [512, 8], strides = [1, 1]} : vector<4096x8xf32> to vector<512x8xf32>
    %slice3A_59 = vector.extract_strided_slice %convert_element_type3A_32 {offsets = [512, 0], sizes = [512, 8], strides = [1, 1]} : vector<4096x8xf32> to vector<512x8xf32>
    %dot_general3A_60 = arith.constant dense<0.000000e+00> : vector<512x8xf32>
    %dot_general3A_61 = tpu.matmul %convert_element_type3A_36, %slice3A_58, %dot_general3A_60 {dimension_numbers = #tpu.dot_dimension_numbers<[1], [0], [0], [1], [0, 0, 1, 1], [], []>, transpose_lhs_hint = false} : vector<512x512xf32>, vector<512x8xf32>, vector<512x8xf32> -> vector<512x8xf32>
    %add3A_62 = vector.broadcast %add3A_53 : vector<1x8xf32> to vector<512x8xf32>
    %add3A_63 = arith.addf %dot_general3A_61, %add3A_62 : vector<512x8xf32>
    %dot_general3A_64 = arith.constant dense<0.000000e+00> : vector<512x8xf32>
    %dot_general3A_65 = tpu.matmul %convert_element_type3A_36, %slice3A_59, %dot_general3A_64 {dimension_numbers = #tpu.dot_dimension_numbers<[1], [0], [0], [1], [0, 0, 1, 1], [], []>, transpose_lhs_hint = false} : vector<512x512xf32>, vector<512x8xf32>, vector<512x8xf32> -> vector<512x8xf32>
    %add3A_66 = vector.broadcast %add3A_57 : vector<1x8xf32> to vector<512x8xf32>
    %add3A_67 = arith.addf %dot_general3A_65, %add3A_66 : vector<512x8xf32>
    %reduce_sum3A_68 = arith.constant dense<0.000000e+00> : vector<8xf32>
    %reduce_sum3A_69 = vector.multi_reduction <add>, %slice3A_58, %reduce_sum3A_68 [0] : vector<512x8xf32> to vector<8xf32>
    %broadcast_in_dim3A_70 = vector.shape_cast %reduce_sum3A_69 : vector<8xf32> to vector<1x8xf32>
    %add3A_71 = arith.addf %add3A_53, %broadcast_in_dim3A_70 : vector<1x8xf32>
    %reduce_sum3A_72 = arith.constant dense<0.000000e+00> : vector<8xf32>
    %reduce_sum3A_73 = vector.multi_reduction <add>, %slice3A_59, %reduce_sum3A_72 [0] : vector<512x8xf32> to vector<8xf32>
    %broadcast_in_dim3A_74 = vector.shape_cast %reduce_sum3A_73 : vector<8xf32> to vector<1x8xf32>
    %add3A_75 = arith.addf %add3A_57, %broadcast_in_dim3A_74 : vector<1x8xf32>
    %slice3A_76 = vector.extract_strided_slice %convert_element_type3A_28 {offsets = [1024, 0], sizes = [512, 8], strides = [1, 1]} : vector<4096x8xf32> to vector<512x8xf32>
    %slice3A_77 = vector.extract_strided_slice %convert_element_type3A_32 {offsets = [1024, 0], sizes = [512, 8], strides = [1, 1]} : vector<4096x8xf32> to vector<512x8xf32>
    %dot_general3A_78 = arith.constant dense<0.000000e+00> : vector<512x8xf32>
    %dot_general3A_79 = tpu.matmul %convert_element_type3A_36, %slice3A_76, %dot_general3A_78 {dimension_numbers = #tpu.dot_dimension_numbers<[1], [0], [0], [1], [0, 0, 1, 1], [], []>, transpose_lhs_hint = false} : vector<512x512xf32>, vector<512x8xf32>, vector<512x8xf32> -> vector<512x8xf32>
    %add3A_80 = vector.broadcast %add3A_71 : vector<1x8xf32> to vector<512x8xf32>
    %add3A_81 = arith.addf %dot_general3A_79, %add3A_80 : vector<512x8xf32>
    %dot_general3A_82 = arith.constant dense<0.000000e+00> : vector<512x8xf32>
    %dot_general3A_83 = tpu.matmul %convert_element_type3A_36, %slice3A_77, %dot_general3A_82 {dimension_numbers = #tpu.dot_dimension_numbers<[1], [0], [0], [1], [0, 0, 1, 1], [], []>, transpose_lhs_hint = false} : vector<512x512xf32>, vector<512x8xf32>, vector<512x8xf32> -> vector<512x8xf32>
    %add3A_84 = vector.broadcast %add3A_75 : vector<1x8xf32> to vector<512x8xf32>
    %add3A_85 = arith.addf %dot_general3A_83, %add3A_84 : vector<512x8xf32>
    %reduce_sum3A_86 = arith.constant dense<0.000000e+00> : vector<8xf32>
    %reduce_sum3A_87 = vector.multi_reduction <add>, %slice3A_76, %reduce_sum3A_86 [0] : vector<512x8xf32> to vector<8xf32>
    %broadcast_in_dim3A_88 = vector.shape_cast %reduce_sum3A_87 : vector<8xf32> to vector<1x8xf32>
    %add3A_89 = arith.addf %add3A_71, %broadcast_in_dim3A_88 : vector<1x8xf32>
    %reduce_sum3A_90 = arith.constant dense<0.000000e+00> : vector<8xf32>
    %reduce_sum3A_91 = vector.multi_reduction <add>, %slice3A_77, %reduce_sum3A_90 [0] : vector<512x8xf32> to vector<8xf32>
    %broadcast_in_dim3A_92 = vector.shape_cast %reduce_sum3A_91 : vector<8xf32> to vector<1x8xf32>
    %add3A_93 = arith.addf %add3A_75, %broadcast_in_dim3A_92 : vector<1x8xf32>
    %slice3A_94 = vector.extract_strided_slice %convert_element_type3A_28 {offsets = [1536, 0], sizes = [512, 8], strides = [1, 1]} : vector<4096x8xf32> to vector<512x8xf32>
    %slice3A_95 = vector.extract_strided_slice %convert_element_type3A_32 {offsets = [1536, 0], sizes = [512, 8], strides = [1, 1]} : vector<4096x8xf32> to vector<512x8xf32>
    %dot_general3A_96 = arith.constant dense<0.000000e+00> : vector<512x8xf32>
    %dot_general3A_97 = tpu.matmul %convert_element_type3A_36, %slice3A_94, %dot_general3A_96 {dimension_numbers = #tpu.dot_dimension_numbers<[1], [0], [0], [1], [0, 0, 1, 1], [], []>, transpose_lhs_hint = false} : vector<512x512xf32>, vector<512x8xf32>, vector<512x8xf32> -> vector<512x8xf32>
    %add3A_98 = vector.broadcast %add3A_89 : vector<1x8xf32> to vector<512x8xf32>
    %add3A_99 = arith.addf %dot_general3A_97, %add3A_98 : vector<512x8xf32>
    %dot_general3A_100 = arith.constant dense<0.000000e+00> : vector<512x8xf32>
    %dot_general3A_101 = tpu.matmul %convert_element_type3A_36, %slice3A_95, %dot_general3A_100 {dimension_numbers = #tpu.dot_dimension_numbers<[1], [0], [0], [1], [0, 0, 1, 1], [], []>, transpose_lhs_hint = false} : vector<512x512xf32>, vector<512x8xf32>, vector<512x8xf32> -> vector<512x8xf32>
    %add3A_102 = vector.broadcast %add3A_93 : vector<1x8xf32> to vector<512x8xf32>
    %add3A_103 = arith.addf %dot_general3A_101, %add3A_102 : vector<512x8xf32>
    %reduce_sum3A_104 = arith.constant dense<0.000000e+00> : vector<8xf32>
    %reduce_sum3A_105 = vector.multi_reduction <add>, %slice3A_94, %reduce_sum3A_104 [0] : vector<512x8xf32> to vector<8xf32>
    %broadcast_in_dim3A_106 = vector.shape_cast %reduce_sum3A_105 : vector<8xf32> to vector<1x8xf32>
    %add3A_107 = arith.addf %add3A_89, %broadcast_in_dim3A_106 : vector<1x8xf32>
    %reduce_sum3A_108 = arith.constant dense<0.000000e+00> : vector<8xf32>
    %reduce_sum3A_109 = vector.multi_reduction <add>, %slice3A_95, %reduce_sum3A_108 [0] : vector<512x8xf32> to vector<8xf32>
    %broadcast_in_dim3A_110 = vector.shape_cast %reduce_sum3A_109 : vector<8xf32> to vector<1x8xf32>
    %add3A_111 = arith.addf %add3A_93, %broadcast_in_dim3A_110 : vector<1x8xf32>
    %slice3A_112 = vector.extract_strided_slice %convert_element_type3A_28 {offsets = [2048, 0], sizes = [512, 8], strides = [1, 1]} : vector<4096x8xf32> to vector<512x8xf32>
    %slice3A_113 = vector.extract_strided_slice %convert_element_type3A_32 {offsets = [2048, 0], sizes = [512, 8], strides = [1, 1]} : vector<4096x8xf32> to vector<512x8xf32>
    %dot_general3A_114 = arith.constant dense<0.000000e+00> : vector<512x8xf32>
    %dot_general3A_115 = tpu.matmul %convert_element_type3A_36, %slice3A_112, %dot_general3A_114 {dimension_numbers = #tpu.dot_dimension_numbers<[1], [0], [0], [1], [0, 0, 1, 1], [], []>, transpose_lhs_hint = false} : vector<512x512xf32>, vector<512x8xf32>, vector<512x8xf32> -> vector<512x8xf32>
    %add3A_116 = vector.broadcast %add3A_107 : vector<1x8xf32> to vector<512x8xf32>
    %add3A_117 = arith.addf %dot_general3A_115, %add3A_116 : vector<512x8xf32>
    %dot_general3A_118 = arith.constant dense<0.000000e+00> : vector<512x8xf32>
    %dot_general3A_119 = tpu.matmul %convert_element_type3A_36, %slice3A_113, %dot_general3A_118 {dimension_numbers = #tpu.dot_dimension_numbers<[1], [0], [0], [1], [0, 0, 1, 1], [], []>, transpose_lhs_hint = false} : vector<512x512xf32>, vector<512x8xf32>, vector<512x8xf32> -> vector<512x8xf32>
    %add3A_120 = vector.broadcast %add3A_111 : vector<1x8xf32> to vector<512x8xf32>
    %add3A_121 = arith.addf %dot_general3A_119, %add3A_120 : vector<512x8xf32>
    %reduce_sum3A_122 = arith.constant dense<0.000000e+00> : vector<8xf32>
    %reduce_sum3A_123 = vector.multi_reduction <add>, %slice3A_112, %reduce_sum3A_122 [0] : vector<512x8xf32> to vector<8xf32>
    %broadcast_in_dim3A_124 = vector.shape_cast %reduce_sum3A_123 : vector<8xf32> to vector<1x8xf32>
    %add3A_125 = arith.addf %add3A_107, %broadcast_in_dim3A_124 : vector<1x8xf32>
    %reduce_sum3A_126 = arith.constant dense<0.000000e+00> : vector<8xf32>
    %reduce_sum3A_127 = vector.multi_reduction <add>, %slice3A_113, %reduce_sum3A_126 [0] : vector<512x8xf32> to vector<8xf32>
    %broadcast_in_dim3A_128 = vector.shape_cast %reduce_sum3A_127 : vector<8xf32> to vector<1x8xf32>
    %add3A_129 = arith.addf %add3A_111, %broadcast_in_dim3A_128 : vector<1x8xf32>
    %slice3A_130 = vector.extract_strided_slice %convert_element_type3A_28 {offsets = [2560, 0], sizes = [512, 8], strides = [1, 1]} : vector<4096x8xf32> to vector<512x8xf32>
    %slice3A_131 = vector.extract_strided_slice %convert_element_type3A_32 {offsets = [2560, 0], sizes = [512, 8], strides = [1, 1]} : vector<4096x8xf32> to vector<512x8xf32>
    %dot_general3A_132 = arith.constant dense<0.000000e+00> : vector<512x8xf32>
    %dot_general3A_133 = tpu.matmul %convert_element_type3A_36, %slice3A_130, %dot_general3A_132 {dimension_numbers = #tpu.dot_dimension_numbers<[1], [0], [0], [1], [0, 0, 1, 1], [], []>, transpose_lhs_hint = false} : vector<512x512xf32>, vector<512x8xf32>, vector<512x8xf32> -> vector<512x8xf32>
    %add3A_134 = vector.broadcast %add3A_125 : vector<1x8xf32> to vector<512x8xf32>
    %add3A_135 = arith.addf %dot_general3A_133, %add3A_134 : vector<512x8xf32>
    %dot_general3A_136 = arith.constant dense<0.000000e+00> : vector<512x8xf32>
    %dot_general3A_137 = tpu.matmul %convert_element_type3A_36, %slice3A_131, %dot_general3A_136 {dimension_numbers = #tpu.dot_dimension_numbers<[1], [0], [0], [1], [0, 0, 1, 1], [], []>, transpose_lhs_hint = false} : vector<512x512xf32>, vector<512x8xf32>, vector<512x8xf32> -> vector<512x8xf32>
    %add3A_138 = vector.broadcast %add3A_129 : vector<1x8xf32> to vector<512x8xf32>
    %add3A_139 = arith.addf %dot_general3A_137, %add3A_138 : vector<512x8xf32>
    %reduce_sum3A_140 = arith.constant dense<0.000000e+00> : vector<8xf32>
    %reduce_sum3A_141 = vector.multi_reduction <add>, %slice3A_130, %reduce_sum3A_140 [0] : vector<512x8xf32> to vector<8xf32>
    %broadcast_in_dim3A_142 = vector.shape_cast %reduce_sum3A_141 : vector<8xf32> to vector<1x8xf32>
    %add3A_143 = arith.addf %add3A_125, %broadcast_in_dim3A_142 : vector<1x8xf32>
    %reduce_sum3A_144 = arith.constant dense<0.000000e+00> : vector<8xf32>
    %reduce_sum3A_145 = vector.multi_reduction <add>, %slice3A_131, %reduce_sum3A_144 [0] : vector<512x8xf32> to vector<8xf32>
    %broadcast_in_dim3A_146 = vector.shape_cast %reduce_sum3A_145 : vector<8xf32> to vector<1x8xf32>
    %add3A_147 = arith.addf %add3A_129, %broadcast_in_dim3A_146 : vector<1x8xf32>
    %slice3A_148 = vector.extract_strided_slice %convert_element_type3A_28 {offsets = [3072, 0], sizes = [512, 8], strides = [1, 1]} : vector<4096x8xf32> to vector<512x8xf32>
    %slice3A_149 = vector.extract_strided_slice %convert_element_type3A_32 {offsets = [3072, 0], sizes = [512, 8], strides = [1, 1]} : vector<4096x8xf32> to vector<512x8xf32>
    %dot_general3A_150 = arith.constant dense<0.000000e+00> : vector<512x8xf32>
    %dot_general3A_151 = tpu.matmul %convert_element_type3A_36, %slice3A_148, %dot_general3A_150 {dimension_numbers = #tpu.dot_dimension_numbers<[1], [0], [0], [1], [0, 0, 1, 1], [], []>, transpose_lhs_hint = false} : vector<512x512xf32>, vector<512x8xf32>, vector<512x8xf32> -> vector<512x8xf32>
    %add3A_152 = vector.broadcast %add3A_143 : vector<1x8xf32> to vector<512x8xf32>
    %add3A_153 = arith.addf %dot_general3A_151, %add3A_152 : vector<512x8xf32>
    %dot_general3A_154 = arith.constant dense<0.000000e+00> : vector<512x8xf32>
    %dot_general3A_155 = tpu.matmul %convert_element_type3A_36, %slice3A_149, %dot_general3A_154 {dimension_numbers = #tpu.dot_dimension_numbers<[1], [0], [0], [1], [0, 0, 1, 1], [], []>, transpose_lhs_hint = false} : vector<512x512xf32>, vector<512x8xf32>, vector<512x8xf32> -> vector<512x8xf32>
    %add3A_156 = vector.broadcast %add3A_147 : vector<1x8xf32> to vector<512x8xf32>
    %add3A_157 = arith.addf %dot_general3A_155, %add3A_156 : vector<512x8xf32>
    %reduce_sum3A_158 = arith.constant dense<0.000000e+00> : vector<8xf32>
    %reduce_sum3A_159 = vector.multi_reduction <add>, %slice3A_148, %reduce_sum3A_158 [0] : vector<512x8xf32> to vector<8xf32>
    %broadcast_in_dim3A_160 = vector.shape_cast %reduce_sum3A_159 : vector<8xf32> to vector<1x8xf32>
    %add3A_161 = arith.addf %add3A_143, %broadcast_in_dim3A_160 : vector<1x8xf32>
    %reduce_sum3A_162 = arith.constant dense<0.000000e+00> : vector<8xf32>
    %reduce_sum3A_163 = vector.multi_reduction <add>, %slice3A_149, %reduce_sum3A_162 [0] : vector<512x8xf32> to vector<8xf32>
    %broadcast_in_dim3A_164 = vector.shape_cast %reduce_sum3A_163 : vector<8xf32> to vector<1x8xf32>
    %add3A_165 = arith.addf %add3A_147, %broadcast_in_dim3A_164 : vector<1x8xf32>
    %slice3A_166 = vector.extract_strided_slice %convert_element_type3A_28 {offsets = [3584, 0], sizes = [512, 8], strides = [1, 1]} : vector<4096x8xf32> to vector<512x8xf32>
    %slice3A_167 = vector.extract_strided_slice %convert_element_type3A_32 {offsets = [3584, 0], sizes = [512, 8], strides = [1, 1]} : vector<4096x8xf32> to vector<512x8xf32>
    %dot_general3A_168 = arith.constant dense<0.000000e+00> : vector<512x8xf32>
    %dot_general3A_169 = tpu.matmul %convert_element_type3A_36, %slice3A_166, %dot_general3A_168 {dimension_numbers = #tpu.dot_dimension_numbers<[1], [0], [0], [1], [0, 0, 1, 1], [], []>, transpose_lhs_hint = false} : vector<512x512xf32>, vector<512x8xf32>, vector<512x8xf32> -> vector<512x8xf32>
    %add3A_170 = vector.broadcast %add3A_161 : vector<1x8xf32> to vector<512x8xf32>
    %add3A_171 = arith.addf %dot_general3A_169, %add3A_170 : vector<512x8xf32>
    %dot_general3A_172 = arith.constant dense<0.000000e+00> : vector<512x8xf32>
    %dot_general3A_173 = tpu.matmul %convert_element_type3A_36, %slice3A_167, %dot_general3A_172 {dimension_numbers = #tpu.dot_dimension_numbers<[1], [0], [0], [1], [0, 0, 1, 1], [], []>, transpose_lhs_hint = false} : vector<512x512xf32>, vector<512x8xf32>, vector<512x8xf32> -> vector<512x8xf32>
    %add3A_174 = vector.broadcast %add3A_165 : vector<1x8xf32> to vector<512x8xf32>
    %add3A_175 = arith.addf %dot_general3A_173, %add3A_174 : vector<512x8xf32>
    %reduce_sum3A_176 = arith.constant dense<0.000000e+00> : vector<8xf32>
    %reduce_sum3A_177 = vector.multi_reduction <add>, %slice3A_166, %reduce_sum3A_176 [0] : vector<512x8xf32> to vector<8xf32>
    %broadcast_in_dim3A_178 = vector.shape_cast %reduce_sum3A_177 : vector<8xf32> to vector<1x8xf32>
    %add3A_179 = arith.addf %add3A_161, %broadcast_in_dim3A_178 : vector<1x8xf32>
    %reduce_sum3A_180 = arith.constant dense<0.000000e+00> : vector<8xf32>
    %reduce_sum3A_181 = vector.multi_reduction <add>, %slice3A_167, %reduce_sum3A_180 [0] : vector<512x8xf32> to vector<8xf32>
    %broadcast_in_dim3A_182 = vector.shape_cast %reduce_sum3A_181 : vector<8xf32> to vector<1x8xf32>
    %add3A_183 = arith.addf %add3A_165, %broadcast_in_dim3A_182 : vector<1x8xf32>
    %concatenate3A = tpu.concatenate %add3A_45, %add3A_63, %add3A_81, %add3A_99, %add3A_117, %add3A_135, %add3A_153, %add3A_171 in 0 : vector<512x8xf32>, vector<512x8xf32>, vector<512x8xf32>, vector<512x8xf32>, vector<512x8xf32>, vector<512x8xf32>, vector<512x8xf32>, vector<512x8xf32> -> vector<4096x8xf32>
    %concatenate3A_184 = tpu.concatenate %add3A_49, %add3A_67, %add3A_85, %add3A_103, %add3A_121, %add3A_139, %add3A_157, %add3A_175 in 0 : vector<512x8xf32>, vector<512x8xf32>, vector<512x8xf32>, vector<512x8xf32>, vector<512x8xf32>, vector<512x8xf32>, vector<512x8xf32>, vector<512x8xf32> -> vector<4096x8xf32>
    %add3A_185 = arith.addf %add3A_179, %add3A_183 : vector<1x8xf32>
    %div3A_186 = arith.constant 2.560000e+02 : f32
    %div3A_187 = vector.broadcast %div3A_186 : f32 to vector<1x8xf32>
    %div3A_188 = arith.divf %add3A_185, %div3A_187 : vector<1x8xf32>
    %ceil3A = math.ceil %div3A_188 : vector<1x8xf32>
    %mul3A = arith.constant 2.560000e+02 : f32
    %mul3A_189 = vector.broadcast %mul3A : f32 to vector<1x8xf32>
    %mul3A_190 = arith.mulf %ceil3A, %mul3A_189 : vector<1x8xf32>
    %iota3A_191 = tpu.iota {dimensions = array<i32: 0>} : vector<8x8xi32>
    %iota3A_192 = tpu.iota {dimensions = array<i32: 1>} : vector<8x8xi32>
    %lt3A_193 = arith.cmpi slt, %iota3A_191, %iota3A_192 : vector<8x8xi32>
    %convert_element_type3A_194 = arith.extui %lt3A_193 : vector<8x8xi1> to vector<8x8xi32>
    %convert_element_type3A_195 = arith.sitofp %convert_element_type3A_194 : vector<8x8xi32> to vector<8x8xf32>
    %dot_general3A_196 = arith.constant dense<0.000000e+00> : vector<1x8xf32>
    %dot_general3A_197 = tpu.matmul %mul3A_190, %convert_element_type3A_195, %dot_general3A_196 {dimension_numbers = #tpu.dot_dimension_numbers<[1], [0], [0], [1], [0, 0, 1, 1], [], []>, transpose_lhs_hint = false} : vector<1x8xf32>, vector<8x8xf32>, vector<1x8xf32> -> vector<1x8xf32>
    %add3A_198 = vector.broadcast %dot_general3A_197 : vector<1x8xf32> to vector<4096x8xf32>
    %add3A_199 = arith.addf %add3A_198, %concatenate3A : vector<4096x8xf32>
    %mul3A_200 = arith.mulf %convert_element_type3A_28, %add3A_199 : vector<4096x8xf32>
    %reduce_sum3A_201 = arith.constant dense<0.000000e+00> : vector<4096xf32>
    %reduce_sum3A_202 = vector.multi_reduction <add>, %mul3A_200, %reduce_sum3A_201 [1] : vector<4096x8xf32> to vector<4096xf32>
    %broadcast_in_dim3A_203 = vector.shape_cast %reduce_sum3A_202 : vector<4096xf32> to vector<4096x1xf32>
    %add3A_204 = arith.addf %dot_general3A_197, %add3A_179 : vector<1x8xf32>
    %add3A_205 = vector.broadcast %add3A_204 : vector<1x8xf32> to vector<4096x8xf32>
    %add3A_206 = arith.addf %add3A_205, %concatenate3A_184 : vector<4096x8xf32>
    %mul3A_207 = arith.mulf %convert_element_type3A_32, %add3A_206 : vector<4096x8xf32>
    %reduce_sum3A_208 = arith.constant dense<0.000000e+00> : vector<4096xf32>
    %reduce_sum3A_209 = vector.multi_reduction <add>, %mul3A_207, %reduce_sum3A_208 [1] : vector<4096x8xf32> to vector<4096xf32>
    %broadcast_in_dim3A_210 = vector.shape_cast %reduce_sum3A_209 : vector<4096xf32> to vector<4096x1xf32>
    %convert_element_type3A_211 = arith.fptosi %broadcast_in_dim3A_203 : vector<4096x1xf32> to vector<4096x1xi32>
    %broadcast_in_dim3A_212 = vector.shape_cast %convert_element_type3A_211 : vector<4096x1xi32> to vector<4096x1xi32>
    %broadcast_in_dim3A_213 = vector.broadcast %broadcast_in_dim3A_212 : vector<4096x1xi32> to vector<4096x8xi32>
    %swap3A = arith.constant 0 : index
    %swap3A_214 = arith.constant 0 : index
    %swap3A_215 = vector.load %arg3[%swap3A, %swap3A_214] : memref<4096x8xi32, #tpu.memory_space<vmem>>, vector<4096x8xi32>
    tpu.vector_store %arg3[%swap3A, %swap3A_214], %broadcast_in_dim3A_213 {strides = array<i32>} : memref<4096x8xi32, #tpu.memory_space<vmem>>, vector<4096x8xi32>,
    %convert_element_type3A_216 = arith.fptosi %broadcast_in_dim3A_210 : vector<4096x1xf32> to vector<4096x1xi32>
    %broadcast_in_dim3A_217 = vector.shape_cast %convert_element_type3A_216 : vector<4096x1xi32> to vector<4096x1xi32>
    %broadcast_in_dim3A_218 = vector.broadcast %broadcast_in_dim3A_217 : vector<4096x1xi32> to vector<4096x8xi32>
    %swap3A_219 = arith.constant 0 : index
    %swap3A_220 = arith.constant 0 : index
    %swap3A_221 = vector.load %arg4[%swap3A_219, %swap3A_220] : memref<4096x8xi32, #tpu.memory_space<vmem>>, vector<4096x8xi32>
    tpu.vector_store %arg4[%swap3A_219, %swap3A_220], %broadcast_in_dim3A_218 {strides = array<i32>} : memref<4096x8xi32, #tpu.memory_space<vmem>>, vector<4096x8xi32>,
    %broadcast_in_dim3A_222 = vector.shape_cast %broadcast_in_dim3A_18 : vector<4096x1xf32> to vector<4096x1xf32>
    %broadcast_in_dim3A_223 = vector.broadcast %broadcast_in_dim3A_222 : vector<4096x1xf32> to vector<4096x128xf32>
    %swap3A_224 = arith.constant 0 : index
    %swap3A_225 = arith.constant 0 : index
    %swap3A_226 = vector.load %arg5[%swap3A_224, %swap3A_225] : memref<4096x128xf32, #tpu.memory_space<vmem>>, vector<4096x128xf32>
    tpu.vector_store %arg5[%swap3A_224, %swap3A_225], %broadcast_in_dim3A_223 {strides = array<i32>} : memref<4096x128xf32, #tpu.memory_space<vmem>>, vector<4096x128xf32>,
    %broadcast_in_dim3A_227 = vector.shape_cast %broadcast_in_dim3A_25 : vector<4096x1xf32> to vector<4096x1xf32>
    %broadcast_in_dim3A_228 = vector.broadcast %broadcast_in_dim3A_227 : vector<4096x1xf32> to vector<4096x128xf32>
    %swap3A_229 = arith.constant 0 : index
    %swap3A_230 = arith.constant 0 : index
    %swap3A_231 = vector.load %arg6[%swap3A_229, %swap3A_230] : memref<4096x128xf32, #tpu.memory_space<vmem>>, vector<4096x128xf32>
    tpu.vector_store %arg6[%swap3A_229, %swap3A_230], %broadcast_in_dim3A_228 {strides = array<i32>} : memref<4096x128xf32, #tpu.memory_space<vmem>>, vector<4096x128xf32>,
    %add3A_232 = arith.addf %dot_general3A_197, %mul3A_190 : vector<1x8xf32>
    %iota3A_233 = tpu.iota {dimensions = array<i32: 0>} : vector<128x8xi32>
    %convert_element_type3A_234 = arith.sitofp %iota3A_233 : vector<128x8xi32> to vector<128x8xf32>
    %mul3A_235 = arith.constant 2.560000e+02 : f32
    %mul3A_236 = vector.broadcast %mul3A_235 : f32 to vector<128x8xf32>
    %mul3A_237 = arith.mulf %convert_element_type3A_234, %mul3A_236 : vector<128x8xf32>
    %broadcast_in_dim3A_238 = vector.shape_cast %add3A_232 : vector<1x8xf32> to vector<1x8xf32>
    %broadcast_in_dim3A_239 = vector.broadcast %broadcast_in_dim3A_238 : vector<1x8xf32> to vector<128x8xf32>
    %ge3A = arith.cmpf oge, %mul3A_237, %broadcast_in_dim3A_239 : vector<128x8xf32>
    %convert_element_type3A_240 = arith.extui %ge3A : vector<128x8xi1> to vector<128x8xi32>
    %reduce_sum3A_241 = arith.constant dense<0> : vector<128xi32>
    %reduce_sum3A_242 = vector.multi_reduction <add>, %convert_element_type3A_240, %reduce_sum3A_241 [1] : vector<128x8xi32> to vector<128xi32>
    %broadcast_in_dim3A_243 = vector.shape_cast %reduce_sum3A_242 : vector<128xi32> to vector<128x1xi32>
    %min3A = arith.constant 7 : i32
    %min3A_244 = vector.broadcast %min3A : i32 to vector<128x1xi32>
    %min3A_245 = arith.minsi %broadcast_in_dim3A_243, %min3A_244 : vector<128x1xi32>
    %broadcast_in_dim3A_246 = vector.shape_cast %min3A_245 : vector<128x1xi32> to vector<128x1xi32>
    %broadcast_in_dim3A_247 = vector.broadcast %broadcast_in_dim3A_246 : vector<128x1xi32> to vector<128x8xi32>
    %swap3A_248 = arith.constant 0 : index
    %swap3A_249 = arith.constant 0 : index
    %swap3A_250 = vector.load %arg7[%swap3A_248, %swap3A_249] : memref<128x8xi32, #tpu.memory_space<vmem>>, vector<128x8xi32>
    tpu.vector_store %arg7[%swap3A_248, %swap3A_249], %broadcast_in_dim3A_247 {strides = array<i32>} : memref<128x8xi32, #tpu.memory_space<vmem>>, vector<128x8xi32>,
    return
  }
}

module attributes {stable_mosaic.version = 14 : i64} {
  func.func @_expert_kernel(%arg0: i32, %arg1: memref<128xi32, #tpu.memory_space<smem>>, %arg2: memref<256x768xf32, #tpu.memory_space<vmem>>, %arg3: memref<1x768x768xf32, #tpu.memory_space<vmem>>, %arg4: memref<1x1x768xf32, #tpu.memory_space<vmem>>, %arg5: memref<1x256x128xf32, #tpu.memory_space<vmem>>, %arg6: memref<256x768xf32, #tpu.memory_space<vmem>>) attributes {dimension_semantics = [#tpu.dimension_semantics<arbitrary>], iteration_bounds = array<i64: 40>, scalar_prefetch = 1 : i64, scratch_operands = 0 : i64, tpu.core_type = #tpu.core_type<tc>, window_params = [{transform_indices = @transform_0, window_bounds = array<i64: 256, 768>}, {transform_indices = @transform_1, window_bounds = array<i64: 1, 768, 768>}, {transform_indices = @transform_2, window_bounds = array<i64: 1, 1, 768>}, {transform_indices = @transform_3, window_bounds = array<i64: 1, 256, 128>}, {transform_indices = @transform_4, window_bounds = array<i64: 256, 768>}]} {
    %get3A = arith.constant 0 : index
    %get3A_0 = arith.constant 0 : index
    %get3A_1 = vector.load %arg2[%get3A, %get3A_0] : memref<256x768xf32, #tpu.memory_space<vmem>>, vector<256x768xf32>
    %get3A_2 = arith.constant 0 : index
    %get3A_3 = arith.constant 0 : index
    %get3A_4 = arith.constant 0 : index
    %get3A_5 = vector.load %arg3[%get3A_2, %get3A_3, %get3A_4] : memref<1x768x768xf32, #tpu.memory_space<vmem>>, vector<1x768x768xf32>
    %get3A_6 = vector.shape_cast %get3A_5 : vector<1x768x768xf32> to vector<768x768xf32>
    %dot_general3A = arith.constant dense<0.000000e+00> : vector<256x768xf32>
    %dot_general3A_7 = tpu.matmul %get3A_1, %get3A_6, %dot_general3A {dimension_numbers = #tpu.dot_dimension_numbers<[1], [1], [0], [0], [0, 0, 1, 0], [], []>, transpose_lhs_hint = false} : vector<256x768xf32>, vector<768x768xf32>, vector<256x768xf32> -> vector<256x768xf32>
    %get3A_8 = arith.constant 0 : index
    %get3A_9 = arith.constant 0 : index
    %get3A_10 = arith.constant 0 : index
    %get3A_11 = vector.load %arg4[%get3A_8, %get3A_9, %get3A_10] : memref<1x1x768xf32, #tpu.memory_space<vmem>>, vector<1x1x768xf32>
    %get3A_12 = vector.shape_cast %get3A_11 : vector<1x1x768xf32> to vector<1x768xf32>
    %add3A = vector.broadcast %get3A_12 : vector<1x768xf32> to vector<256x768xf32>
    %add3A_13 = arith.addf %dot_general3A_7, %add3A : vector<256x768xf32>
    %max3A = arith.constant 0.000000e+00 : f32
    %max3A_14 = vector.broadcast %max3A : f32 to vector<256x768xf32>
    %max3A_15 = arith.maximumf %add3A_13, %max3A_14 : vector<256x768xf32>
    %get3A_16 = arith.constant 0 : index
    %get3A_17 = arith.constant 0 : index
    %get3A_18 = arith.constant 0 : index
    %get3A_19 = vector.load %arg5[%get3A_16, %get3A_17, %get3A_18] : memref<1x256x128xf32, #tpu.memory_space<vmem>>, vector<1x256x128xf32>
    %get3A_20 = vector.shape_cast %get3A_19 : vector<1x256x128xf32> to vector<256x128xf32>
    %slice3A = vector.extract_strided_slice %get3A_20 {offsets = [0, 0], sizes = [256, 1], strides = [1, 1]} : vector<256x128xf32> to vector<256x1xf32>
    %mul3A = vector.broadcast %slice3A : vector<256x1xf32> to vector<256x768xf32>
    %mul3A_21 = arith.mulf %max3A_15, %mul3A : vector<256x768xf32>
    %swap3A = arith.constant 0 : index
    %swap3A_22 = arith.constant 0 : index
    %swap3A_23 = vector.load %arg6[%swap3A, %swap3A_22] : memref<256x768xf32, #tpu.memory_space<vmem>>, vector<256x768xf32>
    tpu.vector_store %arg6[%swap3A, %swap3A_22], %mul3A_21 {strides = array<i32>} : memref<256x768xf32, #tpu.memory_space<vmem>>, vector<256x768xf32>,
    return
  }
  func.func @transform_0(%arg0: i32, %arg1: memref<128xi32, #tpu.memory_space<smem>>) -> (i32, i32) {
    %c0_i32 = arith.constant 0 : i32
    %c0_i32_0 = arith.constant 0 : i32
    return %arg0, %c0_i32 : i32, i32
  }
  func.func @transform_1(%arg0: i32, %arg1: memref<128xi32, #tpu.memory_space<smem>>) -> (i32, i32, i32) {
    %get3A = arith.index_cast %arg0 : i32 to index
    %get3A_0 = memref.load %arg1[%get3A] : memref<128xi32, #tpu.memory_space<smem>>
    %c0_i32 = arith.constant 0 : i32
    %c0_i32_1 = arith.constant 0 : i32
    %c0_i32_2 = arith.constant 0 : i32
    return %get3A_0, %c0_i32, %c0_i32_1 : i32, i32, i32
  }
  func.func @transform_2(%arg0: i32, %arg1: memref<128xi32, #tpu.memory_space<smem>>) -> (i32, i32, i32) {
    %get3A = arith.index_cast %arg0 : i32 to index
    %get3A_0 = memref.load %arg1[%get3A] : memref<128xi32, #tpu.memory_space<smem>>
    %c0_i32 = arith.constant 0 : i32
    %c0_i32_1 = arith.constant 0 : i32
    %c0_i32_2 = arith.constant 0 : i32
    return %get3A_0, %c0_i32, %c0_i32_1 : i32, i32, i32
  }
  func.func @transform_3(%arg0: i32, %arg1: memref<128xi32, #tpu.memory_space<smem>>) -> (i32, i32, i32) {
    %c0_i32 = arith.constant 0 : i32
    %c0_i32_0 = arith.constant 0 : i32
    %c0_i32_1 = arith.constant 0 : i32
    return %arg0, %c0_i32, %c0_i32_0 : i32, i32, i32
  }
  func.func @transform_4(%arg0: i32, %arg1: memref<128xi32, #tpu.memory_space<smem>>) -> (i32, i32) {
    %c0_i32 = arith.constant 0 : i32
    %c0_i32_0 = arith.constant 0 : i32
    return %arg0, %c0_i32 : i32, i32
  }
}

</mosaic_0001>

<sc_bundles>
// kernel: kernel.6.cloned.1.call-start
scs
__scs_entry_jumppad:
0x0: {  	(pc) =	sbr.rel $0x88, $3  }
0x1: {  	(tag) =	ssettag $0x0;
	lr =	simm.s32 $0x1  }
0x2: {  	[smem:$0x3F9C] =	sst lr;
	_ =	strace $0xD0000000  }
0x3: {  	_ = 	snop  }
0x4: {  	_ = 	snop  }
0x5: {  	_ = 	snop  }
0x6: {  	_ = 	snop  }
0x7: {  	_ = 	snop  }
__scs_overlays_trampoline_lowered:
0x8: {  	[smem:$0x3FAB] =	sst s0  }
0x9: {  	[smem:$0x3FAC] =	sst s1  }
0xa: {  	[smem:$0x3FAD] =	sst s2  }
0xb: {  	[smem:$0x3FAE] =	sst s3  }
0xc: {  	[smem:$0x3FAF] =	sst s4  }
0xd: {  	[smem:$0x3FB0] =	sst s5  }
0xe: {  	[smem:$0x3FB1] =	sst s6  }
0xf: {  	[smem:$0x3FB2] =	sst s7  }
0x10: {  	[smem:$0x3FB3] =	sst s8  }
0x11: {  	[smem:$0x3FB4] =	sst s9;
	s0 =	simm.s32 @!p0 $0x0  }
0x12: {  	s1 =	sld [smem:$0x3F9A];
	s0 =	simm.s32 @p0 $0x1  }
0x13: {  	[smem:$0x3FB5] =	sst s0;
	s0 =	simm.s32 @!p1 $0x0  }
0x14: {  	s2 =	sld [smem:$0x3F99];
	s0 =	simm.s32 @p1 $0x1  }
0x15: {  	[smem:$0x3FB6] =	sst s0;
	s0 =	simm.s32 @!p2 $0x0  }
0x16: {  	s3 =	sld [smem:$0x3FDB];
	s0 =	simm.s32 @p2 $0x1  }
0x17: {  	s4 =	simm.s32 $0x1BF5;
	[smem:$0x3FB8] =	sst s0  }
0x18: {  	s0 =	sld [smem:$0x3F9B];
	_ =	swait.ge [sflag:s4], $0x0  }
0x19: {  	s7 =	sld [smem:$0x3F9C]  }
0x1a: {  	s8 =	sadd.s32 $0xFFFFE003, lr  }
0x1b: {  	s9 =	sadd.s32 $0xFFFFFEF7, lr;
	s5 =	simm.s32 $0xFFFFFFFF;
	p2 =	slt.u32 s8, $0xFFFFF086  }
0x1c: {  	p1 =	slt.u32 s9, $0xF7A;
	s5 =	simm.s32 @!p2 $0x0  }
0x1d: {  	s5 =	simm.s32 @p1 $0x1;
	p0 =	seq.s32 s7, s2  }
0x1e: {  	s7 =	smul.u32 @!p0 $0xF7A, s2;
	p2 =	seq.s32 @!p0 s5, $0x0  }
0x1f: {  	s9 =	smul.u32 $0xF7A, s1;
	s8 =	simm.s32 @!p0 $0x1BF5;
	p2 =	por !p2, p0  }
0x20: {  	[sflag:s8] =	ssyncset.s32 @!p0 $0xFFFFF086;
	s6 =	sadd.s32 @!p0 s3, s7;
	s7 =	simm.s32 @!p0 $0x108  }
0x21: {  	s3 =	sadd.s32 s3, s9;
	s6 =	sadd.s32 @!p0 $0x88, s6;
	s7 =	simm.s32 @p2 $0x1082  }
0x22: {  	[simem:s7], [sflag:s8] =	dma.local @!p0 [hbm:s6], $0xF7A  }
0x23: {  	s9 =	sor.u32 $0xD0000000, s2;
	s6 =	simm.s32 $0x108;
	_ =	swait.ge @!p0 [sflag:s8], $0x0  }
0x24: {  	s3 =	sadd.s32 $0x88, s3;
	s6 =	simm.s32 @!p1 $0x1082;
	[sflag:s4] =	ssyncset.s32 $0xFFFFF086  }
0x25: {  	[simem:s6], [sflag:s4] =	dma.local [hbm:s3], $0xF7A  }
0x26: {  	[smem:$0x3F9C] =	sst s1;
	(tag) =	ssettag s2;
	_ =	strace s9  }
0x27: {  	s1 =	sld [smem:$0x3FAC]  }
0x28: {  	s2 =	sld [smem:$0x3FAD]  }
0x29: {  	s4 =	sld [smem:$0x3FAF]  }
0x2a: {  	p0 =	seq.s32 s5, $0x0;
	s5 =	sld [smem:$0x3FB0]  }
0x2b: {  	s6 =	sld [smem:$0x3FB1]  }
0x2c: {  	s7 =	sld [smem:$0x3FB2]  }
0x2d: {  	s3 =	simm.s32 $0x108;
	s8 =	sld [smem:$0x3FB3]  }
0x2e: {  	s3 =	simm.s32 @!p0 $0x1082;
	s9 =	sld [smem:$0x3FB4]  }
0x2f: {  	lr =	sadd.s32 s0, s3;
	s0 =	sld [smem:$0x3FAB]  }
0x30: {  	s3 =	sld [smem:$0x3FAE]  }
0x31: {  	[smem:$0x3FB7] =	sst s10  }
0x32: {  	s10 =	sld [smem:$0x3FB5];
	_ =	sdelay $0x3  }
0x33: {  	p0 =	seq.s32 s10, $0x1;
	s10 =	sld [smem:$0x3FB7];
	_ =	sdelay $0x3  }
0x34: {  	[smem:$0x3FB7] =	sst s10  }
0x35: {  	s10 =	sld [smem:$0x3FB6];
	_ =	sdelay $0x3  }
0x36: {  	p1 =	seq.s32 s10, $0x1;
	s10 =	sld [smem:$0x3FB7];
	_ =	sdelay $0x3  }
0x37: {  	[smem:$0x3FB7] =	sst s10  }
0x38: {  	s10 =	sld [smem:$0x3FB8]  }
0x39: {  	_ = 	snop;
	(pc) =	sbr.ind lr, $3  }
0x3a: {  	_ = 	snop  }
0x3b: {  	_ = 	snop  }
0x3c: {  	p2 =	seq.s32 s10, $0x1;
	s10 =	sld [smem:$0x3FB7]  }
0x3d: {  	_ =	shalt  }
0x3e: {  	_ =	shalt  }
0x3f: {  	_ =	shalt  }
0x40: {  	_ =	shalt  }
0x41: {  	_ =	shalt  }
0x42: {  	_ =	shalt  }
0x43: {  	_ =	shalt  }
0x44: {  	_ =	shalt  }
0x45: {  	_ =	shalt  }
0x46: {  	_ =	shalt  }
0x47: {  	_ =	shalt  }
0x48: {  	_ =	shalt  }
0x49: {  	_ =	shalt  }
0x4a: {  	_ =	shalt  }
0x4b: {  	_ =	shalt  }
0x4c: {  	_ =	shalt  }
0x4d: {  	_ =	shalt  }
0x4e: {  	_ =	shalt  }
0x4f: {  	_ =	shalt  }
0x50: {  	_ =	shalt  }
0x51: {  	_ =	shalt  }
0x52: {  	_ =	shalt  }
0x53: {  	_ =	shalt  }
0x54: {  	_ =	shalt  }
0x55: {  	_ =	shalt  }
0x56: {  	_ =	shalt  }
0x57: {  	_ =	shalt  }
0x58: {  	_ =	shalt  }
0x59: {  	_ =	shalt  }
0x5a: {  	_ =	shalt  }
0x5b: {  	_ =	shalt  }
0x5c: {  	_ =	shalt  }
0x5d: {  	_ =	shalt  }
0x5e: {  	_ =	shalt  }
0x5f: {  	_ =	shalt  }
0x60: {  	_ =	shalt  }
0x61: {  	_ =	shalt  }
0x62: {  	_ =	shalt  }
0x63: {  	_ =	shalt  }
0x64: {  	_ =	shalt  }
0x65: {  	_ =	shalt  }
0x66: {  	_ =	shalt  }
0x67: {  	_ =	shalt  }
0x68: {  	_ =	shalt  }
0x69: {  	_ =	shalt  }
0x6a: {  	_ =	shalt  }
0x6b: {  	_ =	shalt  }
0x6c: {  	_ =	shalt  }
0x6d: {  	_ =	shalt  }
0x6e: {  	_ =	shalt  }
0x6f: {  	_ =	shalt  }
0x70: {  	_ =	shalt  }
0x71: {  	_ =	shalt  }
0x72: {  	_ =	shalt  }
0x73: {  	_ =	shalt  }
0x74: {  	_ =	shalt  }
0x75: {  	_ =	shalt  }
0x76: {  	_ =	shalt  }
0x77: {  	_ =	shalt  }
0x78: {  	_ =	shalt  }
0x79: {  	_ =	shalt  }
0x7a: {  	_ =	shalt  }
0x7b: {  	_ =	shalt  }
0x7c: {  	_ =	shalt  }
0x7d: {  	_ =	shalt  }
0x7e: {  	_ =	shalt  }
0x7f: {  	_ =	shalt  }
0x80: {  	_ =	shalt  }
0x81: {  	_ =	shalt  }
0x82: {  	_ =	shalt  }
0x83: {  	_ =	shalt  }
0x84: {  	_ =	shalt  }
0x85: {  	_ =	shalt  }
0x86: {  	_ =	shalt  }
0x87: {  	_ =	shalt  }
.Lfunc_end0:
.L_simem_size_0:
called_computation_lowered:
.L_overlay_start_0:
0x88: {  	s2 =	sld [smem:$0x3FD9]  }
0x89: {  	s3 =	sld [smem:$0x3FFE];
	_ =	sdelay $0x1  }
0x8a: {  	s1 =	srdreg.scid  }
0x8b: {  	s0 =	sand.u32 $0x1, s1  }
0x8c: {  	s17 =	sshll.u32 s0, $0xA;
	s2 =	sadd.s32 s3, s2  }
0x8d: {  	s2 =	sadd.s32 s2, s17  }
0x8e: {  	[smem:$0x3FC3] =	sst s2  }
0x8f: {  	_ = 	snop  }
0x90: {  	s2 =	sld [smem:$0x3FC9]  }
0x91: {  	s18 =	sld [smem:$0x3FD0];
	(tm) =	ssettm $0x1  }
0x92: {  	s4 =	sld [smem:$0x3FFB];
	_ =	sdelay $0x3  }
0x93: {  	_ =	strace s4  }
0x94: {  	s4 =	sld [smem:$0x3FFC];
	_ =	sdelay $0x3  }
0x95: {  	_ =	strace s4  }
0x96: {  	s4 =	sld [smem:$0x3FFD];
	_ =	sdelay $0x3  }
0x97: {  	_ =	strace s4  }
0x98: {  	_ =	strace $0x8FFFFFFF  }
0x99: {  	s19 =	sld [smem:$0x3FDB];
	_ =	sdelay $0x1  }
0x9a: {  	s5 =	simm.s32 $_scs_section_size  }
0x9b: {  	s6 =	simm.s32 $_size__tile_overlayer_lowered;
	s7 =	simm.s32 $_tile_overlayer_lowered  }
0x9c: {  	s22 =	simm.s32 $0x1BFF;
	s21 =	sshll.u32 s7, $0x1;
	s4 =	sadd.s32 s5, s19  }
0x9d: {  	s8 =	simm.s32 $0x0;
	s20 =	sshll.u32 s6, $0x1;
	s6 =	sadd.s32 s21, s4  }
0x9e: {  	[timem:s8], [sflag:s22] =	dma.local [hbm:s6], s20  }
0x9f: {  	_ =	swait.ge [sflag:s22], s20  }
0xa0: {  	s5 =	ssub.s32 $0x0, s20;
	[sflag:s22] =	ssyncset.done $0x0  }
0xa1: {  	[sflag:s22] =	ssyncadd.s32 s5;
	_ =	sdelay $0x1  }
0xa2: {  	s23 =	simm.s32 $0x1B8B  }
0xa3: {  	_ =	swait.ge [sflag:s23], $0x1  }
0xa4: {  	[sflag:s23] =	ssyncset.done $0x0  }
0xa5: {  	s25 =	simm.s32 $0x1B8E;
	s24 =	sld [smem:$0x3FFE];
	[sflag:s23] =	ssyncadd.s32 $0xFFFFFFFF  }
0xa6: {  	s26 =	simm.s32 $execute0_lowered;
	[smem:$0x3FD2] =	sst s25  }
0xa7: {  	s6 =	sshll.u32 s26, $0x1;
	_ =	strace $0x80000046;
	[dreg:$0x1] =	wrdreg $0xFFFFFFFF  }
0xa8: {  	s28 =	simm.s32 $_size_execute0_lowered;
	s4 =	sadd.s32 s4, s6;
	[dreg:$0x0] =	wrdreg $0x0  }
0xa9: {  	s6 =	sshll.u32 s28, $0x1;
	[dreg:$0x2] =	wrdreg s4  }
0xaa: {  	[dreg:$0x3] =	wrdreg s6  }
0xab: {  	[dreg:$0x4] =	wrdreg $0xC0  }
0xac: {  	_ =	task [dreg:s8], $0x5FFFF  }
0xad: {  	[dreg:$0x1] =	wrdreg $0xFFFFFFFF  }
0xae: {  	[dreg:$0x0] =	wrdreg $0x60  }
0xaf: {  	[dreg:$0x2] =	wrdreg s2  }
0xb0: {  	[dreg:$0x3] =	wrdreg s24  }
0xb1: {  	[dreg:$0x4] =	wrdreg s18  }
0xb2: {  	[dreg:$0x5] =	wrdreg $0x9  }
0xb3: {  	_ =	task.clear_ibuf [dreg:s8], $0x6FFFF;
	_ =	strace $0x90000046  }
0xb4: {  	s29 =	simm.s32 $0x9;
	_ =	strace $0x80000048  }
0xb5: {  	_ =	swait.ge [sflag:s29], $0x1  }
0xb6: {  	[sflag:s29] =	ssyncadd.s32 $0xFFFFFFFF  }
0xb7: {  	_ =	strace $0x90000048  }
0xb8: {  	_ =	sfence  }
0xb9: {  	s30 =	sld [smem:$0x0];
	_ =	sdelay $0x2  }
0xba: {  	s31 =	sshll.u32 s1, $0xD;
	s1 =	sshrl.u32 s1, $0x2  }
0xbb: {  	s3 =	sand.u32 $0x4000, s31;
	s1 =	sadd.s32 s1, s30  }
0xbc: {  	s0 =	sor.u32 s3, s0;
	s1 =	sshll.u32 s1, $0x11  }
0xbd: {  	s0 =	sor.u32 s1, s0  }
0xbe: {  	s0 =	sadd.s32 $0x8F2B, s0  }
0xbf: {  	[sflag:s0] =	ssyncadd.remote.s32 $0x1  }
0xc0: {  	_ =	sfence.sel $0xFFFF  }
0xc1: {  	[dreg:$0x0] =	wrdreg $0xFFFFFFFF;
	(pc) =	sbr.abs _section_cstart, $3  }
0xc2: {  	[dreg:$0x1] =	wrdreg $0xFFFFFFFF  }
0xc3: {  	_ =	task.clear_ibuf [dreg:s8], $0x2FFFF;
	_ =	strace $0x9FFFFFFF  }
0xc4: {  	(tm) =	ssettm $0x7FFFFFFF  }
0xc5: {  	_ =	shalt  }
tec
execute0_lowered:
.L_overlay_start_1:
0x0: {  	(tag) =	ssettag $0x1  }
0x1: {  	s0 =	rddreg [dreg:$0x0]  }
0x2: {  	s1 =	rddreg [dreg:$0x1];
	s2 =	srdreg.scid  }
0x3: {  	s4 =	stileid.u32;
	s3 =	simm.s32 $0x0;
	s12 =	simm.s32 $0x1  }
0x4: {  	s16 =	simm.s32 $0x1900;
	s17 =	simm.s32 $0x2100;
	s18 =	simm.s32 $0x2900  }
0x5: {  	s19 =	simm.s32 $0x3100;
	s20 =	simm.s32 $0x3900;
	s21 =	simm.s32 $0x4100  }
0x6: {  	s22 =	simm.s32 $0x4900;
	s23 =	simm.s32 $0x5100;
	s24 =	simm.s32 $0x5900  }
0x7: {  	s28 =	simm.s32 $0x7100;
	s29 =	simm.s32 $0x7900;
	s30 =	simm.s32 $0x8100  }
0x8: {  	s31 =	simm.s32 $0x8900;
	s11 =	simm.s32 $0xA900;
	s2 =	sand.u32 $0x1, s2  }
0x9: {  	s10 =	simm.s32 $0xB900;
	s4 =	sshll.u32 s4, $0x8;
	s5 =	sshll.u32 s2, $0x7  }
0xa: {  	[smem:$0x7FF] =	sst s3;
	s2 =	ssub.s32 $0x2, s2;
	s4 =	sor.u32 s5, s4  }
0xb: {  	_ =	strace $0x80000047;
	s9 =	sshrl.u32 s2, $0x1;
	s5 =	sshrl.u32 s4, $0x3  }
0xc: {  	s4 =	sshll.u32 s4, $0x4;
	s2 =	ssub.s32 s2, s9;
	s9 =	simm.s32 $0xB100  }
0xd: {  	s6 =	sadd.s32 s5, s1;
	s7 =	sadd.s32 s4, s1;
	s4 =	sadd.s32 $0x21200, s1  }
0xe: {  	s5 =	smul.u32 $0x300, s5;
	s8 =	sadd.s32 $0x21000, s6;
	s6 =	sadd.s32 $0x20E00, s6  }
0xf: {  	s25 =	sadd.s32 $0xE00, s7;
	s26 =	sadd.s32 $0x10E00, s7;
	[dreg:$0x4] =	wrdreg s8  }
0x10: {  	s7 =	smax.u32 s2, $0x1;
	s2 =	simm.s32 $0xA100;
	[dreg:$0x5] =	wrdreg s6  }
0x11: {  	v2 =	vlaneseq.u32;
	s0 =	sadd.s32 s0, s5;
	s5 =	sadd.s32 $0x21300, s1;
	[dreg:$0x7] =	wrdreg s25  }
0x12: {  	vm0 =	vmmov $0xffff;
	v1 =	vshrl.u32 v2, $0x3;
	s6 =	sadd.s32 $0x21400, s1;
	[dreg:$0x8] =	wrdreg s26;
	s8 =	simm.s32 $0x2  }
0x13: {  	v0 =	vand.u32 $0x7, v2;
	v2 =	vor.u32 $0x8, v2;
	v1 =	vmul.u32 $0x8, v1;
	s25 =	simm.s32 $0x6100;
	s26 =	simm.s32 $0x6900;
	[dreg:$0x6] =	wrdreg s0  }
.LBB2_1:
0x14: {  	s14 =	rddreg [dreg:$0x4]  }
0x15: {  	[tilespmem:s3], [sflag:$0x2] =	stream.linear.gather [hbm4b:s14+s3], $0x80, $0x38;
	[tilespmem:$0x1C100] =	vst v63  }
0x16: {  	_ =	swait.ge [sflag:s8], $0x80  }
0x17: {  	[sflag:s8] =	ssyncset.done $0x0  }
0x18: {  	s0 =	simm.s32 $0x80;
	s15 =	rddreg [dreg:$0x5];
	[sflag:s8] =	ssyncadd.s32 $0xFFFFFF80  }
0x19: {  	[tilespmem:s0], [sflag:$0x2] =	stream.linear.gather [hbm4b:s15+s3], $0x80, $0x38;
	[tilespmem:$0x1C100] =	vst v63  }
0x1a: {  	_ =	swait.ge [sflag:s8], $0x80  }
0x1b: {  	[sflag:s8] =	ssyncset.done $0x0  }
0x1c: {  	s13 =	simm.s32 $0x100;
	s0 =	rddreg [dreg:$0x6];
	[sflag:s8] =	ssyncadd.s32 $0xFFFFFF80  }
0x1d: {  	[tilespmem:s13], [sflag:$0x2] =	stream.linear.gather [hbm4b:s0+s3], $0x18000, $0x38;
	[tilespmem:$0x1C100] =	vst v63  }
0x1e: {  	_ =	swait.ge [sflag:s8], $0x18000  }
0x1f: {  	[sflag:s8] =	ssyncset.done $0x0  }
0x20: {  	[sflag:s8] =	ssyncadd.s32 $0xFFFE8000  }
0x21: {  	v3 =	vld [tilespmem:$0x0];
	_ =	sdelay $0x4  }
0x22: {  	v4 =	vshrl.u32 v3, $0x3  }
0x23: {  	v4 =	vmul.u32 $0x30, v4  }
0x24: {  	v3 =	vand.u32 $0x7, v3  }
0x25: {  	v3 =	vor.u32 v3, v4  }
0x26: {  	v4 =	vperm.xlane v3, v0;
	_ =	sdelay $0x1  }
0x27: {  	v4 =	vadd.s32 v1, v4;
	_ =	sdelay $0x3  }
0x28: {  	v3 =	vperm.xlane v3, v2  }
0x29: {  	[hbm4b:s4+s3] =	stream.indirect_vreg.scatter [tilespmem:s13], [sflag:$0x1], $0x80, v4, vm0, $0xb8;
	[tilespmem:$0x1C100] =	vst v63  }
0x2a: {  	s14 =	simm.s32 $0x900;
	v3 =	vadd.s32 v1, v3  }
0x2b: {  	[hbm4b:s5+s3] =	stream.indirect_vreg.scatter [tilespmem:s14], [sflag:$0x1], $0x80, v4, vm0, $0xb8;
	[tilespmem:$0x1C100] =	vst v63  }
0x2c: {  	s15 =	simm.s32 $0x1100  }
0x2d: {  	[hbm4b:s6+s3] =	stream.indirect_vreg.scatter [tilespmem:s15], [sflag:$0x1], $0x80, v4, vm0, $0xb8;
	[tilespmem:$0x1C100] =	vst v63  }
0x2e: {  	_ = 	snop  }
0x2f: {  	[hbm4b:s4+s3] =	stream.indirect_vreg.scatter [tilespmem:s16], [sflag:$0x1], $0x80, v3, vm0, $0xb8;
	[tilespmem:$0x1C100] =	vst v63  }
0x30: {  	_ = 	snop  }
0x31: {  	[hbm4b:s5+s3] =	stream.indirect_vreg.scatter [tilespmem:s17], [sflag:$0x1], $0x80, v3, vm0, $0xb8;
	[tilespmem:$0x1C100] =	vst v63  }
0x32: {  	_ = 	snop  }
0x33: {  	[hbm4b:s6+s3] =	stream.indirect_vreg.scatter [tilespmem:s18], [sflag:$0x1], $0x80, v3, vm0, $0xb8;
	[tilespmem:$0x1C100] =	vst v63  }
0x34: {  	v3 =	vld [tilespmem:$0x10];
	_ =	sdelay $0x4  }
0x35: {  	v49 =	vshrl.u32 v3, $0x3  }
0x36: {  	v4 =	vmul.u32 $0x30, v49  }
0x37: {  	v3 =	vand.u32 $0x7, v3  }
0x38: {  	v3 =	vor.u32 v3, v4  }
0x39: {  	v4 =	vperm.xlane v3, v0;
	_ =	sdelay $0x1  }
0x3a: {  	v4 =	vadd.s32 v1, v4;
	_ =	sdelay $0x3  }
0x3b: {  	v3 =	vperm.xlane v3, v2  }
0x3c: {  	[hbm4b:s4+s3] =	stream.indirect_vreg.scatter [tilespmem:s19], [sflag:$0x1], $0x80, v4, vm0, $0xb8;
	[tilespmem:$0x1C100] =	vst v63  }
0x3d: {  	v3 =	vadd.s32 v1, v3  }
0x3e: {  	[hbm4b:s5+s3] =	stream.indirect_vreg.scatter [tilespmem:s20], [sflag:$0x1], $0x80, v4, vm0, $0xb8;
	[tilespmem:$0x1C100] =	vst v63  }
0x3f: {  	_ = 	snop  }
0x40: {  	[hbm4b:s6+s3] =	stream.indirect_vreg.scatter [tilespmem:s21], [sflag:$0x1], $0x80, v4, vm0, $0xb8;
	[tilespmem:$0x1C100] =	vst v63  }
0x41: {  	_ = 	snop  }
0x42: {  	[hbm4b:s4+s3] =	stream.indirect_vreg.scatter [tilespmem:s22], [sflag:$0x1], $0x80, v3, vm0, $0xb8;
	[tilespmem:$0x1C100] =	vst v63  }
0x43: {  	_ = 	snop  }
0x44: {  	[hbm4b:s5+s3] =	stream.indirect_vreg.scatter [tilespmem:s23], [sflag:$0x1], $0x80, v3, vm0, $0xb8;
	[tilespmem:$0x1C100] =	vst v63  }
0x45: {  	_ = 	snop  }
0x46: {  	[hbm4b:s6+s3] =	stream.indirect_vreg.scatter [tilespmem:s24], [sflag:$0x1], $0x80, v3, vm0, $0xb8;
	[tilespmem:$0x1C100] =	vst v63  }
0x47: {  	v3 =	vld [tilespmem:$0x20];
	_ =	sdelay $0x4  }
0x48: {  	v50 =	vshrl.u32 v3, $0x3  }
0x49: {  	v4 =	vmul.u32 $0x30, v50  }
0x4a: {  	v3 =	vand.u32 $0x7, v3  }
0x4b: {  	v3 =	vor.u32 v3, v4  }
0x4c: {  	v4 =	vperm.xlane v3, v0;
	_ =	sdelay $0x1  }
0x4d: {  	v4 =	vadd.s32 v1, v4;
	_ =	sdelay $0x3  }
0x4e: {  	v3 =	vperm.xlane v3, v2  }
0x4f: {  	[hbm4b:s4+s3] =	stream.indirect_vreg.scatter [tilespmem:s25], [sflag:$0x1], $0x80, v4, vm0, $0xb8;
	[tilespmem:$0x1C100] =	vst v63  }
0x50: {  	v3 =	vadd.s32 v1, v3  }
0x51: {  	[hbm4b:s5+s3] =	stream.indirect_vreg.scatter [tilespmem:s26], [sflag:$0x1], $0x80, v4, vm0, $0xb8;
	[tilespmem:$0x1C100] =	vst v63  }
0x52: {  	_ = 	snop  }
0x53: {  	[hbm4b:s6+s3] =	stream.indirect_vreg.scatter [tilespmem:s28], [sflag:$0x1], $0x80, v4, vm0, $0xb8;
	[tilespmem:$0x1C100] =	vst v63  }
0x54: {  	_ = 	snop  }
0x55: {  	[hbm4b:s4+s3] =	stream.indirect_vreg.scatter [tilespmem:s29], [sflag:$0x1], $0x80, v3, vm0, $0xb8;
	[tilespmem:$0x1C100] =	vst v63  }
0x56: {  	_ = 	snop  }
0x57: {  	[hbm4b:s5+s3] =	stream.indirect_vreg.scatter [tilespmem:s30], [sflag:$0x1], $0x80, v3, vm0, $0xb8;
	[tilespmem:$0x1C100] =	vst v63  }
0x58: {  	_ = 	snop  }
0x59: {  	[hbm4b:s6+s3] =	stream.indirect_vreg.scatter [tilespmem:s31], [sflag:$0x1], $0x80, v3, vm0, $0xb8;
	[tilespmem:$0x1C100] =	vst v63  }
0x5a: {  	v3 =	vld [tilespmem:$0x30];
	_ =	sdelay $0x4  }
0x5b: {  	v51 =	vshrl.u32 v3, $0x3  }
0x5c: {  	v4 =	vmul.u32 $0x30, v51  }
0x5d: {  	v3 =	vand.u32 $0x7, v3  }
0x5e: {  	v3 =	vor.u32 v3, v4  }
0x5f: {  	v4 =	vperm.xlane v3, v0;
	_ =	sdelay $0x1  }
0x60: {  	v4 =	vadd.s32 v1, v4;
	_ =	sdelay $0x3  }
0x61: {  	s1 =	simm.s32 $0x9100;
	v3 =	vperm.xlane v3, v2  }
0x62: {  	[hbm4b:s4+s3] =	stream.indirect_vreg.scatter [tilespmem:s1], [sflag:$0x1], $0x80, v4, vm0, $0xb8;
	[tilespmem:$0x1C100] =	vst v63  }
0x63: {  	v3 =	vadd.s32 v1, v3;
	s1 =	simm.s32 $0x9900  }
0x64: {  	[hbm4b:s5+s3] =	stream.indirect_vreg.scatter [tilespmem:s1], [sflag:$0x1], $0x80, v4, vm0, $0xb8;
	[tilespmem:$0x1C100] =	vst v63  }
0x65: {  	_ = 	snop  }
0x66: {  	[hbm4b:s6+s3] =	stream.indirect_vreg.scatter [tilespmem:s2], [sflag:$0x1], $0x80, v4, vm0, $0xb8;
	[tilespmem:$0x1C100] =	vst v63  }
0x67: {  	_ = 	snop  }
0x68: {  	[hbm4b:s4+s3] =	stream.indirect_vreg.scatter [tilespmem:s11], [sflag:$0x1], $0x80, v3, vm0, $0xb8;
	[tilespmem:$0x1C100] =	vst v63  }
0x69: {  	_ = 	snop  }
0x6a: {  	[hbm4b:s5+s3] =	stream.indirect_vreg.scatter [tilespmem:s9], [sflag:$0x1], $0x80, v3, vm0, $0xb8;
	[tilespmem:$0x1C100] =	vst v63  }
0x6b: {  	_ = 	snop  }
0x6c: {  	[hbm4b:s6+s3] =	stream.indirect_vreg.scatter [tilespmem:s10], [sflag:$0x1], $0x80, v3, vm0, $0xb8;
	[tilespmem:$0x1C100] =	vst v63  }
0x6d: {  	v3 =	vld [tilespmem:$0x40];
	_ =	sdelay $0x4  }
0x6e: {  	v52 =	vshrl.u32 v3, $0x3  }
0x6f: {  	v4 =	vmul.u32 $0x30, v52  }
0x70: {  	v3 =	vand.u32 $0x7, v3  }
0x71: {  	v3 =	vor.u32 v3, v4  }
0x72: {  	v4 =	vperm.xlane v3, v0;
	_ =	sdelay $0x1  }
0x73: {  	v4 =	vadd.s32 v1, v4;
	_ =	sdelay $0x3  }
0x74: {  	s0 =	simm.s32 $0xC100;
	v3 =	vperm.xlane v3, v2  }
0x75: {  	[hbm4b:s4+s3] =	stream.indirect_vreg.scatter [tilespmem:s0], [sflag:$0x1], $0x80, v4, vm0, $0xb8;
	[tilespmem:$0x1C100] =	vst v63  }
0x76: {  	v3 =	vadd.s32 v1, v3;
	s0 =	simm.s32 $0xC900  }
0x77: {  	[hbm4b:s5+s3] =	stream.indirect_vreg.scatter [tilespmem:s0], [sflag:$0x1], $0x80, v4, vm0, $0xb8;
	[tilespmem:$0x1C100] =	vst v63  }
0x78: {  	s0 =	simm.s32 $0xD100  }
0x79: {  	[hbm4b:s6+s3] =	stream.indirect_vreg.scatter [tilespmem:s0], [sflag:$0x1], $0x80, v4, vm0, $0xb8;
	[tilespmem:$0x1C100] =	vst v63  }
0x7a: {  	s0 =	simm.s32 $0xD900  }
0x7b: {  	[hbm4b:s4+s3] =	stream.indirect_vreg.scatter [tilespmem:s0], [sflag:$0x1], $0x80, v3, vm0, $0xb8;
	[tilespmem:$0x1C100] =	vst v63  }
0x7c: {  	s0 =	simm.s32 $0xE100  }
0x7d: {  	[hbm4b:s5+s3] =	stream.indirect_vreg.scatter [tilespmem:s0], [sflag:$0x1], $0x80, v3, vm0, $0xb8;
	[tilespmem:$0x1C100] =	vst v63  }
0x7e: {  	s0 =	simm.s32 $0xE900  }
0x7f: {  	[hbm4b:s6+s3] =	stream.indirect_vreg.scatter [tilespmem:s0], [sflag:$0x1], $0x80, v3, vm0, $0xb8;
	[tilespmem:$0x1C100] =	vst v63  }
0x80: {  	v3 =	vld [tilespmem:$0x50];
	_ =	sdelay $0x4  }
0x81: {  	v53 =	vshrl.u32 v3, $0x3  }
0x82: {  	v4 =	vmul.u32 $0x30, v53  }
0x83: {  	v3 =	vand.u32 $0x7, v3  }
0x84: {  	v3 =	vor.u32 v3, v4  }
0x85: {  	v4 =	vperm.xlane v3, v0;
	_ =	sdelay $0x1  }
0x86: {  	v4 =	vadd.s32 v1, v4;
	_ =	sdelay $0x3  }
0x87: {  	s0 =	simm.s32 $0xF100;
	v3 =	vperm.xlane v3, v2  }
0x88: {  	[hbm4b:s4+s3] =	stream.indirect_vreg.scatter [tilespmem:s0], [sflag:$0x1], $0x80, v4, vm0, $0xb8;
	[tilespmem:$0x1C100] =	vst v63  }
0x89: {  	v3 =	vadd.s32 v1, v3;
	s0 =	simm.s32 $0xF900  }
0x8a: {  	[hbm4b:s5+s3] =	stream.indirect_vreg.scatter [tilespmem:s0], [sflag:$0x1], $0x80, v4, vm0, $0xb8;
	[tilespmem:$0x1C100] =	vst v63  }
0x8b: {  	s0 =	simm.s32 $0x10100  }
0x8c: {  	[hbm4b:s6+s3] =	stream.indirect_vreg.scatter [tilespmem:s0], [sflag:$0x1], $0x80, v4, vm0, $0xb8;
	[tilespmem:$0x1C100] =	vst v63  }
0x8d: {  	s0 =	simm.s32 $0x10900  }
0x8e: {  	[hbm4b:s4+s3] =	stream.indirect_vreg.scatter [tilespmem:s0], [sflag:$0x1], $0x80, v3, vm0, $0xb8;
	[tilespmem:$0x1C100] =	vst v63  }
0x8f: {  	s0 =	simm.s32 $0x11100  }
0x90: {  	[hbm4b:s5+s3] =	stream.indirect_vreg.scatter [tilespmem:s0], [sflag:$0x1], $0x80, v3, vm0, $0xb8;
	[tilespmem:$0x1C100] =	vst v63  }
0x91: {  	s0 =	simm.s32 $0x11900  }
0x92: {  	[hbm4b:s6+s3] =	stream.indirect_vreg.scatter [tilespmem:s0], [sflag:$0x1], $0x80, v3, vm0, $0xb8;
	[tilespmem:$0x1C100] =	vst v63  }
0x93: {  	v3 =	vld [tilespmem:$0x60];
	_ =	sdelay $0x4  }
0x94: {  	v54 =	vshrl.u32 v3, $0x3  }
0x95: {  	v4 =	vmul.u32 $0x30, v54  }
0x96: {  	v3 =	vand.u32 $0x7, v3  }
0x97: {  	v3 =	vor.u32 v3, v4  }
0x98: {  	v4 =	vperm.xlane v3, v0;
	_ =	sdelay $0x1  }
0x99: {  	v4 =	vadd.s32 v1, v4;
	_ =	sdelay $0x3  }
0x9a: {  	s0 =	simm.s32 $0x12100;
	v3 =	vperm.xlane v3, v2  }
0x9b: {  	[hbm4b:s4+s3] =	stream.indirect_vreg.scatter [tilespmem:s0], [sflag:$0x1], $0x80, v4, vm0, $0xb8;
	[tilespmem:$0x1C100] =	vst v63  }
0x9c: {  	v3 =	vadd.s32 v1, v3;
	s0 =	simm.s32 $0x12900  }
0x9d: {  	[hbm4b:s5+s3] =	stream.indirect_vreg.scatter [tilespmem:s0], [sflag:$0x1], $0x80, v4, vm0, $0xb8;
	[tilespmem:$0x1C100] =	vst v63  }
0x9e: {  	s0 =	simm.s32 $0x13100  }
0x9f: {  	[hbm4b:s6+s3] =	stream.indirect_vreg.scatter [tilespmem:s0], [sflag:$0x1], $0x80, v4, vm0, $0xb8;
	[tilespmem:$0x1C100] =	vst v63  }
0xa0: {  	s0 =	simm.s32 $0x13900  }
0xa1: {  	[hbm4b:s4+s3] =	stream.indirect_vreg.scatter [tilespmem:s0], [sflag:$0x1], $0x80, v3, vm0, $0xb8;
	[tilespmem:$0x1C100] =	vst v63  }
0xa2: {  	s0 =	simm.s32 $0x14100  }
0xa3: {  	[hbm4b:s5+s3] =	stream.indirect_vreg.scatter [tilespmem:s0], [sflag:$0x1], $0x80, v3, vm0, $0xb8;
	[tilespmem:$0x1C100] =	vst v63  }
0xa4: {  	s0 =	simm.s32 $0x14900  }
0xa5: {  	[hbm4b:s6+s3] =	stream.indirect_vreg.scatter [tilespmem:s0], [sflag:$0x1], $0x80, v3, vm0, $0xb8;
	[tilespmem:$0x1C100] =	vst v63  }
0xa6: {  	v3 =	vld [tilespmem:$0x70];
	_ =	sdelay $0x4  }
0xa7: {  	v55 =	vshrl.u32 v3, $0x3  }
0xa8: {  	v4 =	vmul.u32 $0x30, v55  }
0xa9: {  	v3 =	vand.u32 $0x7, v3  }
0xaa: {  	v3 =	vor.u32 v3, v4  }
0xab: {  	v4 =	vperm.xlane v3, v0;
	_ =	sdelay $0x1  }
0xac: {  	v4 =	vadd.s32 v1, v4;
	_ =	sdelay $0x3  }
0xad: {  	s0 =	simm.s32 $0x15100;
	v3 =	vperm.xlane v3, v2  }
0xae: {  	[hbm4b:s4+s3] =	stream.indirect_vreg.scatter [tilespmem:s0], [sflag:$0x1], $0x80, v4, vm0, $0xb8;
	[tilespmem:$0x1C100] =	vst v63  }
0xaf: {  	v3 =	vadd.s32 v1, v3;
	s0 =	simm.s32 $0x15900  }
0xb0: {  	[hbm4b:s5+s3] =	stream.indirect_vreg.scatter [tilespmem:s0], [sflag:$0x1], $0x80, v4, vm0, $0xb8;
	[tilespmem:$0x1C100] =	vst v63  }
0xb1: {  	s0 =	simm.s32 $0x16100  }
0xb2: {  	[hbm4b:s6+s3] =	stream.indirect_vreg.scatter [tilespmem:s0], [sflag:$0x1], $0x80, v4, vm0, $0xb8;
	[tilespmem:$0x1C100] =	vst v63  }
0xb3: {  	s0 =	simm.s32 $0x16900  }
0xb4: {  	[hbm4b:s4+s3] =	stream.indirect_vreg.scatter [tilespmem:s0], [sflag:$0x1], $0x80, v3, vm0, $0xb8;
	[tilespmem:$0x1C100] =	vst v63  }
0xb5: {  	s0 =	simm.s32 $0x17100  }
0xb6: {  	[hbm4b:s5+s3] =	stream.indirect_vreg.scatter [tilespmem:s0], [sflag:$0x1], $0x80, v3, vm0, $0xb8;
	[tilespmem:$0x1C100] =	vst v63  }
0xb7: {  	s0 =	simm.s32 $0x17900  }
0xb8: {  	[hbm4b:s6+s3] =	stream.indirect_vreg.scatter [tilespmem:s0], [sflag:$0x1], $0x80, v3, vm0, $0xb8;
	[tilespmem:$0x1C100] =	vst v63  }
0xb9: {  	_ =	swait.ge [sflag:s12], $0x18000  }
0xba: {  	[sflag:s12] =	ssyncset.done $0x0  }
0xbb: {  	[sflag:s12] =	ssyncadd.s32 $0xFFFE8000  }
0xbc: {  	v3 =	vld [tilespmem:$0x80];
	_ =	sdelay $0x4  }
0xbd: {  	v56 =	vshrl.u32 v3, $0x3  }
0xbe: {  	v4 =	vmul.u32 $0x30, v56  }
0xbf: {  	v3 =	vand.u32 $0x7, v3  }
0xc0: {  	v3 =	vor.u32 v3, v4  }
0xc1: {  	v4 =	vperm.xlane v3, v0;
	_ =	sdelay $0x1  }
0xc2: {  	v4 =	vadd.s32 v1, v4;
	_ =	sdelay $0x3  }
0xc3: {  	v3 =	vperm.xlane v3, v2  }
0xc4: {  	[hbm4b:s4+s3] =	stream.indirect_vreg.scatter [tilespmem:s13], [sflag:$0x1], $0x80, v4, vm0, $0xb8;
	[tilespmem:$0x1C100] =	vst v63  }
0xc5: {  	v3 =	vadd.s32 v1, v3  }
0xc6: {  	[hbm4b:s5+s3] =	stream.indirect_vreg.scatter [tilespmem:s14], [sflag:$0x1], $0x80, v4, vm0, $0xb8;
	[tilespmem:$0x1C100] =	vst v63  }
0xc7: {  	_ = 	snop  }
0xc8: {  	[hbm4b:s6+s3] =	stream.indirect_vreg.scatter [tilespmem:s15], [sflag:$0x1], $0x80, v4, vm0, $0xb8;
	[tilespmem:$0x1C100] =	vst v63  }
0xc9: {  	_ = 	snop  }
0xca: {  	[hbm4b:s4+s3] =	stream.indirect_vreg.scatter [tilespmem:s16], [sflag:$0x1], $0x80, v3, vm0, $0xb8;
	[tilespmem:$0x1C100] =	vst v63  }
0xcb: {  	_ = 	snop  }
0xcc: {  	[hbm4b:s5+s3] =	stream.indirect_vreg.scatter [tilespmem:s17], [sflag:$0x1], $0x80, v3, vm0, $0xb8;
	[tilespmem:$0x1C100] =	vst v63  }
0xcd: {  	_ = 	snop  }
0xce: {  	[hbm4b:s6+s3] =	stream.indirect_vreg.scatter [tilespmem:s18], [sflag:$0x1], $0x80, v3, vm0, $0xb8;
	[tilespmem:$0x1C100] =	vst v63  }
0xcf: {  	v3 =	vld [tilespmem:$0x90];
	_ =	sdelay $0x4  }
0xd0: {  	v57 =	vshrl.u32 v3, $0x3  }
0xd1: {  	v4 =	vmul.u32 $0x30, v57  }
0xd2: {  	v3 =	vand.u32 $0x7, v3  }
0xd3: {  	v3 =	vor.u32 v3, v4  }
0xd4: {  	v4 =	vperm.xlane v3, v0;
	_ =	sdelay $0x1  }
0xd5: {  	v4 =	vadd.s32 v1, v4;
	_ =	sdelay $0x3  }
0xd6: {  	v3 =	vperm.xlane v3, v2  }
0xd7: {  	[hbm4b:s4+s3] =	stream.indirect_vreg.scatter [tilespmem:s19], [sflag:$0x1], $0x80, v4, vm0, $0xb8;
	[tilespmem:$0x1C100] =	vst v63  }
0xd8: {  	v3 =	vadd.s32 v1, v3  }
0xd9: {  	[hbm4b:s5+s3] =	stream.indirect_vreg.scatter [tilespmem:s20], [sflag:$0x1], $0x80, v4, vm0, $0xb8;
	[tilespmem:$0x1C100] =	vst v63  }
0xda: {  	_ = 	snop  }
0xdb: {  	[hbm4b:s6+s3] =	stream.indirect_vreg.scatter [tilespmem:s21], [sflag:$0x1], $0x80, v4, vm0, $0xb8;
	[tilespmem:$0x1C100] =	vst v63  }
0xdc: {  	_ = 	snop  }
0xdd: {  	[hbm4b:s4+s3] =	stream.indirect_vreg.scatter [tilespmem:s22], [sflag:$0x1], $0x80, v3, vm0, $0xb8;
	[tilespmem:$0x1C100] =	vst v63  }
0xde: {  	_ = 	snop  }
0xdf: {  	[hbm4b:s5+s3] =	stream.indirect_vreg.scatter [tilespmem:s23], [sflag:$0x1], $0x80, v3, vm0, $0xb8;
	[tilespmem:$0x1C100] =	vst v63  }
0xe0: {  	_ = 	snop  }
0xe1: {  	[hbm4b:s6+s3] =	stream.indirect_vreg.scatter [tilespmem:s24], [sflag:$0x1], $0x80, v3, vm0, $0xb8;
	[tilespmem:$0x1C100] =	vst v63  }
0xe2: {  	v3 =	vld [tilespmem:$0xA0];
	_ =	sdelay $0x4  }
0xe3: {  	v58 =	vshrl.u32 v3, $0x3  }
0xe4: {  	v4 =	vmul.u32 $0x30, v58  }
0xe5: {  	v3 =	vand.u32 $0x7, v3  }
0xe6: {  	v3 =	vor.u32 v3, v4  }
0xe7: {  	v4 =	vperm.xlane v3, v0;
	_ =	sdelay $0x1  }
0xe8: {  	v4 =	vadd.s32 v1, v4;
	_ =	sdelay $0x3  }
0xe9: {  	v3 =	vperm.xlane v3, v2  }
0xea: {  	[hbm4b:s4+s3] =	stream.indirect_vreg.scatter [tilespmem:s25], [sflag:$0x1], $0x80, v4, vm0, $0xb8;
	[tilespmem:$0x1C100] =	vst v63  }
0xeb: {  	v3 =	vadd.s32 v1, v3  }
0xec: {  	[hbm4b:s5+s3] =	stream.indirect_vreg.scatter [tilespmem:s26], [sflag:$0x1], $0x80, v4, vm0, $0xb8;
	[tilespmem:$0x1C100] =	vst v63  }
0xed: {  	_ = 	snop  }
0xee: {  	[hbm4b:s6+s3] =	stream.indirect_vreg.scatter [tilespmem:s28], [sflag:$0x1], $0x80, v4, vm0, $0xb8;
	[tilespmem:$0x1C100] =	vst v63  }
0xef: {  	_ = 	snop  }
0xf0: {  	[hbm4b:s4+s3] =	stream.indirect_vreg.scatter [tilespmem:s29], [sflag:$0x1], $0x80, v3, vm0, $0xb8;
	[tilespmem:$0x1C100] =	vst v63  }
0xf1: {  	_ = 	snop  }
0xf2: {  	[hbm4b:s5+s3] =	stream.indirect_vreg.scatter [tilespmem:s30], [sflag:$0x1], $0x80, v3, vm0, $0xb8;
	[tilespmem:$0x1C100] =	vst v63  }
0xf3: {  	_ = 	snop  }
0xf4: {  	[hbm4b:s6+s3] =	stream.indirect_vreg.scatter [tilespmem:s31], [sflag:$0x1], $0x80, v3, vm0, $0xb8;
	[tilespmem:$0x1C100] =	vst v63  }
0xf5: {  	v3 =	vld [tilespmem:$0xB0];
	_ =	sdelay $0x4  }
0xf6: {  	v59 =	vshrl.u32 v3, $0x3  }
0xf7: {  	v4 =	vmul.u32 $0x30, v59  }
0xf8: {  	v3 =	vand.u32 $0x7, v3  }
0xf9: {  	v3 =	vor.u32 v3, v4  }
0xfa: {  	v4 =	vperm.xlane v3, v0;
	_ =	sdelay $0x1  }
0xfb: {  	v4 =	vadd.s32 v1, v4;
	_ =	sdelay $0x3  }
0xfc: {  	s15 =	simm.s32 $0x9100;
	v3 =	vperm.xlane v3, v2  }
0xfd: {  	[hbm4b:s4+s3] =	stream.indirect_vreg.scatter [tilespmem:s15], [sflag:$0x1], $0x80, v4, vm0, $0xb8;
	[tilespmem:$0x1C100] =	vst v63  }
0xfe: {  	v3 =	vadd.s32 v1, v3  }
0xff: {  	[hbm4b:s5+s3] =	stream.indirect_vreg.scatter [tilespmem:s1], [sflag:$0x1], $0x80, v4, vm0, $0xb8;
	[tilespmem:$0x1C100] =	vst v63  }
0x100: {  	_ = 	snop  }
0x101: {  	[hbm4b:s6+s3] =	stream.indirect_vreg.scatter [tilespmem:s2], [sflag:$0x1], $0x80, v4, vm0, $0xb8;
	[tilespmem:$0x1C100] =	vst v63  }
0x102: {  	_ = 	snop  }
0x103: {  	[hbm4b:s4+s3] =	stream.indirect_vreg.scatter [tilespmem:s11], [sflag:$0x1], $0x80, v3, vm0, $0xb8;
	[tilespmem:$0x1C100] =	vst v63  }
0x104: {  	_ = 	snop  }
0x105: {  	[hbm4b:s5+s3] =	stream.indirect_vreg.scatter [tilespmem:s9], [sflag:$0x1], $0x80, v3, vm0, $0xb8;
	[tilespmem:$0x1C100] =	vst v63  }
0x106: {  	_ = 	snop  }
0x107: {  	[hbm4b:s6+s3] =	stream.indirect_vreg.scatter [tilespmem:s10], [sflag:$0x1], $0x80, v3, vm0, $0xb8;
	[tilespmem:$0x1C100] =	vst v63  }
0x108: {  	v3 =	vld [tilespmem:$0xC0];
	_ =	sdelay $0x4  }
0x109: {  	v60 =	vshrl.u32 v3, $0x3  }
0x10a: {  	v4 =	vmul.u32 $0x30, v60  }
0x10b: {  	v3 =	vand.u32 $0x7, v3  }
0x10c: {  	v3 =	vor.u32 v3, v4  }
0x10d: {  	v4 =	vperm.xlane v3, v0;
	_ =	sdelay $0x1  }
0x10e: {  	v4 =	vadd.s32 v1, v4;
	_ =	sdelay $0x3  }
0x10f: {  	s14 =	simm.s32 $0xC100;
	v3 =	vperm.xlane v3, v2  }
0x110: {  	[hbm4b:s4+s3] =	stream.indirect_vreg.scatter [tilespmem:s14], [sflag:$0x1], $0x80, v4, vm0, $0xb8;
	[tilespmem:$0x1C100] =	vst v63  }
0x111: {  	s15 =	simm.s32 $0xC900;
	v3 =	vadd.s32 v1, v3  }
0x112: {  	[hbm4b:s5+s3] =	stream.indirect_vreg.scatter [tilespmem:s15], [sflag:$0x1], $0x80, v4, vm0, $0xb8;
	[tilespmem:$0x1C100] =	vst v63  }
0x113: {  	s13 =	simm.s32 $0xD100  }
0x114: {  	[hbm4b:s6+s3] =	stream.indirect_vreg.scatter [tilespmem:s13], [sflag:$0x1], $0x80, v4, vm0, $0xb8;
	[tilespmem:$0x1C100] =	vst v63  }
0x115: {  	s14 =	simm.s32 $0xD900  }
0x116: {  	[hbm4b:s4+s3] =	stream.indirect_vreg.scatter [tilespmem:s14], [sflag:$0x1], $0x80, v3, vm0, $0xb8;
	[tilespmem:$0x1C100] =	vst v63  }
0x117: {  	s15 =	simm.s32 $0xE100  }
0x118: {  	[hbm4b:s5+s3] =	stream.indirect_vreg.scatter [tilespmem:s15], [sflag:$0x1], $0x80, v3, vm0, $0xb8;
	[tilespmem:$0x1C100] =	vst v63  }
0x119: {  	s13 =	simm.s32 $0xE900  }
0x11a: {  	[hbm4b:s6+s3] =	stream.indirect_vreg.scatter [tilespmem:s13], [sflag:$0x1], $0x80, v3, vm0, $0xb8;
	[tilespmem:$0x1C100] =	vst v63  }
0x11b: {  	v3 =	vld [tilespmem:$0xD0];
	_ =	sdelay $0x4  }
0x11c: {  	v61 =	vshrl.u32 v3, $0x3  }
0x11d: {  	v4 =	vmul.u32 $0x30, v61  }
0x11e: {  	v3 =	vand.u32 $0x7, v3  }
0x11f: {  	v3 =	vor.u32 v3, v4  }
0x120: {  	v4 =	vperm.xlane v3, v0;
	_ =	sdelay $0x1  }
0x121: {  	v4 =	vadd.s32 v1, v4;
	_ =	sdelay $0x3  }
0x122: {  	s14 =	simm.s32 $0xF100;
	v3 =	vperm.xlane v3, v2  }
0x123: {  	[hbm4b:s4+s3] =	stream.indirect_vreg.scatter [tilespmem:s14], [sflag:$0x1], $0x80, v4, vm0, $0xb8;
	[tilespmem:$0x1C100] =	vst v63  }
0x124: {  	s15 =	simm.s32 $0xF900;
	v3 =	vadd.s32 v1, v3  }
0x125: {  	[hbm4b:s5+s3] =	stream.indirect_vreg.scatter [tilespmem:s15], [sflag:$0x1], $0x80, v4, vm0, $0xb8;
	[tilespmem:$0x1C100] =	vst v63  }
0x126: {  	s13 =	simm.s32 $0x10100  }
0x127: {  	[hbm4b:s6+s3] =	stream.indirect_vreg.scatter [tilespmem:s13], [sflag:$0x1], $0x80, v4, vm0, $0xb8;
	[tilespmem:$0x1C100] =	vst v63  }
0x128: {  	s14 =	simm.s32 $0x10900  }
0x129: {  	[hbm4b:s4+s3] =	stream.indirect_vreg.scatter [tilespmem:s14], [sflag:$0x1], $0x80, v3, vm0, $0xb8;
	[tilespmem:$0x1C100] =	vst v63  }
0x12a: {  	s15 =	simm.s32 $0x11100  }
0x12b: {  	[hbm4b:s5+s3] =	stream.indirect_vreg.scatter [tilespmem:s15], [sflag:$0x1], $0x80, v3, vm0, $0xb8;
	[tilespmem:$0x1C100] =	vst v63  }
0x12c: {  	s13 =	simm.s32 $0x11900  }
0x12d: {  	[hbm4b:s6+s3] =	stream.indirect_vreg.scatter [tilespmem:s13], [sflag:$0x1], $0x80, v3, vm0, $0xb8;
	[tilespmem:$0x1C100] =	vst v63  }
0x12e: {  	v3 =	vld [tilespmem:$0xE0];
	_ =	sdelay $0x4  }
0x12f: {  	v62 =	vshrl.u32 v3, $0x3  }
0x130: {  	v4 =	vmul.u32 $0x30, v62  }
0x131: {  	v3 =	vand.u32 $0x7, v3  }
0x132: {  	v3 =	vor.u32 v3, v4  }
0x133: {  	v4 =	vperm.xlane v3, v0;
	_ =	sdelay $0x1  }
0x134: {  	v4 =	vadd.s32 v1, v4;
	_ =	sdelay $0x3  }
0x135: {  	s14 =	simm.s32 $0x12100;
	v3 =	vperm.xlane v3, v2  }
0x136: {  	[hbm4b:s4+s3] =	stream.indirect_vreg.scatter [tilespmem:s14], [sflag:$0x1], $0x80, v4, vm0, $0xb8;
	[tilespmem:$0x1C100] =	vst v63  }
0x137: {  	s15 =	simm.s32 $0x12900;
	v3 =	vadd.s32 v1, v3  }
0x138: {  	[hbm4b:s5+s3] =	stream.indirect_vreg.scatter [tilespmem:s15], [sflag:$0x1], $0x80, v4, vm0, $0xb8;
	[tilespmem:$0x1C100] =	vst v63  }
0x139: {  	s13 =	simm.s32 $0x13100  }
0x13a: {  	[hbm4b:s6+s3] =	stream.indirect_vreg.scatter [tilespmem:s13], [sflag:$0x1], $0x80, v4, vm0, $0xb8;
	[tilespmem:$0x1C100] =	vst v63  }
0x13b: {  	s14 =	simm.s32 $0x13900  }
0x13c: {  	[hbm4b:s4+s3] =	stream.indirect_vreg.scatter [tilespmem:s14], [sflag:$0x1], $0x80, v3, vm0, $0xb8;
	[tilespmem:$0x1C100] =	vst v63  }
0x13d: {  	s15 =	simm.s32 $0x14100  }
0x13e: {  	[hbm4b:s5+s3] =	stream.indirect_vreg.scatter [tilespmem:s15], [sflag:$0x1], $0x80, v3, vm0, $0xb8;
	[tilespmem:$0x1C100] =	vst v63  }
0x13f: {  	s13 =	simm.s32 $0x14900  }
0x140: {  	[hbm4b:s6+s3] =	stream.indirect_vreg.scatter [tilespmem:s13], [sflag:$0x1], $0x80, v3, vm0, $0xb8;
	[tilespmem:$0x1C100] =	vst v63  }
0x141: {  	v3 =	vld [tilespmem:$0xF0];
	_ =	sdelay $0x4  }
0x142: {  	v63 =	vshrl.u32 v3, $0x3  }
0x143: {  	v4 =	vmul.u32 $0x30, v63  }
0x144: {  	v3 =	vand.u32 $0x7, v3  }
0x145: {  	v3 =	vor.u32 v3, v4  }
0x146: {  	v4 =	vperm.xlane v3, v0;
	_ =	sdelay $0x1  }
0x147: {  	v4 =	vadd.s32 v1, v4;
	_ =	sdelay $0x3  }
0x148: {  	s14 =	simm.s32 $0x15100;
	v3 =	vperm.xlane v3, v2  }
0x149: {  	[hbm4b:s4+s3] =	stream.indirect_vreg.scatter [tilespmem:s14], [sflag:$0x1], $0x80, v4, vm0, $0xb8;
	[tilespmem:$0x1C100] =	vst v63  }
0x14a: {  	s15 =	simm.s32 $0x15900;
	v3 =	vadd.s32 v1, v3  }
0x14b: {  	[hbm4b:s5+s3] =	stream.indirect_vreg.scatter [tilespmem:s15], [sflag:$0x1], $0x80, v4, vm0, $0xb8;
	[tilespmem:$0x1C100] =	vst v63  }
0x14c: {  	s13 =	simm.s32 $0x16100  }
0x14d: {  	[hbm4b:s6+s3] =	stream.indirect_vreg.scatter [tilespmem:s13], [sflag:$0x1], $0x80, v4, vm0, $0xb8;
	[tilespmem:$0x1C100] =	vst v63  }
0x14e: {  	s14 =	simm.s32 $0x16900  }
0x14f: {  	[hbm4b:s4+s3] =	stream.indirect_vreg.scatter [tilespmem:s14], [sflag:$0x1], $0x80, v3, vm0, $0xb8;
	[tilespmem:$0x1C100] =	vst v63  }
0x150: {  	s15 =	simm.s32 $0x17100  }
0x151: {  	[hbm4b:s5+s3] =	stream.indirect_vreg.scatter [tilespmem:s15], [sflag:$0x1], $0x80, v3, vm0, $0xb8;
	[tilespmem:$0x1C100] =	vst v63  }
0x152: {  	_ = 	snop  }
0x153: {  	[hbm4b:s6+s3] =	stream.indirect_vreg.scatter [tilespmem:s0], [sflag:$0x1], $0x80, v3, vm0, $0xb8;
	[tilespmem:$0x1C100] =	vst v63  }
0x154: {  	_ =	swait.ge [sflag:s12], $0x18000  }
0x155: {  	[sflag:s12] =	ssyncset.done $0x0  }
0x156: {  	s0 =	simm.s32 $0x18100;
	s1 =	rddreg [dreg:$0x7];
	[sflag:s12] =	ssyncadd.s32 $0xFFFE8000  }
0x157: {  	[tilespmem:s0], [sflag:$0x2] =	stream.linear.gather [hbm4b:s1+s3], $0x4000, $0x38;
	[tilespmem:$0x1C100] =	vst v63  }
0x158: {  	_ =	swait.ge [sflag:s8], $0x4000  }
0x159: {  	[sflag:s8] =	ssyncset.done $0x0  }
0x15a: {  	[sflag:s8] =	ssyncadd.s32 $0xFFFFC000  }
0x15b: {  	s1 =	simm.s32 $0x80;
	s15 =	rddreg [dreg:$0x2]  }
0x15c: {  	[hbm4b:s15+s1] =	stream.indirect.scatter [tilespmem:s0], [sflag:$0x1], $0x80, s3, s1, $0xb8;
	[tilespmem:$0x1C100] =	vst v63  }
0x15d: {  	_ =	swait.ge [sflag:s12], $0x4000  }
0x15e: {  	[sflag:s12] =	ssyncset.done $0x0  }
0x15f: {  	s13 =	rddreg [dreg:$0x8];
	[sflag:s12] =	ssyncadd.s32 $0xFFFFC000  }
0x160: {  	[tilespmem:s0], [sflag:$0x2] =	stream.linear.gather [hbm4b:s13+s3], $0x4000, $0x38;
	[tilespmem:$0x1C100] =	vst v63  }
0x161: {  	_ =	swait.ge [sflag:s8], $0x4000  }
0x162: {  	p0 =	sne.s32 s7, $0x1;
	[sflag:s8] =	ssyncset.done $0x0  }
.Ltmp0:
0x163: {  	[sflag:s8] =	ssyncadd.s32 $0xFFFFC000;
	(pc) =	sbr.rel @p0 .LBB2_1-.Ltmp0, $4  }
0x164: {  	[hbm4b:s15+s1] =	stream.indirect.scatter [tilespmem:s0], [sflag:$0x1], $0x80, s1, s1, $0xb8;
	[tilespmem:$0x1C100] =	vst v63  }
0x165: {  	_ =	swait.ge [sflag:s12], $0x4000  }
0x166: {  	[sflag:s12] =	ssyncset.done $0x0  }
0x167: {  	s7 =	sadd.s32 $0xFFFFFFFF, s7;
	[sflag:s12] =	ssyncadd.s32 $0xFFFFC000  }
0x168: {  	_ =	sfence.sel $0x180000  }
0x169: {  	[bflag:$0x0] =	sbarrier.arrive $0xFFFF  }
0x16a: {  	_ =	strace $0x90000047  }
0x16b: {  	s0 =	stileid.u32;
	[bflag:$0x2] =	sbarrier.arrive $0xFFFF  }
0x16c: {  	p0 =	sne.s32 s0, $0x0;
	s0 =	rddreg [dreg:$0x3]  }
0x16d: {  	s0 =	sadd.s32 @!p0 $0x100000, s0  }
0x16e: {  	[sflag:s0] =	ssyncadd.tile.s32 @!p0 $0x1;
	_ =	shalt  }
.Lfunc_end2:
_tile_overlayer_lowered:
.L_overlay_start_2:
0x16f: {  	(tag) =	ssettag $0x2  }
0x170: {  	s0 =	rddreg [dreg:$0x0];
	s2 =	stileid.u32  }
0x171: {  	s1 =	rddreg [dreg:$0x1];
	p0 =	sne.s32 s2, $0x0  }
0x172: {  	s3 =	rddreg [dreg:$0x2];
	[bflag:$0x3] =	sbarrier.arrive $0xFFFF;
	s2 =	simm.s32 @!p0 $0x1C02  }
0x173: {  	[timem:s3], [sflag:s2] =	dma.local @!p0 [hbm:s0], s1  }
0x174: {  	s0 =	simm.s32 @!p0 $0x2  }
0x175: {  	_ =	swait.ge @!p0 [sflag:s0], s1  }
0x176: {  	s1 =	ssub.s32 @!p0 $0x0, s1;
	[sflag:s0] =	ssyncset.done @!p0 $0x0  }
0x177: {  	[sflag:s0] =	ssyncadd.s32 @!p0 s1  }
0x178: {  	[bflag:$0x3] =	sbarrier.arrive $0xFFFF  }
0x179: {  	_ =	shalt  }

// kernel: kernel.9.cloned.1.call-start
scs
__scs_entry_jumppad:
0x0: {  	(pc) =	sbr.rel $0x88, $3  }
0x1: {  	(tag) =	ssettag $0x0;
	lr =	simm.s32 $0x1  }
0x2: {  	[smem:$0x3F9C] =	sst lr;
	_ =	strace $0xD0000000  }
0x3: {  	_ = 	snop  }
0x4: {  	_ = 	snop  }
0x5: {  	_ = 	snop  }
0x6: {  	_ = 	snop  }
0x7: {  	_ = 	snop  }
__scs_overlays_trampoline_lowered:
0x8: {  	[smem:$0x3FAB] =	sst s0  }
0x9: {  	[smem:$0x3FAC] =	sst s1  }
0xa: {  	[smem:$0x3FAD] =	sst s2  }
0xb: {  	[smem:$0x3FAE] =	sst s3  }
0xc: {  	[smem:$0x3FAF] =	sst s4  }
0xd: {  	[smem:$0x3FB0] =	sst s5  }
0xe: {  	[smem:$0x3FB1] =	sst s6  }
0xf: {  	[smem:$0x3FB2] =	sst s7  }
0x10: {  	[smem:$0x3FB3] =	sst s8  }
0x11: {  	[smem:$0x3FB4] =	sst s9;
	s0 =	simm.s32 @!p0 $0x0  }
0x12: {  	s1 =	sld [smem:$0x3F9A];
	s0 =	simm.s32 @p0 $0x1  }
0x13: {  	[smem:$0x3FB5] =	sst s0;
	s0 =	simm.s32 @!p1 $0x0  }
0x14: {  	s2 =	sld [smem:$0x3F99];
	s0 =	simm.s32 @p1 $0x1  }
0x15: {  	[smem:$0x3FB6] =	sst s0;
	s0 =	simm.s32 @!p2 $0x0  }
0x16: {  	s3 =	sld [smem:$0x3FDB];
	s0 =	simm.s32 @p2 $0x1  }
0x17: {  	s4 =	simm.s32 $0x1BF5;
	[smem:$0x3FB8] =	sst s0  }
0x18: {  	s0 =	sld [smem:$0x3F9B];
	_ =	swait.ge [sflag:s4], $0x0  }
0x19: {  	s7 =	sld [smem:$0x3F9C]  }
0x1a: {  	s8 =	sadd.s32 $0xFFFFE003, lr  }
0x1b: {  	s9 =	sadd.s32 $0xFFFFFEF7, lr;
	s5 =	simm.s32 $0xFFFFFFFF;
	p2 =	slt.u32 s8, $0xFFFFF086  }
0x1c: {  	p1 =	slt.u32 s9, $0xF7A;
	s5 =	simm.s32 @!p2 $0x0  }
0x1d: {  	s5 =	simm.s32 @p1 $0x1;
	p0 =	seq.s32 s7, s2  }
0x1e: {  	s7 =	smul.u32 @!p0 $0xF7A, s2;
	p2 =	seq.s32 @!p0 s5, $0x0  }
0x1f: {  	s9 =	smul.u32 $0xF7A, s1;
	s8 =	simm.s32 @!p0 $0x1BF5;
	p2 =	por !p2, p0  }
0x20: {  	[sflag:s8] =	ssyncset.s32 @!p0 $0xFFFFF086;
	s6 =	sadd.s32 @!p0 s3, s7;
	s7 =	simm.s32 @!p0 $0x108  }
0x21: {  	s3 =	sadd.s32 s3, s9;
	s6 =	sadd.s32 @!p0 $0x88, s6;
	s7 =	simm.s32 @p2 $0x1082  }
0x22: {  	[simem:s7], [sflag:s8] =	dma.local @!p0 [hbm:s6], $0xF7A  }
0x23: {  	s9 =	sor.u32 $0xD0000000, s2;
	s6 =	simm.s32 $0x108;
	_ =	swait.ge @!p0 [sflag:s8], $0x0  }
0x24: {  	s3 =	sadd.s32 $0x88, s3;
	s6 =	simm.s32 @!p1 $0x1082;
	[sflag:s4] =	ssyncset.s32 $0xFFFFF086  }
0x25: {  	[simem:s6], [sflag:s4] =	dma.local [hbm:s3], $0xF7A  }
0x26: {  	[smem:$0x3F9C] =	sst s1;
	(tag) =	ssettag s2;
	_ =	strace s9  }
0x27: {  	s1 =	sld [smem:$0x3FAC]  }
0x28: {  	s2 =	sld [smem:$0x3FAD]  }
0x29: {  	s4 =	sld [smem:$0x3FAF]  }
0x2a: {  	p0 =	seq.s32 s5, $0x0;
	s5 =	sld [smem:$0x3FB0]  }
0x2b: {  	s6 =	sld [smem:$0x3FB1]  }
0x2c: {  	s7 =	sld [smem:$0x3FB2]  }
0x2d: {  	s3 =	simm.s32 $0x108;
	s8 =	sld [smem:$0x3FB3]  }
0x2e: {  	s3 =	simm.s32 @!p0 $0x1082;
	s9 =	sld [smem:$0x3FB4]  }
0x2f: {  	lr =	sadd.s32 s0, s3;
	s0 =	sld [smem:$0x3FAB]  }
0x30: {  	s3 =	sld [smem:$0x3FAE]  }
0x31: {  	[smem:$0x3FB7] =	sst s10  }
0x32: {  	s10 =	sld [smem:$0x3FB5];
	_ =	sdelay $0x3  }
0x33: {  	p0 =	seq.s32 s10, $0x1;
	s10 =	sld [smem:$0x3FB7];
	_ =	sdelay $0x3  }
0x34: {  	[smem:$0x3FB7] =	sst s10  }
0x35: {  	s10 =	sld [smem:$0x3FB6];
	_ =	sdelay $0x3  }
0x36: {  	p1 =	seq.s32 s10, $0x1;
	s10 =	sld [smem:$0x3FB7];
	_ =	sdelay $0x3  }
0x37: {  	[smem:$0x3FB7] =	sst s10  }
0x38: {  	s10 =	sld [smem:$0x3FB8]  }
0x39: {  	_ = 	snop;
	(pc) =	sbr.ind lr, $3  }
0x3a: {  	_ = 	snop  }
0x3b: {  	_ = 	snop  }
0x3c: {  	p2 =	seq.s32 s10, $0x1;
	s10 =	sld [smem:$0x3FB7]  }
0x3d: {  	_ =	shalt  }
0x3e: {  	_ =	shalt  }
0x3f: {  	_ =	shalt  }
0x40: {  	_ =	shalt  }
0x41: {  	_ =	shalt  }
0x42: {  	_ =	shalt  }
0x43: {  	_ =	shalt  }
0x44: {  	_ =	shalt  }
0x45: {  	_ =	shalt  }
0x46: {  	_ =	shalt  }
0x47: {  	_ =	shalt  }
0x48: {  	_ =	shalt  }
0x49: {  	_ =	shalt  }
0x4a: {  	_ =	shalt  }
0x4b: {  	_ =	shalt  }
0x4c: {  	_ =	shalt  }
0x4d: {  	_ =	shalt  }
0x4e: {  	_ =	shalt  }
0x4f: {  	_ =	shalt  }
0x50: {  	_ =	shalt  }
0x51: {  	_ =	shalt  }
0x52: {  	_ =	shalt  }
0x53: {  	_ =	shalt  }
0x54: {  	_ =	shalt  }
0x55: {  	_ =	shalt  }
0x56: {  	_ =	shalt  }
0x57: {  	_ =	shalt  }
0x58: {  	_ =	shalt  }
0x59: {  	_ =	shalt  }
0x5a: {  	_ =	shalt  }
0x5b: {  	_ =	shalt  }
0x5c: {  	_ =	shalt  }
0x5d: {  	_ =	shalt  }
0x5e: {  	_ =	shalt  }
0x5f: {  	_ =	shalt  }
0x60: {  	_ =	shalt  }
0x61: {  	_ =	shalt  }
0x62: {  	_ =	shalt  }
0x63: {  	_ =	shalt  }
0x64: {  	_ =	shalt  }
0x65: {  	_ =	shalt  }
0x66: {  	_ =	shalt  }
0x67: {  	_ =	shalt  }
0x68: {  	_ =	shalt  }
0x69: {  	_ =	shalt  }
0x6a: {  	_ =	shalt  }
0x6b: {  	_ =	shalt  }
0x6c: {  	_ =	shalt  }
0x6d: {  	_ =	shalt  }
0x6e: {  	_ =	shalt  }
0x6f: {  	_ =	shalt  }
0x70: {  	_ =	shalt  }
0x71: {  	_ =	shalt  }
0x72: {  	_ =	shalt  }
0x73: {  	_ =	shalt  }
0x74: {  	_ =	shalt  }
0x75: {  	_ =	shalt  }
0x76: {  	_ =	shalt  }
0x77: {  	_ =	shalt  }
0x78: {  	_ =	shalt  }
0x79: {  	_ =	shalt  }
0x7a: {  	_ =	shalt  }
0x7b: {  	_ =	shalt  }
0x7c: {  	_ =	shalt  }
0x7d: {  	_ =	shalt  }
0x7e: {  	_ =	shalt  }
0x7f: {  	_ =	shalt  }
0x80: {  	_ =	shalt  }
0x81: {  	_ =	shalt  }
0x82: {  	_ =	shalt  }
0x83: {  	_ =	shalt  }
0x84: {  	_ =	shalt  }
0x85: {  	_ =	shalt  }
0x86: {  	_ =	shalt  }
0x87: {  	_ =	shalt  }
.Lfunc_end0:
.L_simem_size_0:
called_computation.1_lowered:
.L_overlay_start_0:
0x88: {  	s2 =	sld [smem:$0x3FD9]  }
0x89: {  	s3 =	sld [smem:$0x3FFE];
	_ =	sdelay $0x1  }
0x8a: {  	s1 =	srdreg.scid  }
0x8b: {  	s0 =	sand.u32 $0x1, s1  }
0x8c: {  	s17 =	sshll.u32 s0, $0xA;
	s2 =	sadd.s32 s3, s2  }
0x8d: {  	s2 =	sadd.s32 s2, s17  }
0x8e: {  	[smem:$0x3FC3] =	sst s2  }
0x8f: {  	_ = 	snop  }
0x90: {  	s2 =	sld [smem:$0x3FD0];
	(tm) =	ssettm $0x1  }
0x91: {  	s18 =	sld [smem:$0x3FFB];
	_ =	sdelay $0x3  }
0x92: {  	_ =	strace s18  }
0x93: {  	s3 =	sld [smem:$0x3FFC];
	_ =	sdelay $0x3  }
0x94: {  	_ =	strace s3  }
0x95: {  	s3 =	sld [smem:$0x3FFD];
	_ =	sdelay $0x3  }
0x96: {  	_ =	strace s3  }
0x97: {  	_ =	strace $0x8FFFFFFF  }
0x98: {  	s19 =	sld [smem:$0x3FDB];
	_ =	sdelay $0x1  }
0x99: {  	s4 =	simm.s32 $_scs_section_size  }
0x9a: {  	s5 =	simm.s32 $_size__tile_overlayer_lowered;
	s6 =	simm.s32 $_tile_overlayer_lowered  }
0x9b: {  	s22 =	simm.s32 $0x1BFF;
	s21 =	sshll.u32 s6, $0x1;
	s3 =	sadd.s32 s4, s19  }
0x9c: {  	s7 =	simm.s32 $0x0;
	s20 =	sshll.u32 s5, $0x1;
	s5 =	sadd.s32 s21, s3  }
0x9d: {  	[timem:s7], [sflag:s22] =	dma.local [hbm:s5], s20  }
0x9e: {  	_ =	swait.ge [sflag:s22], s20  }
0x9f: {  	s4 =	ssub.s32 $0x0, s20;
	[sflag:s22] =	ssyncset.done $0x0  }
0xa0: {  	[sflag:s22] =	ssyncadd.s32 s4;
	_ =	sdelay $0x1  }
0xa1: {  	s23 =	simm.s32 $0x1B8B  }
0xa2: {  	_ =	swait.ge [sflag:s23], $0x1  }
0xa3: {  	[sflag:s23] =	ssyncset.done $0x0  }
0xa4: {  	s25 =	simm.s32 $0x1B8E;
	s24 =	sld [smem:$0x3FFE];
	[sflag:s23] =	ssyncadd.s32 $0xFFFFFFFF  }
0xa5: {  	s26 =	simm.s32 $execute0_lowered;
	[smem:$0x3FD2] =	sst s25  }
0xa6: {  	s5 =	sshll.u32 s26, $0x1;
	_ =	strace $0x80000049;
	[dreg:$0x1] =	wrdreg $0xFFFFFFFF  }
0xa7: {  	s28 =	simm.s32 $_size_execute0_lowered;
	s3 =	sadd.s32 s3, s5;
	[dreg:$0x0] =	wrdreg $0x0  }
0xa8: {  	s5 =	sshll.u32 s28, $0x1;
	[dreg:$0x2] =	wrdreg s3  }
0xa9: {  	[dreg:$0x3] =	wrdreg s5  }
0xaa: {  	[dreg:$0x4] =	wrdreg $0xC0  }
0xab: {  	_ =	task [dreg:s7], $0x5FFFF  }
0xac: {  	[dreg:$0x1] =	wrdreg $0xFFFFFFFF  }
0xad: {  	[dreg:$0x0] =	wrdreg $0x60  }
0xae: {  	[dreg:$0x2] =	wrdreg s24  }
0xaf: {  	[dreg:$0x3] =	wrdreg s2  }
0xb0: {  	[dreg:$0x4] =	wrdreg $0x9  }
0xb1: {  	_ =	task.clear_ibuf [dreg:s7], $0x5FFFF;
	_ =	strace $0x90000049  }
0xb2: {  	s29 =	simm.s32 $0x9;
	_ =	strace $0x8000004B  }
0xb3: {  	_ =	swait.ge [sflag:s29], $0x1  }
0xb4: {  	[sflag:s29] =	ssyncadd.s32 $0xFFFFFFFF  }
0xb5: {  	_ =	strace $0x9000004B  }
0xb6: {  	_ =	sfence  }
0xb7: {  	s30 =	sld [smem:$0x0];
	_ =	sdelay $0x2  }
0xb8: {  	s31 =	sshll.u32 s1, $0xD;
	s1 =	sshrl.u32 s1, $0x2  }
0xb9: {  	s3 =	sand.u32 $0x4000, s31;
	s1 =	sadd.s32 s1, s30  }
0xba: {  	s0 =	sor.u32 s3, s0;
	s1 =	sshll.u32 s1, $0x11  }
0xbb: {  	s0 =	sor.u32 s1, s0  }
0xbc: {  	s0 =	sadd.s32 $0x8F2B, s0  }
0xbd: {  	[sflag:s0] =	ssyncadd.remote.s32 $0x1  }
0xbe: {  	_ =	sfence.sel $0xFFFF  }
0xbf: {  	[dreg:$0x0] =	wrdreg $0xFFFFFFFF;
	(pc) =	sbr.abs _section_cstart, $3  }
0xc0: {  	[dreg:$0x1] =	wrdreg $0xFFFFFFFF  }
0xc1: {  	_ =	task.clear_ibuf [dreg:s7], $0x2FFFF;
	_ =	strace $0x9FFFFFFF  }
0xc2: {  	(tm) =	ssettm $0x7FFFFFFF  }
0xc3: {  	_ =	shalt  }
tec
execute0_lowered:
.L_overlay_start_1:
0x0: {  	(tag) =	ssettag $0x1  }
0x1: {  	s0 =	rddreg [dreg:$0x0]  }
0x2: {  	s2 =	rddreg [dreg:$0x1];
	s1 =	simm.s32 $0x0;
	s4 =	srdreg.scid  }
0x3: {  	s6 =	stileid.u32;
	s13 =	simm.s32 $0x2;
	s15 =	simm.s32 $0x100  }
0x4: {  	s28 =	simm.s32 $0x10900;
	s29 =	simm.s32 $0x11900;
	s30 =	simm.s32 $0x12900  }
0x5: {  	s12 =	simm.s32 $0x13100;
	s31 =	simm.s32 $0x13900;
	s14 =	simm.s32 $0x15100  }
0x6: {  	s16 =	simm.s32 $0x15900;
	s17 =	simm.s32 $0x16100;
	s18 =	simm.s32 $0x16900  }
0x7: {  	s19 =	simm.s32 $0x17900;
	[smem:$0x7FF] =	sst s1;
	s3 =	sadd.s32 $0x111200, s0  }
0x8: {  	s4 =	sand.u32 $0x1, s4;
	s6 =	sshll.u32 s6, $0x5;
	s8 =	sadd.s32 $0x21000, s0  }
0x9: {  	s20 =	sadd.s32 $0x20E00, s0;
	s5 =	ssub.s32 $0x2, s4;
	s4 =	sshll.u32 s4, $0x4  }
0xa: {  	_ =	strace $0x8000004A;
	s7 =	sshrl.u32 s5, $0x1;
	s4 =	sor.u32 s4, s6  }
0xb: {  	s9 =	ssub.s32 s5, s7;
	s21 =	sadd.s32 s8, s4;
	s10 =	smul.u32 $0x300, s4  }
0xc: {  	s11 =	sor.u32 $0x8, s4;
	s4 =	sadd.s32 s20, s4;
	[dreg:$0x3] =	wrdreg s21  }
0xd: {  	s5 =	sadd.s32 $0x111300, s0;
	s7 =	sadd.s32 $0x111400, s0;
	[dreg:$0x4] =	wrdreg s4  }
0xe: {  	s22 =	smul.u32 $0x300, s11;
	s24 =	sadd.s32 s8, s11;
	s25 =	sadd.s32 s20, s11  }
0xf: {  	s26 =	smax.u32 s9, $0x1;
	s20 =	simm.s32 $0x1;
	s8 =	simm.s32 $0xF100  }
0x10: {  	s9 =	simm.s32 $0x10100;
	s11 =	simm.s32 $0x12100;
	[dreg:$0x6] =	wrdreg s24  }
0x11: {  	s4 =	simm.s32 $0x17100;
	s21 =	simm.s32 $0x0;
	[dreg:$0x7] =	wrdreg s25  }
0x12: {  	v2 =	vlaneseq.u32;
	s23 =	sadd.s32 s2, s10;
	[dreg:$0x9] =	wrdreg s26;
	s26 =	simm.s32 $0xF900  }
0x13: {  	vm0 =	vmmov $0xffff;
	v1 =	vshrl.u32 v2, $0x3;
	s10 =	simm.s32 $0x11100;
	[dreg:$0x5] =	wrdreg s23;
	s0 =	sadd.s32 s2, s22  }
0x14: {  	v0 =	vand.u32 $0x7, v2;
	v2 =	vor.u32 $0x8, v2;
	v1 =	vmul.u32 $0x8, v1;
	s2 =	simm.s32 $0x14900;
	[dreg:$0x8] =	wrdreg s0;
	s0 =	simm.s32 $0x14100  }
.LBB2_1:
0x15: {  	s6 =	rddreg [dreg:$0x3]  }
0x16: {  	[tilespmem:s1], [sflag:$0x2] =	stream.linear.gather [hbm4b:s6+s1], $0x40, $0x38;
	[tilespmem:$0x18100] =	vst v63  }
0x17: {  	_ =	swait.ge [sflag:s13], $0x40  }
0x18: {  	[sflag:s13] =	ssyncset.done $0x0  }
0x19: {  	s22 =	simm.s32 $0x80;
	s25 =	rddreg [dreg:$0x4];
	[sflag:s13] =	ssyncadd.s32 $0xFFFFFFC0  }
0x1a: {  	[tilespmem:s22], [sflag:$0x2] =	stream.linear.gather [hbm4b:s25+s1], $0x40, $0x38;
	[tilespmem:$0x18100] =	vst v63  }
0x1b: {  	_ =	swait.ge [sflag:s13], $0x40  }
0x1c: {  	[sflag:s13] =	ssyncset.done $0x0  }
0x1d: {  	[sflag:s13] =	ssyncadd.s32 $0xFFFFFFC0  }
0x1e: {  	v3 =	vld [tilespmem:$0x0];
	_ =	sdelay $0x4  }
0x1f: {  	v4 =	vshrl.u32 v3, $0x3  }
0x20: {  	v4 =	vmul.u32 $0x30, v4  }
0x21: {  	v3 =	vand.u32 $0x7, v3  }
0x22: {  	v3 =	vor.u32 v3, v4  }
0x23: {  	v4 =	vperm.xlane v3, v0;
	_ =	sdelay $0x1  }
0x24: {  	v4 =	vadd.s32 v1, v4;
	_ =	sdelay $0x3  }
0x25: {  	v3 =	vperm.xlane v3, v2  }
0x26: {  	[tilespmem:s15], [sflag:$0x1] =	stream.indirect_vreg.gather [hbm4b:s3+s1], $0x80, v4, vm0, $0xb8;
	[tilespmem:$0x18100] =	vst v63  }
0x27: {  	s23 =	simm.s32 $0x900;
	v3 =	vadd.s32 v1, v3  }
0x28: {  	[tilespmem:s23], [sflag:$0x1] =	stream.indirect_vreg.gather [hbm4b:s5+s1], $0x80, v4, vm0, $0xb8;
	[tilespmem:$0x18100] =	vst v63  }
0x29: {  	s24 =	simm.s32 $0x1100  }
0x2a: {  	[tilespmem:s24], [sflag:$0x1] =	stream.indirect_vreg.gather [hbm4b:s7+s1], $0x80, v4, vm0, $0xb8;
	[tilespmem:$0x18100] =	vst v63  }
0x2b: {  	s25 =	simm.s32 $0x1900  }
0x2c: {  	[tilespmem:s25], [sflag:$0x1] =	stream.indirect_vreg.gather [hbm4b:s3+s1], $0x80, v3, vm0, $0xb8;
	[tilespmem:$0x18100] =	vst v63  }
0x2d: {  	s22 =	simm.s32 $0x2100  }
0x2e: {  	[tilespmem:s22], [sflag:$0x1] =	stream.indirect_vreg.gather [hbm4b:s5+s1], $0x80, v3, vm0, $0xb8;
	[tilespmem:$0x18100] =	vst v63  }
0x2f: {  	s23 =	simm.s32 $0x2900  }
0x30: {  	[tilespmem:s23], [sflag:$0x1] =	stream.indirect_vreg.gather [hbm4b:s7+s1], $0x80, v3, vm0, $0xb8;
	[tilespmem:$0x18100] =	vst v63  }
0x31: {  	v3 =	vld [tilespmem:$0x10];
	_ =	sdelay $0x4  }
0x32: {  	v4 =	vshrl.u32 v3, $0x3  }
0x33: {  	v4 =	vmul.u32 $0x30, v4  }
0x34: {  	v3 =	vand.u32 $0x7, v3  }
0x35: {  	v3 =	vor.u32 v3, v4  }
0x36: {  	v4 =	vperm.xlane v3, v0;
	_ =	sdelay $0x1  }
0x37: {  	v4 =	vadd.s32 v1, v4;
	_ =	sdelay $0x3  }
0x38: {  	s24 =	simm.s32 $0x3100;
	v3 =	vperm.xlane v3, v2  }
0x39: {  	[tilespmem:s24], [sflag:$0x1] =	stream.indirect_vreg.gather [hbm4b:s3+s1], $0x80, v4, vm0, $0xb8;
	[tilespmem:$0x18100] =	vst v63  }
0x3a: {  	s25 =	simm.s32 $0x3900;
	v3 =	vadd.s32 v1, v3  }
0x3b: {  	[tilespmem:s25], [sflag:$0x1] =	stream.indirect_vreg.gather [hbm4b:s5+s1], $0x80, v4, vm0, $0xb8;
	[tilespmem:$0x18100] =	vst v63  }
0x3c: {  	s22 =	simm.s32 $0x4100  }
0x3d: {  	[tilespmem:s22], [sflag:$0x1] =	stream.indirect_vreg.gather [hbm4b:s7+s1], $0x80, v4, vm0, $0xb8;
	[tilespmem:$0x18100] =	vst v63  }
0x3e: {  	s23 =	simm.s32 $0x4900  }
0x3f: {  	[tilespmem:s23], [sflag:$0x1] =	stream.indirect_vreg.gather [hbm4b:s3+s1], $0x80, v3, vm0, $0xb8;
	[tilespmem:$0x18100] =	vst v63  }
0x40: {  	s24 =	simm.s32 $0x5100  }
0x41: {  	[tilespmem:s24], [sflag:$0x1] =	stream.indirect_vreg.gather [hbm4b:s5+s1], $0x80, v3, vm0, $0xb8;
	[tilespmem:$0x18100] =	vst v63  }
0x42: {  	s25 =	simm.s32 $0x5900  }
0x43: {  	[tilespmem:s25], [sflag:$0x1] =	stream.indirect_vreg.gather [hbm4b:s7+s1], $0x80, v3, vm0, $0xb8;
	[tilespmem:$0x18100] =	vst v63  }
0x44: {  	v3 =	vld [tilespmem:$0x20];
	_ =	sdelay $0x4  }
0x45: {  	v4 =	vshrl.u32 v3, $0x3  }
0x46: {  	v4 =	vmul.u32 $0x30, v4  }
0x47: {  	v3 =	vand.u32 $0x7, v3  }
0x48: {  	v3 =	vor.u32 v3, v4  }
0x49: {  	v4 =	vperm.xlane v3, v0;
	_ =	sdelay $0x1  }
0x4a: {  	v4 =	vadd.s32 v1, v4;
	_ =	sdelay $0x3  }
0x4b: {  	s22 =	simm.s32 $0x6100;
	v3 =	vperm.xlane v3, v2  }
0x4c: {  	[tilespmem:s22], [sflag:$0x1] =	stream.indirect_vreg.gather [hbm4b:s3+s1], $0x80, v4, vm0, $0xb8;
	[tilespmem:$0x18100] =	vst v63  }
0x4d: {  	s23 =	simm.s32 $0x6900;
	v3 =	vadd.s32 v1, v3  }
0x4e: {  	[tilespmem:s23], [sflag:$0x1] =	stream.indirect_vreg.gather [hbm4b:s5+s1], $0x80, v4, vm0, $0xb8;
	[tilespmem:$0x18100] =	vst v63  }
0x4f: {  	s24 =	simm.s32 $0x7100  }
0x50: {  	[tilespmem:s24], [sflag:$0x1] =	stream.indirect_vreg.gather [hbm4b:s7+s1], $0x80, v4, vm0, $0xb8;
	[tilespmem:$0x18100] =	vst v63  }
0x51: {  	s25 =	simm.s32 $0x7900  }
0x52: {  	[tilespmem:s25], [sflag:$0x1] =	stream.indirect_vreg.gather [hbm4b:s3+s1], $0x80, v3, vm0, $0xb8;
	[tilespmem:$0x18100] =	vst v63  }
0x53: {  	s22 =	simm.s32 $0x8100  }
0x54: {  	[tilespmem:s22], [sflag:$0x1] =	stream.indirect_vreg.gather [hbm4b:s5+s1], $0x80, v3, vm0, $0xb8;
	[tilespmem:$0x18100] =	vst v63  }
0x55: {  	s23 =	simm.s32 $0x8900  }
0x56: {  	[tilespmem:s23], [sflag:$0x1] =	stream.indirect_vreg.gather [hbm4b:s7+s1], $0x80, v3, vm0, $0xb8;
	[tilespmem:$0x18100] =	vst v63  }
0x57: {  	v3 =	vld [tilespmem:$0x30];
	_ =	sdelay $0x4  }
0x58: {  	v4 =	vshrl.u32 v3, $0x3  }
0x59: {  	v4 =	vmul.u32 $0x30, v4  }
0x5a: {  	v3 =	vand.u32 $0x7, v3  }
0x5b: {  	v3 =	vor.u32 v3, v4  }
0x5c: {  	v4 =	vperm.xlane v3, v0;
	_ =	sdelay $0x1  }
0x5d: {  	v4 =	vadd.s32 v1, v4;
	_ =	sdelay $0x3  }
0x5e: {  	s24 =	simm.s32 $0x9100;
	v3 =	vperm.xlane v3, v2  }
0x5f: {  	[tilespmem:s24], [sflag:$0x1] =	stream.indirect_vreg.gather [hbm4b:s3+s1], $0x80, v4, vm0, $0xb8;
	[tilespmem:$0x18100] =	vst v63  }
0x60: {  	s25 =	simm.s32 $0x9900;
	v3 =	vadd.s32 v1, v3  }
0x61: {  	[tilespmem:s25], [sflag:$0x1] =	stream.indirect_vreg.gather [hbm4b:s5+s1], $0x80, v4, vm0, $0xb8;
	[tilespmem:$0x18100] =	vst v63  }
0x62: {  	s22 =	simm.s32 $0xA100  }
0x63: {  	[tilespmem:s22], [sflag:$0x1] =	stream.indirect_vreg.gather [hbm4b:s7+s1], $0x80, v4, vm0, $0xb8;
	[tilespmem:$0x18100] =	vst v63  }
0x64: {  	s23 =	simm.s32 $0xA900  }
0x65: {  	[tilespmem:s23], [sflag:$0x1] =	stream.indirect_vreg.gather [hbm4b:s3+s1], $0x80, v3, vm0, $0xb8;
	[tilespmem:$0x18100] =	vst v63  }
0x66: {  	s24 =	simm.s32 $0xB100  }
0x67: {  	[tilespmem:s24], [sflag:$0x1] =	stream.indirect_vreg.gather [hbm4b:s5+s1], $0x80, v3, vm0, $0xb8;
	[tilespmem:$0x18100] =	vst v63  }
0x68: {  	s25 =	simm.s32 $0xB900  }
0x69: {  	[tilespmem:s25], [sflag:$0x1] =	stream.indirect_vreg.gather [hbm4b:s7+s1], $0x80, v3, vm0, $0xb8;
	[tilespmem:$0x18100] =	vst v63  }
0x6a: {  	_ =	swait.ge [sflag:s20], $0xC000  }
0x6b: {  	[sflag:s20] =	ssyncset.done $0x0  }
0x6c: {  	[sflag:s20] =	ssyncadd.s32 $0xFFFF4000  }
0x6d: {  	v3 =	vld [tilespmem:$0x80];
	_ =	sdelay $0x4  }
0x6e: {  	v4 =	vshrl.u32 v3, $0x3  }
0x6f: {  	v4 =	vmul.u32 $0x30, v4  }
0x70: {  	v3 =	vand.u32 $0x7, v3  }
0x71: {  	v3 =	vor.u32 v3, v4  }
0x72: {  	v4 =	vperm.xlane v3, v0;
	_ =	sdelay $0x1  }
0x73: {  	v4 =	vadd.s32 v1, v4;
	_ =	sdelay $0x3  }
0x74: {  	s22 =	simm.s32 $0xC100;
	v3 =	vperm.xlane v3, v2  }
0x75: {  	[tilespmem:s22], [sflag:$0x1] =	stream.indirect_vreg.gather [hbm4b:s3+s1], $0x80, v4, vm0, $0xb8;
	[tilespmem:$0x18100] =	vst v63  }
0x76: {  	s23 =	simm.s32 $0xC900;
	v3 =	vadd.s32 v1, v3  }
0x77: {  	[tilespmem:s23], [sflag:$0x1] =	stream.indirect_vreg.gather [hbm4b:s5+s1], $0x80, v4, vm0, $0xb8;
	[tilespmem:$0x18100] =	vst v63  }
0x78: {  	s24 =	simm.s32 $0xD100  }
0x79: {  	[tilespmem:s24], [sflag:$0x1] =	stream.indirect_vreg.gather [hbm4b:s7+s1], $0x80, v4, vm0, $0xb8;
	[tilespmem:$0x18100] =	vst v63  }
0x7a: {  	s25 =	simm.s32 $0xD900  }
0x7b: {  	[tilespmem:s25], [sflag:$0x1] =	stream.indirect_vreg.gather [hbm4b:s3+s1], $0x80, v3, vm0, $0xb8;
	[tilespmem:$0x18100] =	vst v63  }
0x7c: {  	s22 =	simm.s32 $0xE100  }
0x7d: {  	[tilespmem:s22], [sflag:$0x1] =	stream.indirect_vreg.gather [hbm4b:s5+s1], $0x80, v3, vm0, $0xb8;
	[tilespmem:$0x18100] =	vst v63  }
0x7e: {  	s23 =	simm.s32 $0xE900  }
0x7f: {  	[tilespmem:s23], [sflag:$0x1] =	stream.indirect_vreg.gather [hbm4b:s7+s1], $0x80, v3, vm0, $0xb8;
	[tilespmem:$0x18100] =	vst v63  }
0x80: {  	v3 =	vld [tilespmem:$0x90];
	_ =	sdelay $0x4  }
0x81: {  	v4 =	vshrl.u32 v3, $0x3  }
0x82: {  	v4 =	vmul.u32 $0x30, v4  }
0x83: {  	v3 =	vand.u32 $0x7, v3  }
0x84: {  	v3 =	vor.u32 v3, v4  }
0x85: {  	v4 =	vperm.xlane v3, v0;
	_ =	sdelay $0x1  }
0x86: {  	v4 =	vadd.s32 v1, v4;
	_ =	sdelay $0x3  }
0x87: {  	v3 =	vperm.xlane v3, v2  }
0x88: {  	[tilespmem:s8], [sflag:$0x1] =	stream.indirect_vreg.gather [hbm4b:s3+s1], $0x80, v4, vm0, $0xb8;
	[tilespmem:$0x18100] =	vst v63  }
0x89: {  	v3 =	vadd.s32 v1, v3  }
0x8a: {  	[tilespmem:s26], [sflag:$0x1] =	stream.indirect_vreg.gather [hbm4b:s5+s1], $0x80, v4, vm0, $0xb8;
	[tilespmem:$0x18100] =	vst v63  }
0x8b: {  	_ = 	snop  }
0x8c: {  	[tilespmem:s9], [sflag:$0x1] =	stream.indirect_vreg.gather [hbm4b:s7+s1], $0x80, v4, vm0, $0xb8;
	[tilespmem:$0x18100] =	vst v63  }
0x8d: {  	_ = 	snop  }
0x8e: {  	[tilespmem:s28], [sflag:$0x1] =	stream.indirect_vreg.gather [hbm4b:s3+s1], $0x80, v3, vm0, $0xb8;
	[tilespmem:$0x18100] =	vst v63  }
0x8f: {  	_ = 	snop  }
0x90: {  	[tilespmem:s10], [sflag:$0x1] =	stream.indirect_vreg.gather [hbm4b:s5+s1], $0x80, v3, vm0, $0xb8;
	[tilespmem:$0x18100] =	vst v63  }
0x91: {  	_ = 	snop  }
0x92: {  	[tilespmem:s29], [sflag:$0x1] =	stream.indirect_vreg.gather [hbm4b:s7+s1], $0x80, v3, vm0, $0xb8;
	[tilespmem:$0x18100] =	vst v63  }
0x93: {  	v3 =	vld [tilespmem:$0xA0];
	_ =	sdelay $0x4  }
0x94: {  	v4 =	vshrl.u32 v3, $0x3  }
0x95: {  	v4 =	vmul.u32 $0x30, v4  }
0x96: {  	v3 =	vand.u32 $0x7, v3  }
0x97: {  	v3 =	vor.u32 v3, v4  }
0x98: {  	v4 =	vperm.xlane v3, v0;
	_ =	sdelay $0x1  }
0x99: {  	v4 =	vadd.s32 v1, v4;
	_ =	sdelay $0x3  }
0x9a: {  	v3 =	vperm.xlane v3, v2  }
0x9b: {  	[tilespmem:s11], [sflag:$0x1] =	stream.indirect_vreg.gather [hbm4b:s3+s1], $0x80, v4, vm0, $0xb8;
	[tilespmem:$0x18100] =	vst v63  }
0x9c: {  	v3 =	vadd.s32 v1, v3  }
0x9d: {  	[tilespmem:s30], [sflag:$0x1] =	stream.indirect_vreg.gather [hbm4b:s5+s1], $0x80, v4, vm0, $0xb8;
	[tilespmem:$0x18100] =	vst v63  }
0x9e: {  	_ = 	snop  }
0x9f: {  	[tilespmem:s12], [sflag:$0x1] =	stream.indirect_vreg.gather [hbm4b:s7+s1], $0x80, v4, vm0, $0xb8;
	[tilespmem:$0x18100] =	vst v63  }
0xa0: {  	_ = 	snop  }
0xa1: {  	[tilespmem:s31], [sflag:$0x1] =	stream.indirect_vreg.gather [hbm4b:s3+s1], $0x80, v3, vm0, $0xb8;
	[tilespmem:$0x18100] =	vst v63  }
0xa2: {  	_ = 	snop  }
0xa3: {  	[tilespmem:s0], [sflag:$0x1] =	stream.indirect_vreg.gather [hbm4b:s5+s1], $0x80, v3, vm0, $0xb8;
	[tilespmem:$0x18100] =	vst v63  }
0xa4: {  	_ = 	snop  }
0xa5: {  	[tilespmem:s2], [sflag:$0x1] =	stream.indirect_vreg.gather [hbm4b:s7+s1], $0x80, v3, vm0, $0xb8;
	[tilespmem:$0x18100] =	vst v63  }
0xa6: {  	v3 =	vld [tilespmem:$0xB0];
	_ =	sdelay $0x4  }
0xa7: {  	v4 =	vshrl.u32 v3, $0x3  }
0xa8: {  	v4 =	vmul.u32 $0x30, v4  }
0xa9: {  	v3 =	vand.u32 $0x7, v3  }
0xaa: {  	v3 =	vor.u32 v3, v4  }
0xab: {  	v4 =	vperm.xlane v3, v0;
	_ =	sdelay $0x1  }
0xac: {  	v4 =	vadd.s32 v1, v4;
	_ =	sdelay $0x3  }
0xad: {  	v3 =	vperm.xlane v3, v2  }
0xae: {  	[tilespmem:s14], [sflag:$0x1] =	stream.indirect_vreg.gather [hbm4b:s3+s1], $0x80, v4, vm0, $0xb8;
	[tilespmem:$0x18100] =	vst v63  }
0xaf: {  	v3 =	vadd.s32 v1, v3  }
0xb0: {  	[tilespmem:s16], [sflag:$0x1] =	stream.indirect_vreg.gather [hbm4b:s5+s1], $0x80, v4, vm0, $0xb8;
	[tilespmem:$0x18100] =	vst v63  }
0xb1: {  	_ = 	snop  }
0xb2: {  	[tilespmem:s17], [sflag:$0x1] =	stream.indirect_vreg.gather [hbm4b:s7+s1], $0x80, v4, vm0, $0xb8;
	[tilespmem:$0x18100] =	vst v63  }
0xb3: {  	_ = 	snop  }
0xb4: {  	[tilespmem:s18], [sflag:$0x1] =	stream.indirect_vreg.gather [hbm4b:s3+s1], $0x80, v3, vm0, $0xb8;
	[tilespmem:$0x18100] =	vst v63  }
0xb5: {  	_ = 	snop  }
0xb6: {  	[tilespmem:s4], [sflag:$0x1] =	stream.indirect_vreg.gather [hbm4b:s5+s1], $0x80, v3, vm0, $0xb8;
	[tilespmem:$0x18100] =	vst v63  }
0xb7: {  	s24 =	simm.s32 $0x0  }
0xb8: {  	[tilespmem:s19], [sflag:$0x1] =	stream.indirect_vreg.gather [hbm4b:s7+s1], $0x80, v3, vm0, $0xb8;
	[tilespmem:$0x18100] =	vst v63  }
0xb9: {  	s6 =	smul.u32 $0x1800, s24;
	_ =	swait.ge [sflag:s20], $0xC000  }
0xba: {  	s25 =	sand.u32 $0x380, s1;
	[sflag:s20] =	ssyncset.done $0x0  }
0xbb: {  	s22 =	sor.u32 s25, s6;
	[sflag:s20] =	ssyncadd.s32 $0xFFFF4000  }
0xbc: {  	v3 =	vld [tilespmem:s22+$0xD570]  }
0xbd: {  	v6 =	vld [tilespmem:s22+$0xC100]  }
0xbe: {  	v7 =	vld [tilespmem:s22+$0xC110]  }
0xbf: {  	v8 =	vld [tilespmem:s22+$0xC120]  }
0xc0: {  	v9 =	vld [tilespmem:s22+$0xC130]  }
0xc1: {  	v10 =	vld [tilespmem:s22+$0xC140]  }
0xc2: {  	v11 =	vld [tilespmem:s22+$0xC150]  }
0xc3: {  	v12 =	vld [tilespmem:s22+$0xC160]  }
0xc4: {  	v13 =	vld [tilespmem:s22+$0xC170]  }
0xc5: {  	v14 =	vld [tilespmem:s22+$0xC500]  }
0xc6: {  	v15 =	vld [tilespmem:s22+$0xC510]  }
0xc7: {  	v16 =	vld [tilespmem:s22+$0xC520]  }
0xc8: {  	v17 =	vld [tilespmem:s22+$0xC530]  }
0xc9: {  	v18 =	vld [tilespmem:s22+$0xC540]  }
0xca: {  	v19 =	vld [tilespmem:s22+$0xC550]  }
0xcb: {  	v20 =	vld [tilespmem:s22+$0xC560]  }
0xcc: {  	v21 =	vld [tilespmem:s22+$0xC570]  }
0xcd: {  	v22 =	vld [tilespmem:s22+$0xC900]  }
0xce: {  	v23 =	vld [tilespmem:s22+$0xC910]  }
0xcf: {  	v24 =	vld [tilespmem:s22+$0xC920]  }
0xd0: {  	v25 =	vld [tilespmem:s22+$0xC930]  }
0xd1: {  	v26 =	vld [tilespmem:s22+$0xC940]  }
0xd2: {  	v27 =	vld [tilespmem:s22+$0xC950]  }
0xd3: {  	v28 =	vld [tilespmem:s22+$0xC960]  }
0xd4: {  	v29 =	vld [tilespmem:s22+$0xC970]  }
0xd5: {  	v30 =	vld [tilespmem:s22+$0xCD00]  }
0xd6: {  	v31 =	vld [tilespmem:s22+$0xCD10]  }
0xd7: {  	v32 =	vld [tilespmem:s22+$0xCD20]  }
0xd8: {  	v33 =	vld [tilespmem:s22+$0xCD30]  }
0xd9: {  	v34 =	vld [tilespmem:s22+$0xCD40]  }
0xda: {  	v35 =	vld [tilespmem:s22+$0xCD50]  }
0xdb: {  	v36 =	vld [tilespmem:s22+$0xCD60]  }
0xdc: {  	v37 =	vld [tilespmem:s22+$0xCD70]  }
0xdd: {  	v38 =	vld [tilespmem:s22+$0xD100]  }
0xde: {  	v39 =	vld [tilespmem:s22+$0xD110]  }
0xdf: {  	v40 =	vld [tilespmem:s22+$0xD120]  }
0xe0: {  	v41 =	vld [tilespmem:s22+$0xD130]  }
0xe1: {  	v42 =	vld [tilespmem:s22+$0xD140]  }
0xe2: {  	v43 =	vld [tilespmem:s22+$0xD150]  }
0xe3: {  	v44 =	vld [tilespmem:s22+$0xD160]  }
0xe4: {  	v45 =	vld [tilespmem:s22+$0xD170]  }
0xe5: {  	v46 =	vld [tilespmem:s22+$0xD500]  }
0xe6: {  	v47 =	vld [tilespmem:s22+$0xD510]  }
0xe7: {  	v48 =	vld [tilespmem:s22+$0xD520]  }
0xe8: {  	v49 =	vld [tilespmem:s22+$0xD530]  }
0xe9: {  	v5 =	vld [tilespmem:s22+$0xD540]  }
0xea: {  	v4 =	vld [tilespmem:s22+$0xD550]  }
0xeb: {  	[tilespmem:s22+$0x1570] =	vst.add.f32.msk $0xffff, v3  }
0xec: {  	v3 =	vld [tilespmem:s22+$0xD560]  }
0xed: {  	[tilespmem:s22+$0x100] =	vst.add.f32.msk $0xffff, v6  }
0xee: {  	[tilespmem:s22+$0x110] =	vst.add.f32.msk $0xffff, v7  }
0xef: {  	[tilespmem:s22+$0x120] =	vst.add.f32.msk $0xffff, v8  }
0xf0: {  	[tilespmem:s22+$0x130] =	vst.add.f32.msk $0xffff, v9  }
0xf1: {  	[tilespmem:s22+$0x140] =	vst.add.f32.msk $0xffff, v10  }
0xf2: {  	[tilespmem:s22+$0x150] =	vst.add.f32.msk $0xffff, v11  }
0xf3: {  	[tilespmem:s22+$0x160] =	vst.add.f32.msk $0xffff, v12  }
0xf4: {  	[tilespmem:s22+$0x170] =	vst.add.f32.msk $0xffff, v13  }
0xf5: {  	[tilespmem:s22+$0x500] =	vst.add.f32.msk $0xffff, v14  }
0xf6: {  	[tilespmem:s22+$0x510] =	vst.add.f32.msk $0xffff, v15  }
0xf7: {  	[tilespmem:s22+$0x520] =	vst.add.f32.msk $0xffff, v16  }
0xf8: {  	[tilespmem:s22+$0x530] =	vst.add.f32.msk $0xffff, v17  }
0xf9: {  	[tilespmem:s22+$0x540] =	vst.add.f32.msk $0xffff, v18  }
0xfa: {  	[tilespmem:s22+$0x550] =	vst.add.f32.msk $0xffff, v19  }
0xfb: {  	[tilespmem:s22+$0x560] =	vst.add.f32.msk $0xffff, v20  }
0xfc: {  	[tilespmem:s22+$0x570] =	vst.add.f32.msk $0xffff, v21  }
0xfd: {  	[tilespmem:s22+$0x900] =	vst.add.f32.msk $0xffff, v22  }
0xfe: {  	[tilespmem:s22+$0x910] =	vst.add.f32.msk $0xffff, v23  }
0xff: {  	[tilespmem:s22+$0x920] =	vst.add.f32.msk $0xffff, v24  }
0x100: {  	[tilespmem:s22+$0x930] =	vst.add.f32.msk $0xffff, v25  }
0x101: {  	[tilespmem:s22+$0x940] =	vst.add.f32.msk $0xffff, v26  }
0x102: {  	[tilespmem:s22+$0x950] =	vst.add.f32.msk $0xffff, v27  }
0x103: {  	[tilespmem:s22+$0x960] =	vst.add.f32.msk $0xffff, v28  }
0x104: {  	[tilespmem:s22+$0x970] =	vst.add.f32.msk $0xffff, v29  }
0x105: {  	[tilespmem:s22+$0xD00] =	vst.add.f32.msk $0xffff, v30  }
0x106: {  	[tilespmem:s22+$0xD10] =	vst.add.f32.msk $0xffff, v31  }
0x107: {  	[tilespmem:s22+$0xD20] =	vst.add.f32.msk $0xffff, v32  }
0x108: {  	[tilespmem:s22+$0xD30] =	vst.add.f32.msk $0xffff, v33  }
0x109: {  	[tilespmem:s22+$0xD40] =	vst.add.f32.msk $0xffff, v34  }
0x10a: {  	[tilespmem:s22+$0xD50] =	vst.add.f32.msk $0xffff, v35  }
0x10b: {  	[tilespmem:s22+$0xD60] =	vst.add.f32.msk $0xffff, v36  }
0x10c: {  	[tilespmem:s22+$0xD70] =	vst.add.f32.msk $0xffff, v37  }
0x10d: {  	[tilespmem:s22+$0x1100] =	vst.add.f32.msk $0xffff, v38  }
0x10e: {  	[tilespmem:s22+$0x1110] =	vst.add.f32.msk $0xffff, v39  }
0x10f: {  	[tilespmem:s22+$0x1120] =	vst.add.f32.msk $0xffff, v40  }
0x110: {  	[tilespmem:s22+$0x1130] =	vst.add.f32.msk $0xffff, v41  }
0x111: {  	[tilespmem:s22+$0x1140] =	vst.add.f32.msk $0xffff, v42  }
0x112: {  	[tilespmem:s22+$0x1150] =	vst.add.f32.msk $0xffff, v43  }
0x113: {  	[tilespmem:s22+$0x1160] =	vst.add.f32.msk $0xffff, v44  }
0x114: {  	[tilespmem:s22+$0x1170] =	vst.add.f32.msk $0xffff, v45  }
0x115: {  	[tilespmem:s22+$0x1500] =	vst.add.f32.msk $0xffff, v46  }
0x116: {  	[tilespmem:s22+$0x1510] =	vst.add.f32.msk $0xffff, v47  }
0x117: {  	[tilespmem:s22+$0x1520] =	vst.add.f32.msk $0xffff, v48  }
0x118: {  	s24 =	simm.s32 $0x0;
	s6 =	simm.s32 $0x0;
	s23 =	simm.s32 $0x2;
	[tilespmem:s22+$0x1530] =	vst.add.f32.msk $0xffff, v49  }
.LBB2_2:
0x119: {  	p0 =	sne.s32 s23, $0x3F;
	s24 =	smul.u32 $0x1800, s24;
	[tilespmem:s22+$0x1540] =	vst.add.f32.msk $0xffff, v5;
	s6 =	sadd.s32 $0x80, s6  }
0x11a: {  	s25 =	sand.u32 $0x380, s6;
	[tilespmem:s22+$0x1550] =	vst.add.f32.msk $0xffff, v4  }
0x11b: {  	[tilespmem:s22+$0x1560] =	vst.add.f32.msk $0xffff, v3;
	s22 =	sor.u32 s25, s24  }
0x11c: {  	v3 =	vld [tilespmem:s22+$0xD570]  }
0x11d: {  	v6 =	vld [tilespmem:s22+$0xC100]  }
0x11e: {  	v7 =	vld [tilespmem:s22+$0xC110]  }
0x11f: {  	v8 =	vld [tilespmem:s22+$0xC120]  }
0x120: {  	v9 =	vld [tilespmem:s22+$0xC130]  }
0x121: {  	[tilespmem:s22+$0x1570] =	vst.add.f32.msk $0xffff, v3  }
0x122: {  	v10 =	vld [tilespmem:s22+$0xC140]  }
0x123: {  	v11 =	vld [tilespmem:s22+$0xC150]  }
0x124: {  	v12 =	vld [tilespmem:s22+$0xC160]  }
0x125: {  	v13 =	vld [tilespmem:s22+$0xC170]  }
0x126: {  	v14 =	vld [tilespmem:s22+$0xC500]  }
0x127: {  	v15 =	vld [tilespmem:s22+$0xC510]  }
0x128: {  	v16 =	vld [tilespmem:s22+$0xC520]  }
0x129: {  	v17 =	vld [tilespmem:s22+$0xC530]  }
0x12a: {  	v18 =	vld [tilespmem:s22+$0xC540]  }
0x12b: {  	v19 =	vld [tilespmem:s22+$0xC550]  }
0x12c: {  	v20 =	vld [tilespmem:s22+$0xC560]  }
0x12d: {  	v21 =	vld [tilespmem:s22+$0xC570]  }
0x12e: {  	v22 =	vld [tilespmem:s22+$0xC900]  }
0x12f: {  	v23 =	vld [tilespmem:s22+$0xC910]  }
0x130: {  	v24 =	vld [tilespmem:s22+$0xC920]  }
0x131: {  	v25 =	vld [tilespmem:s22+$0xC930]  }
0x132: {  	v26 =	vld [tilespmem:s22+$0xC940]  }
0x133: {  	v27 =	vld [tilespmem:s22+$0xC950]  }
0x134: {  	v28 =	vld [tilespmem:s22+$0xC960]  }
0x135: {  	v29 =	vld [tilespmem:s22+$0xC970]  }
0x136: {  	v30 =	vld [tilespmem:s22+$0xCD00]  }
0x137: {  	v31 =	vld [tilespmem:s22+$0xCD10]  }
0x138: {  	v32 =	vld [tilespmem:s22+$0xCD20]  }
0x139: {  	v33 =	vld [tilespmem:s22+$0xCD30]  }
0x13a: {  	v34 =	vld [tilespmem:s22+$0xCD40]  }
0x13b: {  	v35 =	vld [tilespmem:s22+$0xCD50]  }
0x13c: {  	v36 =	vld [tilespmem:s22+$0xCD60]  }
0x13d: {  	v37 =	vld [tilespmem:s22+$0xCD70]  }
0x13e: {  	v38 =	vld [tilespmem:s22+$0xD100]  }
0x13f: {  	v39 =	vld [tilespmem:s22+$0xD110]  }
0x140: {  	v40 =	vld [tilespmem:s22+$0xD120]  }
0x141: {  	v41 =	vld [tilespmem:s22+$0xD130]  }
0x142: {  	v42 =	vld [tilespmem:s22+$0xD140]  }
0x143: {  	v43 =	vld [tilespmem:s22+$0xD150]  }
0x144: {  	v44 =	vld [tilespmem:s22+$0xD160]  }
0x145: {  	v45 =	vld [tilespmem:s22+$0xD170]  }
0x146: {  	v46 =	vld [tilespmem:s22+$0xD500]  }
0x147: {  	v47 =	vld [tilespmem:s22+$0xD510]  }
0x148: {  	v48 =	vld [tilespmem:s22+$0xD520]  }
0x149: {  	v49 =	vld [tilespmem:s22+$0xD530]  }
0x14a: {  	v5 =	vld [tilespmem:s22+$0xD540]  }
0x14b: {  	v4 =	vld [tilespmem:s22+$0xD550]  }
0x14c: {  	v3 =	vld [tilespmem:s22+$0xD560]  }
0x14d: {  	[tilespmem:s22+$0x100] =	vst.add.f32.msk $0xffff, v6  }
0x14e: {  	[tilespmem:s22+$0x110] =	vst.add.f32.msk $0xffff, v7  }
0x14f: {  	[tilespmem:s22+$0x120] =	vst.add.f32.msk $0xffff, v8  }
0x150: {  	[tilespmem:s22+$0x130] =	vst.add.f32.msk $0xffff, v9  }
0x151: {  	[tilespmem:s22+$0x140] =	vst.add.f32.msk $0xffff, v10  }
0x152: {  	[tilespmem:s22+$0x150] =	vst.add.f32.msk $0xffff, v11  }
0x153: {  	[tilespmem:s22+$0x160] =	vst.add.f32.msk $0xffff, v12  }
0x154: {  	[tilespmem:s22+$0x170] =	vst.add.f32.msk $0xffff, v13  }
0x155: {  	[tilespmem:s22+$0x500] =	vst.add.f32.msk $0xffff, v14  }
0x156: {  	[tilespmem:s22+$0x510] =	vst.add.f32.msk $0xffff, v15  }
0x157: {  	[tilespmem:s22+$0x520] =	vst.add.f32.msk $0xffff, v16  }
0x158: {  	[tilespmem:s22+$0x530] =	vst.add.f32.msk $0xffff, v17  }
0x159: {  	[tilespmem:s22+$0x540] =	vst.add.f32.msk $0xffff, v18  }
0x15a: {  	[tilespmem:s22+$0x550] =	vst.add.f32.msk $0xffff, v19  }
0x15b: {  	[tilespmem:s22+$0x560] =	vst.add.f32.msk $0xffff, v20  }
0x15c: {  	[tilespmem:s22+$0x570] =	vst.add.f32.msk $0xffff, v21  }
0x15d: {  	[tilespmem:s22+$0x900] =	vst.add.f32.msk $0xffff, v22  }
0x15e: {  	[tilespmem:s22+$0x910] =	vst.add.f32.msk $0xffff, v23  }
0x15f: {  	[tilespmem:s22+$0x920] =	vst.add.f32.msk $0xffff, v24  }
0x160: {  	[tilespmem:s22+$0x930] =	vst.add.f32.msk $0xffff, v25  }
0x161: {  	[tilespmem:s22+$0x940] =	vst.add.f32.msk $0xffff, v26  }
0x162: {  	[tilespmem:s22+$0x950] =	vst.add.f32.msk $0xffff, v27  }
0x163: {  	[tilespmem:s22+$0x960] =	vst.add.f32.msk $0xffff, v28  }
0x164: {  	[tilespmem:s22+$0x970] =	vst.add.f32.msk $0xffff, v29  }
0x165: {  	[tilespmem:s22+$0xD00] =	vst.add.f32.msk $0xffff, v30  }
0x166: {  	[tilespmem:s22+$0xD10] =	vst.add.f32.msk $0xffff, v31  }
0x167: {  	[tilespmem:s22+$0xD20] =	vst.add.f32.msk $0xffff, v32  }
0x168: {  	[tilespmem:s22+$0xD30] =	vst.add.f32.msk $0xffff, v33  }
0x169: {  	[tilespmem:s22+$0xD40] =	vst.add.f32.msk $0xffff, v34  }
0x16a: {  	[tilespmem:s22+$0xD50] =	vst.add.f32.msk $0xffff, v35  }
0x16b: {  	[tilespmem:s22+$0xD60] =	vst.add.f32.msk $0xffff, v36  }
0x16c: {  	[tilespmem:s22+$0xD70] =	vst.add.f32.msk $0xffff, v37  }
0x16d: {  	[tilespmem:s22+$0x1100] =	vst.add.f32.msk $0xffff, v38  }
0x16e: {  	[tilespmem:s22+$0x1110] =	vst.add.f32.msk $0xffff, v39  }
0x16f: {  	[tilespmem:s22+$0x1120] =	vst.add.f32.msk $0xffff, v40  }
0x170: {  	[tilespmem:s22+$0x1130] =	vst.add.f32.msk $0xffff, v41  }
0x171: {  	[tilespmem:s22+$0x1140] =	vst.add.f32.msk $0xffff, v42  }
0x172: {  	[tilespmem:s22+$0x1150] =	vst.add.f32.msk $0xffff, v43  }
0x173: {  	[tilespmem:s22+$0x1160] =	vst.add.f32.msk $0xffff, v44  }
.Ltmp0:
0x174: {  	[tilespmem:s22+$0x1170] =	vst.add.f32.msk $0xffff, v45;
	(pc) =	sbr.rel @p0 .LBB2_2-.Ltmp0, $4  }
0x175: {  	[tilespmem:s22+$0x1500] =	vst.add.f32.msk $0xffff, v46  }
0x176: {  	[tilespmem:s22+$0x1510] =	vst.add.f32.msk $0xffff, v47  }
0x177: {  	[tilespmem:s22+$0x1520] =	vst.add.f32.msk $0xffff, v48  }
0x178: {  	s24 =	sshrl.u32 s23, $0x3;
	s23 =	sadd.s32 $0x1, s23;
	[tilespmem:s22+$0x1530] =	vst.add.f32.msk $0xffff, v49  }
0x179: {  	s23 =	smul.u32 $0x1800, s24;
	[tilespmem:s22+$0x1540] =	vst.add.f32.msk $0xffff, v5;
	s6 =	sadd.s32 $0x80, s6  }
0x17a: {  	[tilespmem:s22+$0x1550] =	vst.add.f32.msk $0xffff, v4;
	s6 =	sand.u32 $0x380, s6  }
0x17b: {  	[tilespmem:s22+$0x1560] =	vst.add.f32.msk $0xffff, v3;
	s6 =	sor.u32 s6, s23  }
0x17c: {  	v3 =	vld [tilespmem:s6+$0xD570]  }
0x17d: {  	v4 =	vld [tilespmem:s6+$0xC100]  }
0x17e: {  	v5 =	vld [tilespmem:s6+$0xC110]  }
0x17f: {  	v6 =	vld [tilespmem:s6+$0xC120]  }
0x180: {  	v7 =	vld [tilespmem:s6+$0xC130]  }
0x181: {  	v8 =	vld [tilespmem:s6+$0xC150]  }
0x182: {  	v9 =	vld [tilespmem:s6+$0xC160]  }
0x183: {  	v10 =	vld [tilespmem:s6+$0xC170]  }
0x184: {  	v11 =	vld [tilespmem:s6+$0xC500]  }
0x185: {  	v12 =	vld [tilespmem:s6+$0xC510]  }
0x186: {  	v13 =	vld [tilespmem:s6+$0xC520]  }
0x187: {  	v14 =	vld [tilespmem:s6+$0xC530]  }
0x188: {  	v15 =	vld [tilespmem:s6+$0xC540]  }
0x189: {  	v16 =	vld [tilespmem:s6+$0xC550]  }
0x18a: {  	v17 =	vld [tilespmem:s6+$0xC560]  }
0x18b: {  	v18 =	vld [tilespmem:s6+$0xC570]  }
0x18c: {  	v19 =	vld [tilespmem:s6+$0xC900]  }
0x18d: {  	v20 =	vld [tilespmem:s6+$0xC910]  }
0x18e: {  	v21 =	vld [tilespmem:s6+$0xC920]  }
0x18f: {  	v22 =	vld [tilespmem:s6+$0xC930]  }
0x190: {  	v23 =	vld [tilespmem:s6+$0xC940]  }
0x191: {  	v24 =	vld [tilespmem:s6+$0xC950]  }
0x192: {  	v25 =	vld [tilespmem:s6+$0xC960]  }
0x193: {  	v26 =	vld [tilespmem:s6+$0xC970]  }
0x194: {  	v27 =	vld [tilespmem:s6+$0xCD00]  }
0x195: {  	v28 =	vld [tilespmem:s6+$0xCD10]  }
0x196: {  	v29 =	vld [tilespmem:s6+$0xCD20]  }
0x197: {  	v30 =	vld [tilespmem:s6+$0xCD30]  }
0x198: {  	v31 =	vld [tilespmem:s6+$0xCD40]  }
0x199: {  	v32 =	vld [tilespmem:s6+$0xCD50]  }
0x19a: {  	v33 =	vld [tilespmem:s6+$0xCD60]  }
0x19b: {  	v34 =	vld [tilespmem:s6+$0xCD70]  }
0x19c: {  	v35 =	vld [tilespmem:s6+$0xD100]  }
0x19d: {  	v36 =	vld [tilespmem:s6+$0xD110]  }
0x19e: {  	v37 =	vld [tilespmem:s6+$0xD120]  }
0x19f: {  	v38 =	vld [tilespmem:s6+$0xD130]  }
0x1a0: {  	v39 =	vld [tilespmem:s6+$0xD140]  }
0x1a1: {  	v40 =	vld [tilespmem:s6+$0xD150]  }
0x1a2: {  	v41 =	vld [tilespmem:s6+$0xD160]  }
0x1a3: {  	v42 =	vld [tilespmem:s6+$0xD170]  }
0x1a4: {  	v43 =	vld [tilespmem:s6+$0xD500]  }
0x1a5: {  	v44 =	vld [tilespmem:s6+$0xD510]  }
0x1a6: {  	v45 =	vld [tilespmem:s6+$0xD520]  }
0x1a7: {  	v46 =	vld [tilespmem:s6+$0xD530]  }
0x1a8: {  	v47 =	vld [tilespmem:s6+$0xD540]  }
0x1a9: {  	v48 =	vld [tilespmem:s6+$0xD550]  }
0x1aa: {  	v49 =	vld [tilespmem:s6+$0xD560]  }
0x1ab: {  	[tilespmem:s6+$0x1570] =	vst.add.f32.msk $0xffff, v3  }
0x1ac: {  	v3 =	vld [tilespmem:s6+$0xC140]  }
0x1ad: {  	[tilespmem:s6+$0x100] =	vst.add.f32.msk $0xffff, v4  }
0x1ae: {  	[tilespmem:s6+$0x110] =	vst.add.f32.msk $0xffff, v5  }
0x1af: {  	[tilespmem:s6+$0x120] =	vst.add.f32.msk $0xffff, v6  }
0x1b0: {  	[tilespmem:s6+$0x130] =	vst.add.f32.msk $0xffff, v7  }
0x1b1: {  	[tilespmem:s6+$0x150] =	vst.add.f32.msk $0xffff, v8  }
0x1b2: {  	[tilespmem:s6+$0x160] =	vst.add.f32.msk $0xffff, v9  }
0x1b3: {  	[tilespmem:s6+$0x170] =	vst.add.f32.msk $0xffff, v10  }
0x1b4: {  	[tilespmem:s6+$0x500] =	vst.add.f32.msk $0xffff, v11  }
0x1b5: {  	[tilespmem:s6+$0x510] =	vst.add.f32.msk $0xffff, v12  }
0x1b6: {  	[tilespmem:s6+$0x520] =	vst.add.f32.msk $0xffff, v13  }
0x1b7: {  	[tilespmem:s6+$0x530] =	vst.add.f32.msk $0xffff, v14  }
0x1b8: {  	[tilespmem:s6+$0x540] =	vst.add.f32.msk $0xffff, v15  }
0x1b9: {  	[tilespmem:s6+$0x550] =	vst.add.f32.msk $0xffff, v16  }
0x1ba: {  	[tilespmem:s6+$0x560] =	vst.add.f32.msk $0xffff, v17  }
0x1bb: {  	[tilespmem:s6+$0x570] =	vst.add.f32.msk $0xffff, v18  }
0x1bc: {  	[tilespmem:s6+$0x900] =	vst.add.f32.msk $0xffff, v19  }
0x1bd: {  	[tilespmem:s6+$0x910] =	vst.add.f32.msk $0xffff, v20  }
0x1be: {  	[tilespmem:s6+$0x920] =	vst.add.f32.msk $0xffff, v21  }
0x1bf: {  	[tilespmem:s6+$0x930] =	vst.add.f32.msk $0xffff, v22  }
0x1c0: {  	[tilespmem:s6+$0x940] =	vst.add.f32.msk $0xffff, v23  }
0x1c1: {  	[tilespmem:s6+$0x950] =	vst.add.f32.msk $0xffff, v24  }
0x1c2: {  	[tilespmem:s6+$0x960] =	vst.add.f32.msk $0xffff, v25  }
0x1c3: {  	[tilespmem:s6+$0x970] =	vst.add.f32.msk $0xffff, v26  }
0x1c4: {  	[tilespmem:s6+$0xD00] =	vst.add.f32.msk $0xffff, v27  }
0x1c5: {  	[tilespmem:s6+$0xD10] =	vst.add.f32.msk $0xffff, v28  }
0x1c6: {  	[tilespmem:s6+$0xD20] =	vst.add.f32.msk $0xffff, v29  }
0x1c7: {  	[tilespmem:s6+$0xD30] =	vst.add.f32.msk $0xffff, v30  }
0x1c8: {  	[tilespmem:s6+$0xD40] =	vst.add.f32.msk $0xffff, v31  }
0x1c9: {  	[tilespmem:s6+$0xD50] =	vst.add.f32.msk $0xffff, v32  }
0x1ca: {  	[tilespmem:s6+$0xD60] =	vst.add.f32.msk $0xffff, v33  }
0x1cb: {  	[tilespmem:s6+$0xD70] =	vst.add.f32.msk $0xffff, v34  }
0x1cc: {  	[tilespmem:s6+$0x1100] =	vst.add.f32.msk $0xffff, v35  }
0x1cd: {  	[tilespmem:s6+$0x1110] =	vst.add.f32.msk $0xffff, v36  }
0x1ce: {  	[tilespmem:s6+$0x1120] =	vst.add.f32.msk $0xffff, v37  }
0x1cf: {  	[tilespmem:s6+$0x1130] =	vst.add.f32.msk $0xffff, v38  }
0x1d0: {  	[tilespmem:s6+$0x1140] =	vst.add.f32.msk $0xffff, v39  }
0x1d1: {  	[tilespmem:s6+$0x1150] =	vst.add.f32.msk $0xffff, v40  }
0x1d2: {  	[tilespmem:s6+$0x1160] =	vst.add.f32.msk $0xffff, v41  }
0x1d3: {  	[tilespmem:s6+$0x1170] =	vst.add.f32.msk $0xffff, v42  }
0x1d4: {  	[tilespmem:s6+$0x1500] =	vst.add.f32.msk $0xffff, v43  }
0x1d5: {  	[tilespmem:s6+$0x1510] =	vst.add.f32.msk $0xffff, v44  }
0x1d6: {  	[tilespmem:s6+$0x1520] =	vst.add.f32.msk $0xffff, v45  }
0x1d7: {  	[tilespmem:s6+$0x1530] =	vst.add.f32.msk $0xffff, v46  }
0x1d8: {  	[tilespmem:s6+$0x1540] =	vst.add.f32.msk $0xffff, v47  }
0x1d9: {  	[tilespmem:s6+$0x1550] =	vst.add.f32.msk $0xffff, v48  }
0x1da: {  	[tilespmem:s6+$0x1560] =	vst.add.f32.msk $0xffff, v49  }
0x1db: {  	s22 =	simm.s32 $0x0;
	s24 =	rddreg [dreg:$0x5];
	[tilespmem:s6+$0x140] =	vst.add.f32.msk $0xffff, v3  }
0x1dc: {  	[hbm4b:s24+s22] =	stream.linear.scatter [tilespmem:s15], [sflag:$0x2], $0xC000, $0x38;
	[tilespmem:$0x18100] =	vst v63  }
0x1dd: {  	_ =	swait.ge [sflag:s13], $0xC000  }
0x1de: {  	[sflag:s13] =	ssyncset.done $0x0  }
0x1df: {  	s25 =	rddreg [dreg:$0x6];
	[sflag:s13] =	ssyncadd.s32 $0xFFFF4000  }
0x1e0: {  	[tilespmem:s22], [sflag:$0x2] =	stream.linear.gather [hbm4b:s25+s22], $0x40, $0x38;
	[tilespmem:$0x18100] =	vst v63  }
0x1e1: {  	_ =	swait.ge [sflag:s13], $0x40  }
0x1e2: {  	[sflag:s13] =	ssyncset.done $0x0  }
0x1e3: {  	s24 =	simm.s32 $0x80;
	s23 =	rddreg [dreg:$0x7];
	[sflag:s13] =	ssyncadd.s32 $0xFFFFFFC0  }
0x1e4: {  	[tilespmem:s24], [sflag:$0x2] =	stream.linear.gather [hbm4b:s23+s22], $0x40, $0x38;
	[tilespmem:$0x18100] =	vst v63  }
0x1e5: {  	_ =	swait.ge [sflag:s13], $0x40  }
0x1e6: {  	[sflag:s13] =	ssyncset.done $0x0  }
0x1e7: {  	[sflag:s13] =	ssyncadd.s32 $0xFFFFFFC0  }
0x1e8: {  	v3 =	vld [tilespmem:$0x0];
	_ =	sdelay $0x4  }
0x1e9: {  	v4 =	vshrl.u32 v3, $0x3  }
0x1ea: {  	v4 =	vmul.u32 $0x30, v4  }
0x1eb: {  	v3 =	vand.u32 $0x7, v3  }
0x1ec: {  	v3 =	vor.u32 v3, v4  }
0x1ed: {  	v4 =	vperm.xlane v3, v0;
	_ =	sdelay $0x1  }
0x1ee: {  	v4 =	vadd.s32 v1, v4;
	_ =	sdelay $0x3  }
0x1ef: {  	v3 =	vperm.xlane v3, v2  }
0x1f0: {  	[tilespmem:s15], [sflag:$0x1] =	stream.indirect_vreg.gather [hbm4b:s3+s22], $0x80, v4, vm0, $0xb8;
	[tilespmem:$0x18100] =	vst v63  }
0x1f1: {  	s25 =	simm.s32 $0x900;
	v3 =	vadd.s32 v1, v3  }
0x1f2: {  	[tilespmem:s25], [sflag:$0x1] =	stream.indirect_vreg.gather [hbm4b:s5+s22], $0x80, v4, vm0, $0xb8;
	[tilespmem:$0x18100] =	vst v63  }
0x1f3: {  	s23 =	simm.s32 $0x1100  }
0x1f4: {  	[tilespmem:s23], [sflag:$0x1] =	stream.indirect_vreg.gather [hbm4b:s7+s22], $0x80, v4, vm0, $0xb8;
	[tilespmem:$0x18100] =	vst v63  }
0x1f5: {  	s24 =	simm.s32 $0x1900  }
0x1f6: {  	[tilespmem:s24], [sflag:$0x1] =	stream.indirect_vreg.gather [hbm4b:s3+s22], $0x80, v3, vm0, $0xb8;
	[tilespmem:$0x18100] =	vst v63  }
0x1f7: {  	s25 =	simm.s32 $0x2100  }
0x1f8: {  	[tilespmem:s25], [sflag:$0x1] =	stream.indirect_vreg.gather [hbm4b:s5+s22], $0x80, v3, vm0, $0xb8;
	[tilespmem:$0x18100] =	vst v63  }
0x1f9: {  	s23 =	simm.s32 $0x2900  }
0x1fa: {  	[tilespmem:s23], [sflag:$0x1] =	stream.indirect_vreg.gather [hbm4b:s7+s22], $0x80, v3, vm0, $0xb8;
	[tilespmem:$0x18100] =	vst v63  }
0x1fb: {  	v3 =	vld [tilespmem:$0x10];
	_ =	sdelay $0x4  }
0x1fc: {  	v4 =	vshrl.u32 v3, $0x3  }
0x1fd: {  	v4 =	vmul.u32 $0x30, v4  }
0x1fe: {  	v3 =	vand.u32 $0x7, v3  }
0x1ff: {  	v3 =	vor.u32 v3, v4  }
0x200: {  	v4 =	vperm.xlane v3, v0;
	_ =	sdelay $0x1  }
0x201: {  	v4 =	vadd.s32 v1, v4;
	_ =	sdelay $0x3  }
0x202: {  	s24 =	simm.s32 $0x3100;
	v3 =	vperm.xlane v3, v2  }
0x203: {  	[tilespmem:s24], [sflag:$0x1] =	stream.indirect_vreg.gather [hbm4b:s3+s22], $0x80, v4, vm0, $0xb8;
	[tilespmem:$0x18100] =	vst v63  }
0x204: {  	s25 =	simm.s32 $0x3900;
	v3 =	vadd.s32 v1, v3  }
0x205: {  	[tilespmem:s25], [sflag:$0x1] =	stream.indirect_vreg.gather [hbm4b:s5+s22], $0x80, v4, vm0, $0xb8;
	[tilespmem:$0x18100] =	vst v63  }
0x206: {  	s23 =	simm.s32 $0x4100  }
0x207: {  	[tilespmem:s23], [sflag:$0x1] =	stream.indirect_vreg.gather [hbm4b:s7+s22], $0x80, v4, vm0, $0xb8;
	[tilespmem:$0x18100] =	vst v63  }
0x208: {  	s24 =	simm.s32 $0x4900  }
0x209: {  	[tilespmem:s24], [sflag:$0x1] =	stream.indirect_vreg.gather [hbm4b:s3+s22], $0x80, v3, vm0, $0xb8;
	[tilespmem:$0x18100] =	vst v63  }
0x20a: {  	s25 =	simm.s32 $0x5100  }
0x20b: {  	[tilespmem:s25], [sflag:$0x1] =	stream.indirect_vreg.gather [hbm4b:s5+s22], $0x80, v3, vm0, $0xb8;
	[tilespmem:$0x18100] =	vst v63  }
0x20c: {  	s23 =	simm.s32 $0x5900  }
0x20d: {  	[tilespmem:s23], [sflag:$0x1] =	stream.indirect_vreg.gather [hbm4b:s7+s22], $0x80, v3, vm0, $0xb8;
	[tilespmem:$0x18100] =	vst v63  }
0x20e: {  	v3 =	vld [tilespmem:$0x20];
	_ =	sdelay $0x4  }
0x20f: {  	v4 =	vshrl.u32 v3, $0x3  }
0x210: {  	v4 =	vmul.u32 $0x30, v4  }
0x211: {  	v3 =	vand.u32 $0x7, v3  }
0x212: {  	v3 =	vor.u32 v3, v4  }
0x213: {  	v4 =	vperm.xlane v3, v0;
	_ =	sdelay $0x1  }
0x214: {  	v4 =	vadd.s32 v1, v4;
	_ =	sdelay $0x3  }
0x215: {  	s24 =	simm.s32 $0x6100;
	v3 =	vperm.xlane v3, v2  }
0x216: {  	[tilespmem:s24], [sflag:$0x1] =	stream.indirect_vreg.gather [hbm4b:s3+s22], $0x80, v4, vm0, $0xb8;
	[tilespmem:$0x18100] =	vst v63  }
0x217: {  	s25 =	simm.s32 $0x6900;
	v3 =	vadd.s32 v1, v3  }
0x218: {  	[tilespmem:s25], [sflag:$0x1] =	stream.indirect_vreg.gather [hbm4b:s5+s22], $0x80, v4, vm0, $0xb8;
	[tilespmem:$0x18100] =	vst v63  }
0x219: {  	s23 =	simm.s32 $0x7100  }
0x21a: {  	[tilespmem:s23], [sflag:$0x1] =	stream.indirect_vreg.gather [hbm4b:s7+s22], $0x80, v4, vm0, $0xb8;
	[tilespmem:$0x18100] =	vst v63  }
0x21b: {  	s24 =	simm.s32 $0x7900  }
0x21c: {  	[tilespmem:s24], [sflag:$0x1] =	stream.indirect_vreg.gather [hbm4b:s3+s22], $0x80, v3, vm0, $0xb8;
	[tilespmem:$0x18100] =	vst v63  }
0x21d: {  	s25 =	simm.s32 $0x8100  }
0x21e: {  	[tilespmem:s25], [sflag:$0x1] =	stream.indirect_vreg.gather [hbm4b:s5+s22], $0x80, v3, vm0, $0xb8;
	[tilespmem:$0x18100] =	vst v63  }
0x21f: {  	s23 =	simm.s32 $0x8900  }
0x220: {  	[tilespmem:s23], [sflag:$0x1] =	stream.indirect_vreg.gather [hbm4b:s7+s22], $0x80, v3, vm0, $0xb8;
	[tilespmem:$0x18100] =	vst v63  }
0x221: {  	v3 =	vld [tilespmem:$0x30];
	_ =	sdelay $0x4  }
0x222: {  	v4 =	vshrl.u32 v3, $0x3  }
0x223: {  	v4 =	vmul.u32 $0x30, v4  }
0x224: {  	v3 =	vand.u32 $0x7, v3  }
0x225: {  	v3 =	vor.u32 v3, v4  }
0x226: {  	v4 =	vperm.xlane v3, v0;
	_ =	sdelay $0x1  }
0x227: {  	v4 =	vadd.s32 v1, v4;
	_ =	sdelay $0x3  }
0x228: {  	s24 =	simm.s32 $0x9100;
	v3 =	vperm.xlane v3, v2  }
0x229: {  	[tilespmem:s24], [sflag:$0x1] =	stream.indirect_vreg.gather [hbm4b:s3+s22], $0x80, v4, vm0, $0xb8;
	[tilespmem:$0x18100] =	vst v63  }
0x22a: {  	s25 =	simm.s32 $0x9900;
	v3 =	vadd.s32 v1, v3  }
0x22b: {  	[tilespmem:s25], [sflag:$0x1] =	stream.indirect_vreg.gather [hbm4b:s5+s22], $0x80, v4, vm0, $0xb8;
	[tilespmem:$0x18100] =	vst v63  }
0x22c: {  	s23 =	simm.s32 $0xA100  }
0x22d: {  	[tilespmem:s23], [sflag:$0x1] =	stream.indirect_vreg.gather [hbm4b:s7+s22], $0x80, v4, vm0, $0xb8;
	[tilespmem:$0x18100] =	vst v63  }
0x22e: {  	s24 =	simm.s32 $0xA900  }
0x22f: {  	[tilespmem:s24], [sflag:$0x1] =	stream.indirect_vreg.gather [hbm4b:s3+s22], $0x80, v3, vm0, $0xb8;
	[tilespmem:$0x18100] =	vst v63  }
0x230: {  	s25 =	simm.s32 $0xB100  }
0x231: {  	[tilespmem:s25], [sflag:$0x1] =	stream.indirect_vreg.gather [hbm4b:s5+s22], $0x80, v3, vm0, $0xb8;
	[tilespmem:$0x18100] =	vst v63  }
0x232: {  	s23 =	simm.s32 $0xB900  }
0x233: {  	[tilespmem:s23], [sflag:$0x1] =	stream.indirect_vreg.gather [hbm4b:s7+s22], $0x80, v3, vm0, $0xb8;
	[tilespmem:$0x18100] =	vst v63  }
0x234: {  	_ =	swait.ge [sflag:s20], $0xC000  }
0x235: {  	[sflag:s20] =	ssyncset.done $0x0  }
0x236: {  	[sflag:s20] =	ssyncadd.s32 $0xFFFF4000  }
0x237: {  	v3 =	vld [tilespmem:$0x80];
	_ =	sdelay $0x4  }
0x238: {  	v4 =	vshrl.u32 v3, $0x3  }
0x239: {  	v4 =	vmul.u32 $0x30, v4  }
0x23a: {  	v3 =	vand.u32 $0x7, v3  }
0x23b: {  	v3 =	vor.u32 v3, v4  }
0x23c: {  	v4 =	vperm.xlane v3, v0;
	_ =	sdelay $0x1  }
0x23d: {  	v4 =	vadd.s32 v1, v4;
	_ =	sdelay $0x3  }
0x23e: {  	s24 =	simm.s32 $0xC100;
	v3 =	vperm.xlane v3, v2  }
0x23f: {  	[tilespmem:s24], [sflag:$0x1] =	stream.indirect_vreg.gather [hbm4b:s3+s22], $0x80, v4, vm0, $0xb8;
	[tilespmem:$0x18100] =	vst v63  }
0x240: {  	s25 =	simm.s32 $0xC900;
	v3 =	vadd.s32 v1, v3  }
0x241: {  	[tilespmem:s25], [sflag:$0x1] =	stream.indirect_vreg.gather [hbm4b:s5+s22], $0x80, v4, vm0, $0xb8;
	[tilespmem:$0x18100] =	vst v63  }
0x242: {  	s23 =	simm.s32 $0xD100  }
0x243: {  	[tilespmem:s23], [sflag:$0x1] =	stream.indirect_vreg.gather [hbm4b:s7+s22], $0x80, v4, vm0, $0xb8;
	[tilespmem:$0x18100] =	vst v63  }
0x244: {  	s24 =	simm.s32 $0xD900  }
0x245: {  	[tilespmem:s24], [sflag:$0x1] =	stream.indirect_vreg.gather [hbm4b:s3+s22], $0x80, v3, vm0, $0xb8;
	[tilespmem:$0x18100] =	vst v63  }
0x246: {  	s25 =	simm.s32 $0xE100  }
0x247: {  	[tilespmem:s25], [sflag:$0x1] =	stream.indirect_vreg.gather [hbm4b:s5+s22], $0x80, v3, vm0, $0xb8;
	[tilespmem:$0x18100] =	vst v63  }
0x248: {  	s23 =	simm.s32 $0xE900  }
0x249: {  	[tilespmem:s23], [sflag:$0x1] =	stream.indirect_vreg.gather [hbm4b:s7+s22], $0x80, v3, vm0, $0xb8;
	[tilespmem:$0x18100] =	vst v63  }
0x24a: {  	v3 =	vld [tilespmem:$0x90];
	_ =	sdelay $0x4  }
0x24b: {  	v4 =	vshrl.u32 v3, $0x3  }
0x24c: {  	v4 =	vmul.u32 $0x30, v4  }
0x24d: {  	v3 =	vand.u32 $0x7, v3  }
0x24e: {  	v3 =	vor.u32 v3, v4  }
0x24f: {  	v4 =	vperm.xlane v3, v0;
	_ =	sdelay $0x1  }
0x250: {  	v4 =	vadd.s32 v1, v4;
	_ =	sdelay $0x3  }
0x251: {  	v3 =	vperm.xlane v3, v2  }
0x252: {  	[tilespmem:s8], [sflag:$0x1] =	stream.indirect_vreg.gather [hbm4b:s3+s22], $0x80, v4, vm0, $0xb8;
	[tilespmem:$0x18100] =	vst v63  }
0x253: {  	v3 =	vadd.s32 v1, v3  }
0x254: {  	[tilespmem:s26], [sflag:$0x1] =	stream.indirect_vreg.gather [hbm4b:s5+s22], $0x80, v4, vm0, $0xb8;
	[tilespmem:$0x18100] =	vst v63  }
0x255: {  	_ = 	snop  }
0x256: {  	[tilespmem:s9], [sflag:$0x1] =	stream.indirect_vreg.gather [hbm4b:s7+s22], $0x80, v4, vm0, $0xb8;
	[tilespmem:$0x18100] =	vst v63  }
0x257: {  	_ = 	snop  }
0x258: {  	[tilespmem:s28], [sflag:$0x1] =	stream.indirect_vreg.gather [hbm4b:s3+s22], $0x80, v3, vm0, $0xb8;
	[tilespmem:$0x18100] =	vst v63  }
0x259: {  	_ = 	snop  }
0x25a: {  	[tilespmem:s10], [sflag:$0x1] =	stream.indirect_vreg.gather [hbm4b:s5+s22], $0x80, v3, vm0, $0xb8;
	[tilespmem:$0x18100] =	vst v63  }
0x25b: {  	_ = 	snop  }
0x25c: {  	[tilespmem:s29], [sflag:$0x1] =	stream.indirect_vreg.gather [hbm4b:s7+s22], $0x80, v3, vm0, $0xb8;
	[tilespmem:$0x18100] =	vst v63  }
0x25d: {  	v3 =	vld [tilespmem:$0xA0];
	_ =	sdelay $0x4  }
0x25e: {  	v4 =	vshrl.u32 v3, $0x3  }
0x25f: {  	v4 =	vmul.u32 $0x30, v4  }
0x260: {  	v3 =	vand.u32 $0x7, v3  }
0x261: {  	v3 =	vor.u32 v3, v4  }
0x262: {  	v4 =	vperm.xlane v3, v0;
	_ =	sdelay $0x1  }
0x263: {  	v4 =	vadd.s32 v1, v4;
	_ =	sdelay $0x3  }
0x264: {  	v3 =	vperm.xlane v3, v2  }
0x265: {  	[tilespmem:s11], [sflag:$0x1] =	stream.indirect_vreg.gather [hbm4b:s3+s22], $0x80, v4, vm0, $0xb8;
	[tilespmem:$0x18100] =	vst v63  }
0x266: {  	v3 =	vadd.s32 v1, v3  }
0x267: {  	[tilespmem:s30], [sflag:$0x1] =	stream.indirect_vreg.gather [hbm4b:s5+s22], $0x80, v4, vm0, $0xb8;
	[tilespmem:$0x18100] =	vst v63  }
0x268: {  	_ = 	snop  }
0x269: {  	[tilespmem:s12], [sflag:$0x1] =	stream.indirect_vreg.gather [hbm4b:s7+s22], $0x80, v4, vm0, $0xb8;
	[tilespmem:$0x18100] =	vst v63  }
0x26a: {  	_ = 	snop  }
0x26b: {  	[tilespmem:s31], [sflag:$0x1] =	stream.indirect_vreg.gather [hbm4b:s3+s22], $0x80, v3, vm0, $0xb8;
	[tilespmem:$0x18100] =	vst v63  }
0x26c: {  	_ = 	snop  }
0x26d: {  	[tilespmem:s0], [sflag:$0x1] =	stream.indirect_vreg.gather [hbm4b:s5+s22], $0x80, v3, vm0, $0xb8;
	[tilespmem:$0x18100] =	vst v63  }
0x26e: {  	_ = 	snop  }
0x26f: {  	[tilespmem:s2], [sflag:$0x1] =	stream.indirect_vreg.gather [hbm4b:s7+s22], $0x80, v3, vm0, $0xb8;
	[tilespmem:$0x18100] =	vst v63  }
0x270: {  	v3 =	vld [tilespmem:$0xB0];
	_ =	sdelay $0x4  }
0x271: {  	v4 =	vshrl.u32 v3, $0x3  }
0x272: {  	v4 =	vmul.u32 $0x30, v4  }
0x273: {  	v3 =	vand.u32 $0x7, v3  }
0x274: {  	v3 =	vor.u32 v3, v4  }
0x275: {  	v4 =	vperm.xlane v3, v0;
	_ =	sdelay $0x1  }
0x276: {  	v4 =	vadd.s32 v1, v4;
	_ =	sdelay $0x3  }
0x277: {  	v3 =	vperm.xlane v3, v2  }
0x278: {  	[tilespmem:s14], [sflag:$0x1] =	stream.indirect_vreg.gather [hbm4b:s3+s22], $0x80, v4, vm0, $0xb8;
	[tilespmem:$0x18100] =	vst v63  }
0x279: {  	v3 =	vadd.s32 v1, v3  }
0x27a: {  	[tilespmem:s16], [sflag:$0x1] =	stream.indirect_vreg.gather [hbm4b:s5+s22], $0x80, v4, vm0, $0xb8;
	[tilespmem:$0x18100] =	vst v63  }
0x27b: {  	_ = 	snop  }
0x27c: {  	[tilespmem:s17], [sflag:$0x1] =	stream.indirect_vreg.gather [hbm4b:s7+s22], $0x80, v4, vm0, $0xb8;
	[tilespmem:$0x18100] =	vst v63  }
0x27d: {  	_ = 	snop  }
0x27e: {  	[tilespmem:s18], [sflag:$0x1] =	stream.indirect_vreg.gather [hbm4b:s3+s22], $0x80, v3, vm0, $0xb8;
	[tilespmem:$0x18100] =	vst v63  }
0x27f: {  	_ = 	snop  }
0x280: {  	[tilespmem:s4], [sflag:$0x1] =	stream.indirect_vreg.gather [hbm4b:s5+s22], $0x80, v3, vm0, $0xb8;
	[tilespmem:$0x18100] =	vst v63  }
0x281: {  	s24 =	simm.s32 $0x0  }
0x282: {  	[tilespmem:s19], [sflag:$0x1] =	stream.indirect_vreg.gather [hbm4b:s7+s22], $0x80, v3, vm0, $0xb8;
	[tilespmem:$0x18100] =	vst v63  }
0x283: {  	s6 =	smul.u32 $0x1800, s24;
	_ =	swait.ge [sflag:s20], $0xC000  }
0x284: {  	s25 =	sand.u32 $0x380, s22;
	[sflag:s20] =	ssyncset.done $0x0  }
0x285: {  	s6 =	sor.u32 s25, s6;
	[sflag:s20] =	ssyncadd.s32 $0xFFFF4000  }
0x286: {  	v3 =	vld [tilespmem:s6+$0xD570]  }
0x287: {  	v6 =	vld [tilespmem:s6+$0xC100]  }
0x288: {  	v7 =	vld [tilespmem:s6+$0xC110]  }
0x289: {  	v8 =	vld [tilespmem:s6+$0xC120]  }
0x28a: {  	v9 =	vld [tilespmem:s6+$0xC130]  }
0x28b: {  	v10 =	vld [tilespmem:s6+$0xC140]  }
0x28c: {  	v11 =	vld [tilespmem:s6+$0xC150]  }
0x28d: {  	v12 =	vld [tilespmem:s6+$0xC160]  }
0x28e: {  	v13 =	vld [tilespmem:s6+$0xC170]  }
0x28f: {  	v14 =	vld [tilespmem:s6+$0xC500]  }
0x290: {  	v15 =	vld [tilespmem:s6+$0xC510]  }
0x291: {  	v16 =	vld [tilespmem:s6+$0xC520]  }
0x292: {  	v17 =	vld [tilespmem:s6+$0xC530]  }
0x293: {  	v18 =	vld [tilespmem:s6+$0xC540]  }
0x294: {  	v19 =	vld [tilespmem:s6+$0xC550]  }
0x295: {  	v20 =	vld [tilespmem:s6+$0xC560]  }
0x296: {  	v21 =	vld [tilespmem:s6+$0xC570]  }
0x297: {  	v22 =	vld [tilespmem:s6+$0xC900]  }
0x298: {  	v23 =	vld [tilespmem:s6+$0xC910]  }
0x299: {  	v24 =	vld [tilespmem:s6+$0xC920]  }
0x29a: {  	v25 =	vld [tilespmem:s6+$0xC930]  }
0x29b: {  	v26 =	vld [tilespmem:s6+$0xC940]  }
0x29c: {  	v27 =	vld [tilespmem:s6+$0xC950]  }
0x29d: {  	v28 =	vld [tilespmem:s6+$0xC960]  }
0x29e: {  	v29 =	vld [tilespmem:s6+$0xC970]  }
0x29f: {  	v30 =	vld [tilespmem:s6+$0xCD00]  }
0x2a0: {  	v31 =	vld [tilespmem:s6+$0xCD10]  }
0x2a1: {  	v32 =	vld [tilespmem:s6+$0xCD20]  }
0x2a2: {  	v33 =	vld [tilespmem:s6+$0xCD30]  }
0x2a3: {  	v34 =	vld [tilespmem:s6+$0xCD40]  }
0x2a4: {  	v35 =	vld [tilespmem:s6+$0xCD50]  }
0x2a5: {  	v36 =	vld [tilespmem:s6+$0xCD60]  }
0x2a6: {  	v37 =	vld [tilespmem:s6+$0xCD70]  }
0x2a7: {  	v52 =	vld [tilespmem:s6+$0xD100]  }
0x2a8: {  	v53 =	vld [tilespmem:s6+$0xD110]  }
0x2a9: {  	v54 =	vld [tilespmem:s6+$0xD120]  }
0x2aa: {  	v55 =	vld [tilespmem:s6+$0xD130]  }
0x2ab: {  	v56 =	vld [tilespmem:s6+$0xD140]  }
0x2ac: {  	v57 =	vld [tilespmem:s6+$0xD150]  }
0x2ad: {  	v58 =	vld [tilespmem:s6+$0xD160]  }
0x2ae: {  	v59 =	vld [tilespmem:s6+$0xD170]  }
0x2af: {  	v60 =	vld [tilespmem:s6+$0xD500]  }
0x2b0: {  	v61 =	vld [tilespmem:s6+$0xD510]  }
0x2b1: {  	v62 =	vld [tilespmem:s6+$0xD520]  }
0x2b2: {  	v63 =	vld [tilespmem:s6+$0xD530]  }
0x2b3: {  	v5 =	vld [tilespmem:s6+$0xD540]  }
0x2b4: {  	v4 =	vld [tilespmem:s6+$0xD550]  }
0x2b5: {  	[tilespmem:s6+$0x1570] =	vst.add.f32.msk $0xffff, v3  }
0x2b6: {  	v3 =	vld [tilespmem:s6+$0xD560]  }
0x2b7: {  	[tilespmem:s6+$0x100] =	vst.add.f32.msk $0xffff, v6  }
0x2b8: {  	[tilespmem:s6+$0x110] =	vst.add.f32.msk $0xffff, v7  }
0x2b9: {  	[tilespmem:s6+$0x120] =	vst.add.f32.msk $0xffff, v8  }
0x2ba: {  	[tilespmem:s6+$0x130] =	vst.add.f32.msk $0xffff, v9  }
0x2bb: {  	[tilespmem:s6+$0x140] =	vst.add.f32.msk $0xffff, v10  }
0x2bc: {  	[tilespmem:s6+$0x150] =	vst.add.f32.msk $0xffff, v11  }
0x2bd: {  	[tilespmem:s6+$0x160] =	vst.add.f32.msk $0xffff, v12  }
0x2be: {  	[tilespmem:s6+$0x170] =	vst.add.f32.msk $0xffff, v13  }
0x2bf: {  	[tilespmem:s6+$0x500] =	vst.add.f32.msk $0xffff, v14  }
0x2c0: {  	[tilespmem:s6+$0x510] =	vst.add.f32.msk $0xffff, v15  }
0x2c1: {  	[tilespmem:s6+$0x520] =	vst.add.f32.msk $0xffff, v16  }
0x2c2: {  	[tilespmem:s6+$0x530] =	vst.add.f32.msk $0xffff, v17  }
0x2c3: {  	[tilespmem:s6+$0x540] =	vst.add.f32.msk $0xffff, v18  }
0x2c4: {  	[tilespmem:s6+$0x550] =	vst.add.f32.msk $0xffff, v19  }
0x2c5: {  	[tilespmem:s6+$0x560] =	vst.add.f32.msk $0xffff, v20  }
0x2c6: {  	[tilespmem:s6+$0x570] =	vst.add.f32.msk $0xffff, v21  }
0x2c7: {  	[tilespmem:s6+$0x900] =	vst.add.f32.msk $0xffff, v22  }
0x2c8: {  	[tilespmem:s6+$0x910] =	vst.add.f32.msk $0xffff, v23  }
0x2c9: {  	[tilespmem:s6+$0x920] =	vst.add.f32.msk $0xffff, v24  }
0x2ca: {  	[tilespmem:s6+$0x930] =	vst.add.f32.msk $0xffff, v25  }
0x2cb: {  	[tilespmem:s6+$0x940] =	vst.add.f32.msk $0xffff, v26  }
0x2cc: {  	[tilespmem:s6+$0x950] =	vst.add.f32.msk $0xffff, v27  }
0x2cd: {  	[tilespmem:s6+$0x960] =	vst.add.f32.msk $0xffff, v28  }
0x2ce: {  	[tilespmem:s6+$0x970] =	vst.add.f32.msk $0xffff, v29  }
0x2cf: {  	[tilespmem:s6+$0xD00] =	vst.add.f32.msk $0xffff, v30  }
0x2d0: {  	[tilespmem:s6+$0xD10] =	vst.add.f32.msk $0xffff, v31  }
0x2d1: {  	[tilespmem:s6+$0xD20] =	vst.add.f32.msk $0xffff, v32  }
0x2d2: {  	[tilespmem:s6+$0xD30] =	vst.add.f32.msk $0xffff, v33  }
0x2d3: {  	[tilespmem:s6+$0xD40] =	vst.add.f32.msk $0xffff, v34  }
0x2d4: {  	[tilespmem:s6+$0xD50] =	vst.add.f32.msk $0xffff, v35  }
0x2d5: {  	[tilespmem:s6+$0xD60] =	vst.add.f32.msk $0xffff, v36  }
0x2d6: {  	[tilespmem:s6+$0xD70] =	vst.add.f32.msk $0xffff, v37  }
0x2d7: {  	[tilespmem:s6+$0x1100] =	vst.add.f32.msk $0xffff, v52  }
0x2d8: {  	[tilespmem:s6+$0x1110] =	vst.add.f32.msk $0xffff, v53  }
0x2d9: {  	[tilespmem:s6+$0x1120] =	vst.add.f32.msk $0xffff, v54  }
0x2da: {  	[tilespmem:s6+$0x1130] =	vst.add.f32.msk $0xffff, v55  }
0x2db: {  	[tilespmem:s6+$0x1140] =	vst.add.f32.msk $0xffff, v56  }
0x2dc: {  	[tilespmem:s6+$0x1150] =	vst.add.f32.msk $0xffff, v57  }
0x2dd: {  	[tilespmem:s6+$0x1160] =	vst.add.f32.msk $0xffff, v58  }
0x2de: {  	[tilespmem:s6+$0x1170] =	vst.add.f32.msk $0xffff, v59  }
0x2df: {  	[tilespmem:s6+$0x1500] =	vst.add.f32.msk $0xffff, v60  }
0x2e0: {  	[tilespmem:s6+$0x1510] =	vst.add.f32.msk $0xffff, v61  }
0x2e1: {  	[tilespmem:s6+$0x1520] =	vst.add.f32.msk $0xffff, v62  }
0x2e2: {  	s24 =	simm.s32 $0x0;
	s23 =	simm.s32 $0x2;
	[tilespmem:s6+$0x1530] =	vst.add.f32.msk $0xffff, v63  }
.LBB2_4:
0x2e3: {  	p0 =	sne.s32 s23, $0x3F;
	s24 =	smul.u32 $0x1800, s24;
	[tilespmem:s6+$0x1540] =	vst.add.f32.msk $0xffff, v5;
	s22 =	sadd.s32 $0x80, s22  }
0x2e4: {  	s25 =	sand.u32 $0x380, s22;
	[tilespmem:s6+$0x1550] =	vst.add.f32.msk $0xffff, v4  }
0x2e5: {  	[tilespmem:s6+$0x1560] =	vst.add.f32.msk $0xffff, v3;
	s6 =	sor.u32 s25, s24  }
0x2e6: {  	v3 =	vld [tilespmem:s6+$0xD570]  }
0x2e7: {  	v6 =	vld [tilespmem:s6+$0xC100]  }
0x2e8: {  	v7 =	vld [tilespmem:s6+$0xC110]  }
0x2e9: {  	v8 =	vld [tilespmem:s6+$0xC120]  }
0x2ea: {  	v9 =	vld [tilespmem:s6+$0xC130]  }
0x2eb: {  	[tilespmem:s6+$0x1570] =	vst.add.f32.msk $0xffff, v3  }
0x2ec: {  	v10 =	vld [tilespmem:s6+$0xC140]  }
0x2ed: {  	v11 =	vld [tilespmem:s6+$0xC150]  }
0x2ee: {  	v12 =	vld [tilespmem:s6+$0xC160]  }
0x2ef: {  	v13 =	vld [tilespmem:s6+$0xC170]  }
0x2f0: {  	v14 =	vld [tilespmem:s6+$0xC500]  }
0x2f1: {  	v15 =	vld [tilespmem:s6+$0xC510]  }
0x2f2: {  	v16 =	vld [tilespmem:s6+$0xC520]  }
0x2f3: {  	v17 =	vld [tilespmem:s6+$0xC530]  }
0x2f4: {  	v18 =	vld [tilespmem:s6+$0xC540]  }
0x2f5: {  	v19 =	vld [tilespmem:s6+$0xC550]  }
0x2f6: {  	v20 =	vld [tilespmem:s6+$0xC560]  }
0x2f7: {  	v21 =	vld [tilespmem:s6+$0xC570]  }
0x2f8: {  	v22 =	vld [tilespmem:s6+$0xC900]  }
0x2f9: {  	v23 =	vld [tilespmem:s6+$0xC910]  }
0x2fa: {  	v24 =	vld [tilespmem:s6+$0xC920]  }
0x2fb: {  	v25 =	vld [tilespmem:s6+$0xC930]  }
0x2fc: {  	v26 =	vld [tilespmem:s6+$0xC940]  }
0x2fd: {  	v27 =	vld [tilespmem:s6+$0xC950]  }
0x2fe: {  	v28 =	vld [tilespmem:s6+$0xC960]  }
0x2ff: {  	v29 =	vld [tilespmem:s6+$0xC970]  }
0x300: {  	v30 =	vld [tilespmem:s6+$0xCD00]  }
0x301: {  	v31 =	vld [tilespmem:s6+$0xCD10]  }
0x302: {  	v32 =	vld [tilespmem:s6+$0xCD20]  }
0x303: {  	v33 =	vld [tilespmem:s6+$0xCD30]  }
0x304: {  	v34 =	vld [tilespmem:s6+$0xCD40]  }
0x305: {  	v35 =	vld [tilespmem:s6+$0xCD50]  }
0x306: {  	v36 =	vld [tilespmem:s6+$0xCD60]  }
0x307: {  	v37 =	vld [tilespmem:s6+$0xCD70]  }
0x308: {  	v38 =	vld [tilespmem:s6+$0xD100]  }
0x309: {  	v39 =	vld [tilespmem:s6+$0xD110]  }
0x30a: {  	v40 =	vld [tilespmem:s6+$0xD120]  }
0x30b: {  	v41 =	vld [tilespmem:s6+$0xD130]  }
0x30c: {  	v42 =	vld [tilespmem:s6+$0xD140]  }
0x30d: {  	v43 =	vld [tilespmem:s6+$0xD150]  }
0x30e: {  	v44 =	vld [tilespmem:s6+$0xD160]  }
0x30f: {  	v45 =	vld [tilespmem:s6+$0xD170]  }
0x310: {  	v46 =	vld [tilespmem:s6+$0xD500]  }
0x311: {  	v47 =	vld [tilespmem:s6+$0xD510]  }
0x312: {  	v48 =	vld [tilespmem:s6+$0xD520]  }
0x313: {  	v49 =	vld [tilespmem:s6+$0xD530]  }
0x314: {  	v5 =	vld [tilespmem:s6+$0xD540]  }
0x315: {  	v4 =	vld [tilespmem:s6+$0xD550]  }
0x316: {  	v3 =	vld [tilespmem:s6+$0xD560]  }
0x317: {  	[tilespmem:s6+$0x100] =	vst.add.f32.msk $0xffff, v6  }
0x318: {  	[tilespmem:s6+$0x110] =	vst.add.f32.msk $0xffff, v7  }
0x319: {  	[tilespmem:s6+$0x120] =	vst.add.f32.msk $0xffff, v8  }
0x31a: {  	[tilespmem:s6+$0x130] =	vst.add.f32.msk $0xffff, v9  }
0x31b: {  	[tilespmem:s6+$0x140] =	vst.add.f32.msk $0xffff, v10  }
0x31c: {  	[tilespmem:s6+$0x150] =	vst.add.f32.msk $0xffff, v11  }
0x31d: {  	[tilespmem:s6+$0x160] =	vst.add.f32.msk $0xffff, v12  }
0x31e: {  	[tilespmem:s6+$0x170] =	vst.add.f32.msk $0xffff, v13  }
0x31f: {  	[tilespmem:s6+$0x500] =	vst.add.f32.msk $0xffff, v14  }
0x320: {  	[tilespmem:s6+$0x510] =	vst.add.f32.msk $0xffff, v15  }
0x321: {  	[tilespmem:s6+$0x520] =	vst.add.f32.msk $0xffff, v16  }
0x322: {  	[tilespmem:s6+$0x530] =	vst.add.f32.msk $0xffff, v17  }
0x323: {  	[tilespmem:s6+$0x540] =	vst.add.f32.msk $0xffff, v18  }
0x324: {  	[tilespmem:s6+$0x550] =	vst.add.f32.msk $0xffff, v19  }
0x325: {  	[tilespmem:s6+$0x560] =	vst.add.f32.msk $0xffff, v20  }
0x326: {  	[tilespmem:s6+$0x570] =	vst.add.f32.msk $0xffff, v21  }
0x327: {  	[tilespmem:s6+$0x900] =	vst.add.f32.msk $0xffff, v22  }
0x328: {  	[tilespmem:s6+$0x910] =	vst.add.f32.msk $0xffff, v23  }
0x329: {  	[tilespmem:s6+$0x920] =	vst.add.f32.msk $0xffff, v24  }
0x32a: {  	[tilespmem:s6+$0x930] =	vst.add.f32.msk $0xffff, v25  }
0x32b: {  	[tilespmem:s6+$0x940] =	vst.add.f32.msk $0xffff, v26  }
0x32c: {  	[tilespmem:s6+$0x950] =	vst.add.f32.msk $0xffff, v27  }
0x32d: {  	[tilespmem:s6+$0x960] =	vst.add.f32.msk $0xffff, v28  }
0x32e: {  	[tilespmem:s6+$0x970] =	vst.add.f32.msk $0xffff, v29  }
0x32f: {  	[tilespmem:s6+$0xD00] =	vst.add.f32.msk $0xffff, v30  }
0x330: {  	[tilespmem:s6+$0xD10] =	vst.add.f32.msk $0xffff, v31  }
0x331: {  	[tilespmem:s6+$0xD20] =	vst.add.f32.msk $0xffff, v32  }
0x332: {  	[tilespmem:s6+$0xD30] =	vst.add.f32.msk $0xffff, v33  }
0x333: {  	[tilespmem:s6+$0xD40] =	vst.add.f32.msk $0xffff, v34  }
0x334: {  	[tilespmem:s6+$0xD50] =	vst.add.f32.msk $0xffff, v35  }
0x335: {  	[tilespmem:s6+$0xD60] =	vst.add.f32.msk $0xffff, v36  }
0x336: {  	[tilespmem:s6+$0xD70] =	vst.add.f32.msk $0xffff, v37  }
0x337: {  	[tilespmem:s6+$0x1100] =	vst.add.f32.msk $0xffff, v38  }
0x338: {  	[tilespmem:s6+$0x1110] =	vst.add.f32.msk $0xffff, v39  }
0x339: {  	[tilespmem:s6+$0x1120] =	vst.add.f32.msk $0xffff, v40  }
0x33a: {  	[tilespmem:s6+$0x1130] =	vst.add.f32.msk $0xffff, v41  }
0x33b: {  	[tilespmem:s6+$0x1140] =	vst.add.f32.msk $0xffff, v42  }
0x33c: {  	[tilespmem:s6+$0x1150] =	vst.add.f32.msk $0xffff, v43  }
0x33d: {  	[tilespmem:s6+$0x1160] =	vst.add.f32.msk $0xffff, v44  }
.Ltmp1:
0x33e: {  	[tilespmem:s6+$0x1170] =	vst.add.f32.msk $0xffff, v45;
	(pc) =	sbr.rel @p0 .LBB2_4-.Ltmp1, $4  }
0x33f: {  	[tilespmem:s6+$0x1500] =	vst.add.f32.msk $0xffff, v46  }
0x340: {  	[tilespmem:s6+$0x1510] =	vst.add.f32.msk $0xffff, v47  }
0x341: {  	[tilespmem:s6+$0x1520] =	vst.add.f32.msk $0xffff, v48  }
0x342: {  	s24 =	sshrl.u32 s23, $0x3;
	s23 =	sadd.s32 $0x1, s23;
	[tilespmem:s6+$0x1530] =	vst.add.f32.msk $0xffff, v49  }
0x343: {  	s23 =	smul.u32 $0x1800, s24;
	[tilespmem:s6+$0x1540] =	vst.add.f32.msk $0xffff, v5;
	s22 =	sadd.s32 $0x80, s22  }
0x344: {  	[tilespmem:s6+$0x1550] =	vst.add.f32.msk $0xffff, v4;
	s22 =	sand.u32 $0x380, s22  }
0x345: {  	[tilespmem:s6+$0x1560] =	vst.add.f32.msk $0xffff, v3;
	s22 =	sor.u32 s22, s23  }
0x346: {  	v3 =	vld [tilespmem:s22+$0xD570]  }
0x347: {  	v4 =	vld [tilespmem:s22+$0xC100]  }
0x348: {  	v5 =	vld [tilespmem:s22+$0xC110]  }
0x349: {  	v6 =	vld [tilespmem:s22+$0xC120]  }
0x34a: {  	v7 =	vld [tilespmem:s22+$0xC130]  }
0x34b: {  	v8 =	vld [tilespmem:s22+$0xC150]  }
0x34c: {  	v9 =	vld [tilespmem:s22+$0xC160]  }
0x34d: {  	v10 =	vld [tilespmem:s22+$0xC170]  }
0x34e: {  	v11 =	vld [tilespmem:s22+$0xC500]  }
0x34f: {  	v12 =	vld [tilespmem:s22+$0xC510]  }
0x350: {  	v13 =	vld [tilespmem:s22+$0xC520]  }
0x351: {  	v14 =	vld [tilespmem:s22+$0xC530]  }
0x352: {  	v15 =	vld [tilespmem:s22+$0xC540]  }
0x353: {  	v16 =	vld [tilespmem:s22+$0xC550]  }
0x354: {  	v17 =	vld [tilespmem:s22+$0xC560]  }
0x355: {  	v18 =	vld [tilespmem:s22+$0xC570]  }
0x356: {  	v19 =	vld [tilespmem:s22+$0xC900]  }
0x357: {  	v20 =	vld [tilespmem:s22+$0xC910]  }
0x358: {  	v21 =	vld [tilespmem:s22+$0xC920]  }
0x359: {  	v22 =	vld [tilespmem:s22+$0xC930]  }
0x35a: {  	v23 =	vld [tilespmem:s22+$0xC940]  }
0x35b: {  	v24 =	vld [tilespmem:s22+$0xC950]  }
0x35c: {  	v25 =	vld [tilespmem:s22+$0xC960]  }
0x35d: {  	v26 =	vld [tilespmem:s22+$0xC970]  }
0x35e: {  	v27 =	vld [tilespmem:s22+$0xCD00]  }
0x35f: {  	v28 =	vld [tilespmem:s22+$0xCD10]  }
0x360: {  	v29 =	vld [tilespmem:s22+$0xCD20]  }
0x361: {  	v30 =	vld [tilespmem:s22+$0xCD30]  }
0x362: {  	v31 =	vld [tilespmem:s22+$0xCD40]  }
0x363: {  	v32 =	vld [tilespmem:s22+$0xCD50]  }
0x364: {  	v33 =	vld [tilespmem:s22+$0xCD60]  }
0x365: {  	v34 =	vld [tilespmem:s22+$0xCD70]  }
0x366: {  	v35 =	vld [tilespmem:s22+$0xD100]  }
0x367: {  	v36 =	vld [tilespmem:s22+$0xD110]  }
0x368: {  	v37 =	vld [tilespmem:s22+$0xD120]  }
0x369: {  	v38 =	vld [tilespmem:s22+$0xD130]  }
0x36a: {  	v39 =	vld [tilespmem:s22+$0xD140]  }
0x36b: {  	v40 =	vld [tilespmem:s22+$0xD150]  }
0x36c: {  	v41 =	vld [tilespmem:s22+$0xD160]  }
0x36d: {  	v42 =	vld [tilespmem:s22+$0xD170]  }
0x36e: {  	v43 =	vld [tilespmem:s22+$0xD500]  }
0x36f: {  	v44 =	vld [tilespmem:s22+$0xD510]  }
0x370: {  	v45 =	vld [tilespmem:s22+$0xD520]  }
0x371: {  	v46 =	vld [tilespmem:s22+$0xD530]  }
0x372: {  	v47 =	vld [tilespmem:s22+$0xD540]  }
0x373: {  	v48 =	vld [tilespmem:s22+$0xD550]  }
0x374: {  	v49 =	vld [tilespmem:s22+$0xD560]  }
0x375: {  	[tilespmem:s22+$0x1570] =	vst.add.f32.msk $0xffff, v3  }
0x376: {  	v3 =	vld [tilespmem:s22+$0xC140]  }
0x377: {  	[tilespmem:s22+$0x100] =	vst.add.f32.msk $0xffff, v4  }
0x378: {  	[tilespmem:s22+$0x110] =	vst.add.f32.msk $0xffff, v5  }
0x379: {  	[tilespmem:s22+$0x120] =	vst.add.f32.msk $0xffff, v6  }
0x37a: {  	[tilespmem:s22+$0x130] =	vst.add.f32.msk $0xffff, v7  }
0x37b: {  	[tilespmem:s22+$0x150] =	vst.add.f32.msk $0xffff, v8  }
0x37c: {  	[tilespmem:s22+$0x160] =	vst.add.f32.msk $0xffff, v9  }
0x37d: {  	[tilespmem:s22+$0x170] =	vst.add.f32.msk $0xffff, v10  }
0x37e: {  	[tilespmem:s22+$0x500] =	vst.add.f32.msk $0xffff, v11  }
0x37f: {  	[tilespmem:s22+$0x510] =	vst.add.f32.msk $0xffff, v12  }
0x380: {  	[tilespmem:s22+$0x520] =	vst.add.f32.msk $0xffff, v13  }
0x381: {  	[tilespmem:s22+$0x530] =	vst.add.f32.msk $0xffff, v14  }
0x382: {  	[tilespmem:s22+$0x540] =	vst.add.f32.msk $0xffff, v15  }
0x383: {  	[tilespmem:s22+$0x550] =	vst.add.f32.msk $0xffff, v16  }
0x384: {  	[tilespmem:s22+$0x560] =	vst.add.f32.msk $0xffff, v17  }
0x385: {  	[tilespmem:s22+$0x570] =	vst.add.f32.msk $0xffff, v18  }
0x386: {  	[tilespmem:s22+$0x900] =	vst.add.f32.msk $0xffff, v19  }
0x387: {  	[tilespmem:s22+$0x910] =	vst.add.f32.msk $0xffff, v20  }
0x388: {  	[tilespmem:s22+$0x920] =	vst.add.f32.msk $0xffff, v21  }
0x389: {  	[tilespmem:s22+$0x930] =	vst.add.f32.msk $0xffff, v22  }
0x38a: {  	[tilespmem:s22+$0x940] =	vst.add.f32.msk $0xffff, v23  }
0x38b: {  	[tilespmem:s22+$0x950] =	vst.add.f32.msk $0xffff, v24  }
0x38c: {  	[tilespmem:s22+$0x960] =	vst.add.f32.msk $0xffff, v25  }
0x38d: {  	[tilespmem:s22+$0x970] =	vst.add.f32.msk $0xffff, v26  }
0x38e: {  	[tilespmem:s22+$0xD00] =	vst.add.f32.msk $0xffff, v27  }
0x38f: {  	[tilespmem:s22+$0xD10] =	vst.add.f32.msk $0xffff, v28  }
0x390: {  	[tilespmem:s22+$0xD20] =	vst.add.f32.msk $0xffff, v29  }
0x391: {  	[tilespmem:s22+$0xD30] =	vst.add.f32.msk $0xffff, v30  }
0x392: {  	[tilespmem:s22+$0xD40] =	vst.add.f32.msk $0xffff, v31  }
0x393: {  	[tilespmem:s22+$0xD50] =	vst.add.f32.msk $0xffff, v32  }
0x394: {  	[tilespmem:s22+$0xD60] =	vst.add.f32.msk $0xffff, v33  }
0x395: {  	[tilespmem:s22+$0xD70] =	vst.add.f32.msk $0xffff, v34  }
0x396: {  	[tilespmem:s22+$0x1100] =	vst.add.f32.msk $0xffff, v35  }
0x397: {  	[tilespmem:s22+$0x1110] =	vst.add.f32.msk $0xffff, v36  }
0x398: {  	[tilespmem:s22+$0x1120] =	vst.add.f32.msk $0xffff, v37  }
0x399: {  	[tilespmem:s22+$0x1130] =	vst.add.f32.msk $0xffff, v38  }
0x39a: {  	[tilespmem:s22+$0x1140] =	vst.add.f32.msk $0xffff, v39  }
0x39b: {  	[tilespmem:s22+$0x1150] =	vst.add.f32.msk $0xffff, v40  }
0x39c: {  	[tilespmem:s22+$0x1160] =	vst.add.f32.msk $0xffff, v41  }
0x39d: {  	[tilespmem:s22+$0x1170] =	vst.add.f32.msk $0xffff, v42  }
0x39e: {  	[tilespmem:s22+$0x1500] =	vst.add.f32.msk $0xffff, v43  }
0x39f: {  	[tilespmem:s22+$0x1510] =	vst.add.f32.msk $0xffff, v44  }
0x3a0: {  	[tilespmem:s22+$0x1520] =	vst.add.f32.msk $0xffff, v45  }
0x3a1: {  	[tilespmem:s22+$0x1530] =	vst.add.f32.msk $0xffff, v46  }
0x3a2: {  	[tilespmem:s22+$0x1540] =	vst.add.f32.msk $0xffff, v47  }
0x3a3: {  	[tilespmem:s22+$0x1550] =	vst.add.f32.msk $0xffff, v48  }
0x3a4: {  	[tilespmem:s22+$0x1560] =	vst.add.f32.msk $0xffff, v49  }
0x3a5: {  	s24 =	rddreg [dreg:$0x8];
	[tilespmem:s22+$0x140] =	vst.add.f32.msk $0xffff, v3  }
0x3a6: {  	[hbm4b:s24+s1] =	stream.linear.scatter [tilespmem:s15], [sflag:$0x2], $0xC000, $0x38;
	[tilespmem:$0x18100] =	vst v63  }
0x3a7: {  	_ =	swait.ge [sflag:s13], $0xC000  }
0x3a8: {  	s21 =	sadd.s32 $0x1, s21;
	s25 =	rddreg [dreg:$0x9]  }
0x3a9: {  	p0 =	sne.s32 s21, s25  }
.Ltmp2:
0x3aa: {  	_ = 	snop;
	(pc) =	sbr.rel @p0 .LBB2_1-.Ltmp2, $3  }
0x3ab: {  	_ =	sdelay $0x1  }
0x3ac: {  	[sflag:s13] =	ssyncset.done $0x0  }
0x3ad: {  	[sflag:s13] =	ssyncadd.s32 $0xFFFF4000  }
0x3ae: {  	_ =	sfence.sel $0x180000  }
0x3af: {  	[bflag:$0x0] =	sbarrier.arrive $0xFFFF  }
0x3b0: {  	_ =	strace $0x9000004A  }
0x3b1: {  	s0 =	stileid.u32;
	[bflag:$0x2] =	sbarrier.arrive $0xFFFF  }
0x3b2: {  	p0 =	sne.s32 s0, $0x0;
	s0 =	rddreg [dreg:$0x2]  }
0x3b3: {  	s0 =	sadd.s32 @!p0 $0x100000, s0  }
0x3b4: {  	[sflag:s0] =	ssyncadd.tile.s32 @!p0 $0x1;
	_ =	shalt  }
.Lfunc_end2:
_tile_overlayer_lowered:
.L_overlay_start_2:
0x3b5: {  	(tag) =	ssettag $0x2  }
0x3b6: {  	s0 =	rddreg [dreg:$0x0];
	s2 =	stileid.u32  }
0x3b7: {  	s1 =	rddreg [dreg:$0x1];
	p0 =	sne.s32 s2, $0x0  }
0x3b8: {  	s3 =	rddreg [dreg:$0x2];
	[bflag:$0x3] =	sbarrier.arrive $0xFFFF;
	s2 =	simm.s32 @!p0 $0x1C02  }
0x3b9: {  	[timem:s3], [sflag:s2] =	dma.local @!p0 [hbm:s0], s1  }
0x3ba: {  	s0 =	simm.s32 @!p0 $0x2  }
0x3bb: {  	_ =	swait.ge @!p0 [sflag:s0], s1  }
0x3bc: {  	s1 =	ssub.s32 @!p0 $0x0, s1;
	[sflag:s0] =	ssyncset.done @!p0 $0x0  }
0x3bd: {  	[sflag:s0] =	ssyncadd.s32 @!p0 s1  }
0x3be: {  	[bflag:$0x3] =	sbarrier.arrive $0xFFFF  }
0x3bf: {  	_ =	shalt  }

</sc_bundles>
